<compile_context>
chip_gen: v7x
topology: tpu7x:2x2x1
jax: 0.10.2.dev20260603
libtpu: 0.0.44.dev20260713+nightly
codegen_flags: <defaults>
</compile_context>

<pallas_src>
import functools

import jax
import jax.numpy as jnp
from jax import lax
from jax.experimental import pallas as pl
from jax.experimental.pallas import tpu as pltpu
from jax.experimental.pallas import tpu_sc as plsc

N, E, D = 10000, 160000, 256
DH = D // 2
NC, NS = 2, 16
L = 16
NPAD = 10240
EC = 128
NCHUNK = 1280
EP = (NCHUNK + NS) * EC
KT1 = NCHUNK // (NC * NS)
KT3 = NCHUNK // NS

mesh = plsc.VectorSubcoreMesh(core_axis_name="c", subcore_axis_name="s")


@functools.partial(
    pl.kernel,
    out_type=jax.ShapeDtypeStruct((NC, NPAD, 128), jnp.float32),
    mesh=mesh,
    scratch_types=[
        pltpu.VMEM((EC,), jnp.int32),
        pltpu.VMEM((EC,), jnp.int32),
        pltpu.VMEM((EC, 128), jnp.float32),
        pltpu.VMEM((128, 128), jnp.float32),
        pltpu.VMEM_SHARED((NPAD, 128), jnp.float32),
        pltpu.SemaphoreType.DMA,
        pltpu.SemaphoreType.DMA,
        pltpu.SemaphoreType.DMA,
    ],
)
def _deg_kernel(dst_hbm, out_hbm, idxA_v, idxB_v, ones_v, buf_v, hist_s,
                isem, ssemA, ssemB):
    cidx = lax.axis_index("c")
    sidx = lax.axis_index("s")
    wid = cidx * NS + sidx

    def fill(i, _):
        ones_v[i // 8, pl.ds((i % 8) * L, L)] = jnp.full((L,), 1.0, jnp.float32)
        return 0
    lax.fori_loop(0, EC * 8, fill, 0)

    def zfill(i, _):
        buf_v[i // 8, pl.ds((i % 8) * L, L)] = jnp.zeros((L,), jnp.float32)
        return 0
    lax.fori_loop(0, 128 * 8, zfill, 0)
    for j in range(5):
        pltpu.sync_copy(buf_v, hist_s.at[pl.ds(sidx * 640 + j * 128, 128)])
    plsc.subcore_barrier()

    c0 = wid * EC
    pltpu.async_copy(dst_hbm.at[pl.ds(c0, EC)], idxA_v, isem).wait()
    pltpu.async_copy(ones_v, hist_s.at[idxA_v], ssemA, add=True)

    def body(k, _):
        for h, (idx_c, ssem_c, idx_o, ssem_o) in enumerate(
            ((idxB_v, ssemB, idxA_v, ssemA), (idxA_v, ssemA, idxB_v, ssemB))):
            c = (wid + (NC * NS) * (2 * k + 1 + h)) * EC
            pltpu.async_copy(dst_hbm.at[pl.ds(c, EC)], idx_c, isem).wait()
            pltpu.async_copy(ones_v, hist_s.at[idx_c], ssem_c, add=True)
            pltpu.make_async_copy(ones_v, hist_s.at[idx_o], ssem_o).wait()
        return 0
    lax.fori_loop(0, (KT1 - 1) // 2, body, 0)
    cl = (wid + (NC * NS) * (KT1 - 1)) * EC
    pltpu.async_copy(dst_hbm.at[pl.ds(cl, EC)], idxB_v, isem).wait()
    pltpu.async_copy(ones_v, hist_s.at[idxB_v], ssemB, add=True)
    pltpu.make_async_copy(ones_v, hist_s.at[idxA_v], ssemA).wait()
    pltpu.make_async_copy(ones_v, hist_s.at[idxB_v], ssemB).wait()
    plsc.subcore_barrier()

    for j in range(5):
        pltpu.sync_copy(hist_s.at[pl.ds(sidx * 640 + j * 128, 128)], buf_v)
        pltpu.sync_copy(buf_v, out_hbm.at[cidx, pl.ds(sidx * 640 + j * 128, 128)])


def _scale_body(hist_ref, x_ref, xs_ref, dinv_ref):
    deg = hist_ref[0, :, 0:1] + hist_ref[1, :, 0:1]
    di = jnp.where(deg > 0, lax.rsqrt(deg), 0.0)
    xs = x_ref[...] * di
    xs_ref[0] = xs[:, :DH]
    xs_ref[1] = xs[:, DH:]
    dinv_ref[...] = di


def _scale(hist, x):
    return pl.pallas_call(
        _scale_body,
        grid=(NPAD // 256,),
        in_specs=[
            pl.BlockSpec((NC, 256, 128), lambda b: (0, b, 0)),
            pl.BlockSpec((256, D), lambda b: (b, 0)),
        ],
        out_specs=[
            pl.BlockSpec((NC, 256, DH), lambda b: (0, b, 0)),
            pl.BlockSpec((256, 1), lambda b: (b, 0)),
        ],
        out_shape=[
            jax.ShapeDtypeStruct((NC, N, DH), jnp.float32),
            jax.ShapeDtypeStruct((NPAD, 1), jnp.float32),
        ],
    )(hist, x)


@functools.partial(
    pl.kernel,
    out_type=jax.ShapeDtypeStruct((NC, NPAD, DH), jnp.float32),
    mesh=mesh,
    scratch_types=[
        pltpu.VMEM((2, EC), jnp.int32),
        pltpu.VMEM((EC, DH), jnp.float32),
        pltpu.VMEM((2, EC), jnp.int32),
        pltpu.VMEM((EC, DH), jnp.float32),
        pltpu.VMEM_SHARED((NPAD, DH), jnp.float32),
        pltpu.SemaphoreType.DMA,
        pltpu.SemaphoreType.DMA,
        pltpu.SemaphoreType.DMA,
        pltpu.SemaphoreType.DMA,
        pltpu.SemaphoreType.DMA,
    ],
)
def _agg_kernel(ed_hbm, xs_hbm, out_hbm,
                idxA, rowsA, idxB, rowsB, acc_s,
                gsemA, gsemB, isem1, ssemA, ssemB):
    cidx = lax.axis_index("c")
    sidx = lax.axis_index("s")

    def zfill(i, _):
        rowsA[i // 8, pl.ds((i % 8) * L, L)] = jnp.zeros((L,), jnp.float32)
        return 0
    lax.fori_loop(0, EC * 8, zfill, 0)
    for j in range(5):
        pltpu.sync_copy(rowsA, acc_s.at[pl.ds(sidx * 640 + j * EC, EC)])
    plsc.subcore_barrier()

    bufA = (idxA, rowsA, gsemA, ssemA)
    bufB = (idxB, rowsB, gsemB, ssemB)

    def _load_idx(t, idx_v):
        pltpu.async_copy(ed_hbm.at[sidx + NS * t], idx_v, isem1).wait()

    H = EC // 2

    def _fire_gather(idx_v, rows_v, gsem):
        pltpu.async_copy(xs_hbm.at[cidx].at[idx_v.at[0, pl.ds(0, H)]],
                         rows_v.at[pl.ds(0, H)], gsem)
        pltpu.async_copy(xs_hbm.at[cidx].at[idx_v.at[0, pl.ds(H, H)]],
                         rows_v.at[pl.ds(H, H)], gsem)

    def _wait_gather(idx_v, rows_v, gsem):
        pltpu.make_async_copy(xs_hbm.at[cidx].at[idx_v.at[0, pl.ds(0, H)]],
                              rows_v.at[pl.ds(0, H)], gsem).wait()
        pltpu.make_async_copy(xs_hbm.at[cidx].at[idx_v.at[0, pl.ds(H, H)]],
                              rows_v.at[pl.ds(H, H)], gsem).wait()

    def _fire_scatter(idx_v, rows_v, ssem):
        pltpu.async_copy(rows_v.at[pl.ds(0, H)],
                         acc_s.at[idx_v.at[1, pl.ds(0, H)]], ssem, add=True)
        pltpu.async_copy(rows_v.at[pl.ds(H, H)],
                         acc_s.at[idx_v.at[1, pl.ds(H, H)]], ssem, add=True)

    def _wait_scatter(idx_v, rows_v, ssem):
        pltpu.make_async_copy(rows_v.at[pl.ds(0, H)],
                              acc_s.at[idx_v.at[1, pl.ds(0, H)]], ssem).wait()
        pltpu.make_async_copy(rows_v.at[pl.ds(H, H)],
                              acc_s.at[idx_v.at[1, pl.ds(H, H)]], ssem).wait()

    _load_idx(0, idxA)
    _fire_gather(idxA, rowsA, gsemA)
    _load_idx(1, idxB)
    _fire_gather(idxB, rowsB, gsemB)
    _wait_gather(idxA, rowsA, gsemA)
    _fire_scatter(idxA, rowsA, ssemA)

    def body(k2, _):
        for h, (cur, oth) in enumerate(((bufB, bufA), (bufA, bufB))):
            idx_c, rows_c, gsem_c, ssem_c = cur
            idx_o, rows_o, gsem_o, ssem_o = oth
            t = 2 * k2 + 1 + h
            _wait_scatter(idx_o, rows_o, ssem_o)
            _load_idx(t + 1, idx_o)
            _fire_gather(idx_o, rows_o, gsem_o)
            _wait_gather(idx_c, rows_c, gsem_c)
            _fire_scatter(idx_c, rows_c, ssem_c)
        return 0
    lax.fori_loop(0, (KT3 - 2) // 2, body, 0)
    _wait_scatter(idxA, rowsA, ssemA)
    _wait_gather(idxB, rowsB, gsemB)
    _fire_scatter(idxB, rowsB, ssemB)
    _wait_scatter(idxB, rowsB, ssemB)
    plsc.subcore_barrier()

    for j in range(5):
        pltpu.sync_copy(acc_s.at[pl.ds(sidx * 640 + j * EC, EC)], rowsA)
        pltpu.sync_copy(rowsA, out_hbm.at[cidx, pl.ds(sidx * 640 + j * EC, EC)])


def _ffn_body(agg0_ref, agg1_ref, dinv_ref, w1_ref, b1_ref, w2_ref, b2_ref,
              out_ref):
    a0 = agg0_ref[0]
    a1 = agg1_ref[0]
    a = jnp.concatenate([a0, a1], axis=1) * dinv_ref[...]
    h = jnp.dot(a, w1_ref[...], preferred_element_type=jnp.float32) + b1_ref[...]
    h = 0.5 * h * (1.0 + lax.erf(h * jnp.float32(0.7071067811865476)))
    out_ref[...] = (
        jnp.dot(h, w2_ref[...], preferred_element_type=jnp.float32) + b2_ref[...]
    )


def _ffn(agg, dinv, W1, b1, W2, b2):
    return pl.pallas_call(
        _ffn_body,
        grid=(NPAD // 256,),
        in_specs=[
            pl.BlockSpec((1, 256, DH), lambda b: (0, b, 0)),
            pl.BlockSpec((1, 256, DH), lambda b: (1, b, 0)),
            pl.BlockSpec((256, 1), lambda b: (b, 0)),
            pl.BlockSpec((D, D), lambda b: (0, 0)),
            pl.BlockSpec((1, D), lambda b: (0, 0)),
            pl.BlockSpec((D, D), lambda b: (0, 0)),
            pl.BlockSpec((1, D), lambda b: (0, 0)),
        ],
        out_specs=pl.BlockSpec((256, D), lambda b: (b, 0)),
        out_shape=jax.ShapeDtypeStruct((NPAD, D), jnp.float32),
    )(agg, agg, dinv, W1, b1, W2, b2)


def kernel(x, edge_index, W1, b1, W2, b2):
    src = jnp.concatenate(
        [edge_index[0], jnp.zeros((EP - E,), jnp.int32)])
    dst = jnp.concatenate(
        [edge_index[1], jnp.full((EP - E,), NPAD - 1, jnp.int32)])
    hist = _deg_kernel(dst)
    xs, dinv = _scale(hist, x)
    ed = jnp.stack([src.reshape(-1, EC), dst.reshape(-1, EC)], axis=1)
    agg = _agg_kernel(ed, xs)
    out = _ffn(agg, dinv, W1, b1.reshape(1, D), W2, b2.reshape(1, D))
    return out[:N]

# --- scband reference (transcript-rebuilt; emitter-appended) ---
"""Pipeline reference for scband-gcnlayer-20315195310327 (READ-ONLY COPY).

The authoritative reference and input builder live on the scoring server;
editing this copy changes nothing except your own understanding.
"""

import jax, jax.numpy as jnp
import numpy as np

N, E, D_IN, D_HID, D_OUT = 10000, 160000, 256, 256, 256


def setup_inputs(seed: int = 0) -> dict:
    key = jax.random.key(seed)
    k1, k2, k3, k4, k5, k6 = jax.random.split(key, 6)
    x = jax.random.normal(k1, (N, D_IN), dtype=jnp.float32)
    edge_index = jax.random.randint(k2, (2, E), 0, N, dtype=jnp.int32)
    # FeedForwardLayer params (Linear weights stored as [in, out] for x @ W)
    W1 = jax.random.normal(k3, (D_IN, D_HID), dtype=jnp.float32) * (1.0 / np.sqrt(D_IN))
    b1 = jax.random.normal(k4, (D_HID,), dtype=jnp.float32) * 0.01
    W2 = jax.random.normal(k5, (D_HID, D_OUT), dtype=jnp.float32) * (1.0 / np.sqrt(D_HID))
    b2 = jax.random.normal(k6, (D_OUT,), dtype=jnp.float32) * 0.01
    return {"x": x, "edge_index": edge_index, "W1": W1, "b1": b1, "W2": W2, "b2": b2}


def reference(x, edge_index, W1, b1, W2, b2):
    num_nodes = x.shape[0]
    src = edge_index[0]
    dst = edge_index[1]
    # normalize_edge_index (GCN symmetric normalization, no self loops)
    ones = jnp.ones((edge_index.shape[1],), dtype=x.dtype)
    deg = jax.ops.segment_sum(ones, dst, num_segments=num_nodes)
    deg_inv_sqrt = jnp.where(deg > 0, deg ** -0.5, 0.0)
    edge_weight = deg_inv_sqrt[src] * deg_inv_sqrt[dst]
    # scatter_sum aggregation
    msgs = edge_weight[:, None] * x[src]
    agg = jax.ops.segment_sum(msgs, dst, num_segments=num_nodes)
    # FeedForwardLayer (dropout is identity in eval mode)
    h = agg @ W1 + b1
    h = jax.nn.gelu(h, approximate=False)
    out = h @ W2 + b2
    return out

if __name__ == "__main__":
    import jax
    _d = setup_inputs()
    print(jax.jit(kernel)(*tuple(_d.values())))

</pallas_src>

<mosaic_0001>
#map = affine_map<(d0, d1) -> (0, 0, 0)>
module attributes {stable_mosaic.version = 14 : i64} {
  func.func @_agg_kernel(%arg0: i32, %arg1: i32, %arg2: memref<1296x2x128xi32, #tpu.memory_space<hbm>>, %arg3: memref<2x10000x128xf32, #tpu.memory_space<hbm>>, %arg4: memref<2x10240x128xf32, #tpu.memory_space<hbm>>, %arg5: memref<2x128xi32, #tpu.memory_space<vmem>>, %arg6: memref<128x128xf32, #tpu.memory_space<vmem>>, %arg7: memref<2x128xi32, #tpu.memory_space<vmem>>, %arg8: memref<128x128xf32, #tpu.memory_space<vmem>>, %arg9: memref<10240x128xf32, #tpu.memory_space<vmem_shared>>, %arg10: memref<!tpu.dma_semaphore, #tpu.memory_space<semaphore_mem>>, %arg11: memref<!tpu.dma_semaphore, #tpu.memory_space<semaphore_mem>>, %arg12: memref<!tpu.dma_semaphore, #tpu.memory_space<semaphore_mem>>, %arg13: memref<!tpu.dma_semaphore, #tpu.memory_space<semaphore_mem>>, %arg14: memref<!tpu.dma_semaphore, #tpu.memory_space<semaphore_mem>>) attributes {dimension_semantics = [#tpu.dimension_semantics<core_parallel>, #tpu.dimension_semantics<subcore_parallel>], iteration_bounds = array<i64: 2, 16>, scalar_prefetch = 0 : i64, scratch_operands = 10 : i64, tpu.core_type = #tpu.core_type<sc_vector_subcore>, window_params = [{transform_indices = #map}, {transform_indices = #map}, {transform_indices = #map}]} {
    %scan3A = arith.constant 0 : i32
    %scan3A_0 = arith.constant 0 : i32
    %scan3A_1 = arith.constant 1024 : i32
    %scan3A_2 = arith.addi %scan3A_0, %scan3A_1 : i32
    %scan3A_3 = arith.constant 1 : i32
    %scan3A_4 = scf.for %scan3A_298 = %scan3A_0 to %scan3A_2 step %scan3A_3 iter_args(%scan3A_299 = %scan3A) -> (i32)  : i32 {
      %broadcast_in_dim3A = arith.constant 0.000000e+00 : f32
      %broadcast_in_dim3A_300 = vector.broadcast %broadcast_in_dim3A : f32 to vector<16xf32>
      %jit3A = arith.constant 8 : i32
      %div3A = arith.divsi %scan3A_298, %jit3A : i32
      %sign3A = arith.constant 0 : i32
      %sign3A_301 = arith.cmpi sgt, %scan3A_298, %sign3A : i32
      %sign3A_302 = arith.extui %sign3A_301 : i1 to i32
      %sign3A_303 = arith.constant 0 : i32
      %sign3A_304 = arith.cmpi slt, %scan3A_298, %sign3A_303 : i32
      %sign3A_305 = arith.extui %sign3A_304 : i1 to i32
      %sign3A_306 = arith.subi %sign3A_302, %sign3A_305 : i32
      %sign3A_307 = arith.constant 0 : i32
      %sign3A_308 = arith.cmpi sgt, %jit3A, %sign3A_307 : i32
      %sign3A_309 = arith.extui %sign3A_308 : i1 to i32
      %sign3A_310 = arith.constant 0 : i32
      %sign3A_311 = arith.cmpi slt, %jit3A, %sign3A_310 : i32
      %sign3A_312 = arith.extui %sign3A_311 : i1 to i32
      %sign3A_313 = arith.subi %sign3A_309, %sign3A_312 : i32
      %ne3A = arith.cmpi ne, %sign3A_306, %sign3A_313 : i32
      %rem3A = arith.remsi %scan3A_298, %jit3A : i32
      %ne3A_314 = arith.constant 0 : i32
      %ne3A_315 = arith.cmpi ne, %rem3A, %ne3A_314 : i32
      %and3A = arith.andi %ne3A, %ne3A_315 : i1
      %sub3A = arith.constant 1 : i32
      %sub3A_316 = arith.subi %div3A, %sub3A : i32
      %select_n3A = arith.select %and3A, %sub3A_316, %div3A : i32
      %jit3A_317 = arith.constant 8 : i32
      %eq3A = arith.constant 0 : i32
      %eq3A_318 = arith.cmpi eq, %jit3A_317, %eq3A : i32
      %jit3A_319 = arith.constant 1 : i32
      %select_n3A_320 = arith.select %eq3A_318, %jit3A_319, %jit3A_317 : i32
      %rem3A_321 = arith.remsi %scan3A_298, %select_n3A_320 : i32
      %ne3A_322 = arith.constant 0 : i32
      %ne3A_323 = arith.cmpi ne, %rem3A_321, %ne3A_322 : i32
      %lt3A = arith.constant 0 : i32
      %lt3A_324 = arith.cmpi slt, %rem3A_321, %lt3A : i32
      %lt3A_325 = arith.constant 0 : i32
      %lt3A_326 = arith.cmpi slt, %select_n3A_320, %lt3A_325 : i32
      %ne3A_327 = arith.xori %lt3A_324, %lt3A_326 : i1
      %and3A_328 = arith.andi %ne3A_327, %ne3A_323 : i1
      %add3A_329 = arith.addi %rem3A_321, %select_n3A_320 : i32
      %select_n3A_330 = arith.select %and3A_328, %add3A_329, %rem3A_321 : i32
      %mul3A_331 = arith.constant 16 : i32
      %mul3A_332 = arith.muli %select_n3A_330, %mul3A_331 : i32
      %swap3A = arith.index_cast %select_n3A : i32 to index
      %swap3A_333 = arith.index_cast %mul3A_332 : i32 to index
      %swap3A_334 = tpu.vector_load %arg6[%swap3A, %swap3A_333] {strides = array<i32>} : memref<128x128xf32, #tpu.memory_space<vmem>>, vector<1x16xf32>,
      %swap3A_335 = vector.shape_cast %swap3A_334 : vector<1x16xf32> to vector<16xf32>
      %swap3A_336 = vector.shape_cast %broadcast_in_dim3A_300 : vector<16xf32> to vector<1x16xf32>
      tpu.vector_store %arg6[%swap3A, %swap3A_333], %swap3A_336 {strides = array<i32>} : memref<128x128xf32, #tpu.memory_space<vmem>>, vector<1x16xf32>,
      %scan3A_337 = arith.constant 0 : i32
      scf.yield %scan3A_337 : i32
    }
    %scan3A_5 = arith.constant 1024 : i32
    %mul3A = arith.constant 640 : i32
    %mul3A_6 = arith.muli %arg1, %mul3A : i32
    %add3A = arith.constant 0 : i32
    %add3A_7 = arith.addi %mul3A_6, %add3A : i32
    "tpu.region"() ({
      %run_scoped3A = tpu.sem_alloc : memref<!tpu.dma_semaphore, #tpu.memory_space<semaphore_mem>>
      %dma_start3A_298 = arith.constant 0 : i32
      %dma_start3A_299 = tpu.memref_slice %arg9[%add3A_7, %dma_start3A_298] : memref<10240x128xf32, #tpu.memory_space<vmem_shared>> -> memref<128x128xf32, #tpu.memory_space<vmem_shared>>
      %dma_start3A_300 = arith.constant 0 : i32
      %dma_start3A_301 = tpu.memref_slice %arg9[%add3A_7, %dma_start3A_300] : memref<10240x128xf32, #tpu.memory_space<vmem_shared>> -> memref<128x128xf32, #tpu.memory_space<vmem_shared>>
      tpu.enqueue_dma source(%arg6 : memref<128x128xf32, #tpu.memory_space<vmem>>) target(%dma_start3A_301 : memref<128x128xf32, #tpu.memory_space<vmem_shared>>) target_semaphore(%run_scoped3A : memref<!tpu.dma_semaphore, #tpu.memory_space<semaphore_mem>>)
      %dma_wait3A_302 = arith.constant 0 : i32
      %dma_wait3A_303 = tpu.memref_slice %arg9[%add3A_7, %dma_wait3A_302] : memref<10240x128xf32, #tpu.memory_space<vmem_shared>> -> memref<128x128xf32, #tpu.memory_space<vmem_shared>>
      %dma_wait3A_304 = arith.constant 0 : i32
      %dma_wait3A_305 = tpu.memref_slice %arg9[%add3A_7, %dma_wait3A_304] : memref<10240x128xf32, #tpu.memory_space<vmem_shared>> -> memref<128x128xf32, #tpu.memory_space<vmem_shared>>
      tpu.wait_dma2 semaphore(%run_scoped3A : memref<!tpu.dma_semaphore, #tpu.memory_space<semaphore_mem>>) src(%arg6 : memref<128x128xf32, #tpu.memory_space<vmem>>) dst(%dma_wait3A_305 : memref<128x128xf32, #tpu.memory_space<vmem_shared>>)
      tpu.yield
    }) : () -> ()
    %mul3A_8 = arith.constant 640 : i32
    %mul3A_9 = arith.muli %arg1, %mul3A_8 : i32
    %add3A_10 = arith.constant 128 : i32
    %add3A_11 = arith.addi %mul3A_9, %add3A_10 : i32
    "tpu.region"() ({
      %run_scoped3A = tpu.sem_alloc : memref<!tpu.dma_semaphore, #tpu.memory_space<semaphore_mem>>
      %dma_start3A_298 = arith.constant 0 : i32
      %dma_start3A_299 = tpu.memref_slice %arg9[%add3A_11, %dma_start3A_298] : memref<10240x128xf32, #tpu.memory_space<vmem_shared>> -> memref<128x128xf32, #tpu.memory_space<vmem_shared>>
      %dma_start3A_300 = arith.constant 0 : i32
      %dma_start3A_301 = tpu.memref_slice %arg9[%add3A_11, %dma_start3A_300] : memref<10240x128xf32, #tpu.memory_space<vmem_shared>> -> memref<128x128xf32, #tpu.memory_space<vmem_shared>>
      tpu.enqueue_dma source(%arg6 : memref<128x128xf32, #tpu.memory_space<vmem>>) target(%dma_start3A_301 : memref<128x128xf32, #tpu.memory_space<vmem_shared>>) target_semaphore(%run_scoped3A : memref<!tpu.dma_semaphore, #tpu.memory_space<semaphore_mem>>)
      %dma_wait3A_302 = arith.constant 0 : i32
      %dma_wait3A_303 = tpu.memref_slice %arg9[%add3A_11, %dma_wait3A_302] : memref<10240x128xf32, #tpu.memory_space<vmem_shared>> -> memref<128x128xf32, #tpu.memory_space<vmem_shared>>
      %dma_wait3A_304 = arith.constant 0 : i32
      %dma_wait3A_305 = tpu.memref_slice %arg9[%add3A_11, %dma_wait3A_304] : memref<10240x128xf32, #tpu.memory_space<vmem_shared>> -> memref<128x128xf32, #tpu.memory_space<vmem_shared>>
      tpu.wait_dma2 semaphore(%run_scoped3A : memref<!tpu.dma_semaphore, #tpu.memory_space<semaphore_mem>>) src(%arg6 : memref<128x128xf32, #tpu.memory_space<vmem>>) dst(%dma_wait3A_305 : memref<128x128xf32, #tpu.memory_space<vmem_shared>>)
      tpu.yield
    }) : () -> ()
    %mul3A_12 = arith.constant 640 : i32
    %mul3A_13 = arith.muli %arg1, %mul3A_12 : i32
    %add3A_14 = arith.constant 256 : i32
    %add3A_15 = arith.addi %mul3A_13, %add3A_14 : i32
    "tpu.region"() ({
      %run_scoped3A = tpu.sem_alloc : memref<!tpu.dma_semaphore, #tpu.memory_space<semaphore_mem>>
      %dma_start3A_298 = arith.constant 0 : i32
      %dma_start3A_299 = tpu.memref_slice %arg9[%add3A_15, %dma_start3A_298] : memref<10240x128xf32, #tpu.memory_space<vmem_shared>> -> memref<128x128xf32, #tpu.memory_space<vmem_shared>>
      %dma_start3A_300 = arith.constant 0 : i32
      %dma_start3A_301 = tpu.memref_slice %arg9[%add3A_15, %dma_start3A_300] : memref<10240x128xf32, #tpu.memory_space<vmem_shared>> -> memref<128x128xf32, #tpu.memory_space<vmem_shared>>
      tpu.enqueue_dma source(%arg6 : memref<128x128xf32, #tpu.memory_space<vmem>>) target(%dma_start3A_301 : memref<128x128xf32, #tpu.memory_space<vmem_shared>>) target_semaphore(%run_scoped3A : memref<!tpu.dma_semaphore, #tpu.memory_space<semaphore_mem>>)
      %dma_wait3A_302 = arith.constant 0 : i32
      %dma_wait3A_303 = tpu.memref_slice %arg9[%add3A_15, %dma_wait3A_302] : memref<10240x128xf32, #tpu.memory_space<vmem_shared>> -> memref<128x128xf32, #tpu.memory_space<vmem_shared>>
      %dma_wait3A_304 = arith.constant 0 : i32
      %dma_wait3A_305 = tpu.memref_slice %arg9[%add3A_15, %dma_wait3A_304] : memref<10240x128xf32, #tpu.memory_space<vmem_shared>> -> memref<128x128xf32, #tpu.memory_space<vmem_shared>>
      tpu.wait_dma2 semaphore(%run_scoped3A : memref<!tpu.dma_semaphore, #tpu.memory_space<semaphore_mem>>) src(%arg6 : memref<128x128xf32, #tpu.memory_space<vmem>>) dst(%dma_wait3A_305 : memref<128x128xf32, #tpu.memory_space<vmem_shared>>)
      tpu.yield
    }) : () -> ()
    %mul3A_16 = arith.constant 640 : i32
    %mul3A_17 = arith.muli %arg1, %mul3A_16 : i32
    %add3A_18 = arith.constant 384 : i32
    %add3A_19 = arith.addi %mul3A_17, %add3A_18 : i32
    "tpu.region"() ({
      %run_scoped3A = tpu.sem_alloc : memref<!tpu.dma_semaphore, #tpu.memory_space<semaphore_mem>>
      %dma_start3A_298 = arith.constant 0 : i32
      %dma_start3A_299 = tpu.memref_slice %arg9[%add3A_19, %dma_start3A_298] : memref<10240x128xf32, #tpu.memory_space<vmem_shared>> -> memref<128x128xf32, #tpu.memory_space<vmem_shared>>
      %dma_start3A_300 = arith.constant 0 : i32
      %dma_start3A_301 = tpu.memref_slice %arg9[%add3A_19, %dma_start3A_300] : memref<10240x128xf32, #tpu.memory_space<vmem_shared>> -> memref<128x128xf32, #tpu.memory_space<vmem_shared>>
      tpu.enqueue_dma source(%arg6 : memref<128x128xf32, #tpu.memory_space<vmem>>) target(%dma_start3A_301 : memref<128x128xf32, #tpu.memory_space<vmem_shared>>) target_semaphore(%run_scoped3A : memref<!tpu.dma_semaphore, #tpu.memory_space<semaphore_mem>>)
      %dma_wait3A_302 = arith.constant 0 : i32
      %dma_wait3A_303 = tpu.memref_slice %arg9[%add3A_19, %dma_wait3A_302] : memref<10240x128xf32, #tpu.memory_space<vmem_shared>> -> memref<128x128xf32, #tpu.memory_space<vmem_shared>>
      %dma_wait3A_304 = arith.constant 0 : i32
      %dma_wait3A_305 = tpu.memref_slice %arg9[%add3A_19, %dma_wait3A_304] : memref<10240x128xf32, #tpu.memory_space<vmem_shared>> -> memref<128x128xf32, #tpu.memory_space<vmem_shared>>
      tpu.wait_dma2 semaphore(%run_scoped3A : memref<!tpu.dma_semaphore, #tpu.memory_space<semaphore_mem>>) src(%arg6 : memref<128x128xf32, #tpu.memory_space<vmem>>) dst(%dma_wait3A_305 : memref<128x128xf32, #tpu.memory_space<vmem_shared>>)
      tpu.yield
    }) : () -> ()
    %mul3A_20 = arith.constant 640 : i32
    %mul3A_21 = arith.muli %arg1, %mul3A_20 : i32
    %add3A_22 = arith.constant 512 : i32
    %add3A_23 = arith.addi %mul3A_21, %add3A_22 : i32
    "tpu.region"() ({
      %run_scoped3A = tpu.sem_alloc : memref<!tpu.dma_semaphore, #tpu.memory_space<semaphore_mem>>
      %dma_start3A_298 = arith.constant 0 : i32
      %dma_start3A_299 = tpu.memref_slice %arg9[%add3A_23, %dma_start3A_298] : memref<10240x128xf32, #tpu.memory_space<vmem_shared>> -> memref<128x128xf32, #tpu.memory_space<vmem_shared>>
      %dma_start3A_300 = arith.constant 0 : i32
      %dma_start3A_301 = tpu.memref_slice %arg9[%add3A_23, %dma_start3A_300] : memref<10240x128xf32, #tpu.memory_space<vmem_shared>> -> memref<128x128xf32, #tpu.memory_space<vmem_shared>>
      tpu.enqueue_dma source(%arg6 : memref<128x128xf32, #tpu.memory_space<vmem>>) target(%dma_start3A_301 : memref<128x128xf32, #tpu.memory_space<vmem_shared>>) target_semaphore(%run_scoped3A : memref<!tpu.dma_semaphore, #tpu.memory_space<semaphore_mem>>)
      %dma_wait3A_302 = arith.constant 0 : i32
      %dma_wait3A_303 = tpu.memref_slice %arg9[%add3A_23, %dma_wait3A_302] : memref<10240x128xf32, #tpu.memory_space<vmem_shared>> -> memref<128x128xf32, #tpu.memory_space<vmem_shared>>
      %dma_wait3A_304 = arith.constant 0 : i32
      %dma_wait3A_305 = tpu.memref_slice %arg9[%add3A_23, %dma_wait3A_304] : memref<10240x128xf32, #tpu.memory_space<vmem_shared>> -> memref<128x128xf32, #tpu.memory_space<vmem_shared>>
      tpu.wait_dma2 semaphore(%run_scoped3A : memref<!tpu.dma_semaphore, #tpu.memory_space<semaphore_mem>>) src(%arg6 : memref<128x128xf32, #tpu.memory_space<vmem>>) dst(%dma_wait3A_305 : memref<128x128xf32, #tpu.memory_space<vmem_shared>>)
      tpu.yield
    }) : () -> ()
    %barrier3A = arith.constant 0 : index
    tpu.barrier barrier_id(%barrier3A)
    %add3A_24 = arith.constant 0 : i32
    %add3A_25 = arith.addi %arg1, %add3A_24 : i32
    %dma_start3A = arith.constant 0 : i32
    %dma_start3A_26 = arith.constant 0 : i32
    %dma_start3A_27 = tpu.memref_slice %arg2[%add3A_25, %dma_start3A, %dma_start3A_26] : memref<1296x2x128xi32, #tpu.memory_space<hbm>> -> memref<1x2x128xi32, #tpu.memory_space<hbm>>
    %dma_start3A_28 = tpu.memref_squeeze %dma_start3A_27 : memref<1x2x128xi32, #tpu.memory_space<hbm>> -> memref<2x128xi32, #tpu.memory_space<hbm>>
    %dma_start3A_29 = arith.constant 0 : i32
    %dma_start3A_30 = arith.constant 0 : i32
    %dma_start3A_31 = tpu.memref_slice %arg2[%add3A_25, %dma_start3A_29, %dma_start3A_30] : memref<1296x2x128xi32, #tpu.memory_space<hbm>> -> memref<1x2x128xi32, #tpu.memory_space<hbm>>
    %dma_start3A_32 = tpu.memref_squeeze %dma_start3A_31 : memref<1x2x128xi32, #tpu.memory_space<hbm>> -> memref<2x128xi32, #tpu.memory_space<hbm>>
    tpu.enqueue_dma source(%dma_start3A_32 : memref<2x128xi32, #tpu.memory_space<hbm>>) target(%arg5 : memref<2x128xi32, #tpu.memory_space<vmem>>) target_semaphore(%arg12 : memref<!tpu.dma_semaphore, #tpu.memory_space<semaphore_mem>>)
    %dma_wait3A = arith.constant 0 : i32
    %dma_wait3A_33 = arith.constant 0 : i32
    %dma_wait3A_34 = tpu.memref_slice %arg2[%add3A_25, %dma_wait3A, %dma_wait3A_33] : memref<1296x2x128xi32, #tpu.memory_space<hbm>> -> memref<1x2x128xi32, #tpu.memory_space<hbm>>
    %dma_wait3A_35 = tpu.memref_squeeze %dma_wait3A_34 : memref<1x2x128xi32, #tpu.memory_space<hbm>> -> memref<2x128xi32, #tpu.memory_space<hbm>>
    %dma_wait3A_36 = arith.constant 0 : i32
    %dma_wait3A_37 = arith.constant 0 : i32
    %dma_wait3A_38 = tpu.memref_slice %arg2[%add3A_25, %dma_wait3A_36, %dma_wait3A_37] : memref<1296x2x128xi32, #tpu.memory_space<hbm>> -> memref<1x2x128xi32, #tpu.memory_space<hbm>>
    %dma_wait3A_39 = tpu.memref_squeeze %dma_wait3A_38 : memref<1x2x128xi32, #tpu.memory_space<hbm>> -> memref<2x128xi32, #tpu.memory_space<hbm>>
    tpu.wait_dma2 semaphore(%arg12 : memref<!tpu.dma_semaphore, #tpu.memory_space<semaphore_mem>>) src(%dma_wait3A_39 : memref<2x128xi32, #tpu.memory_space<hbm>>) dst(%arg5 : memref<2x128xi32, #tpu.memory_space<vmem>>)
    %dma_start3A_40 = arith.constant 0 : i32
    %dma_start3A_41 = arith.constant 0 : i32
    %dma_start3A_42 = arith.constant 0 : i32
    %dma_start3A_43 = tpu.memref_slice %arg6[%dma_start3A_41, %dma_start3A_42] : memref<128x128xf32, #tpu.memory_space<vmem>> -> memref<64x128xf32, #tpu.memory_space<vmem>>
    %dma_start3A_44 = arith.constant 0 : i32
    %dma_start3A_45 = tpu.memref_slice %arg5[%dma_start3A_40, %dma_start3A_44] : memref<2x128xi32, #tpu.memory_space<vmem>> -> memref<1x64xi32, #tpu.memory_space<vmem>>
    %dma_start3A_46 = tpu.memref_squeeze %dma_start3A_45 : memref<1x64xi32, #tpu.memory_space<vmem>> -> memref<64xi32, #tpu.memory_space<vmem>>
    %dma_start3A_47 = arith.constant 0 : i32
    %dma_start3A_48 = arith.constant 0 : i32
    %dma_start3A_49 = tpu.memref_slice %arg3[%arg0, %dma_start3A_47, %dma_start3A_48] : memref<2x10000x128xf32, #tpu.memory_space<hbm>> -> memref<1x10000x128xf32, #tpu.memory_space<hbm>>
    %dma_start3A_50 = tpu.memref_squeeze %dma_start3A_49 : memref<1x10000x128xf32, #tpu.memory_space<hbm>> -> memref<10000x128xf32, #tpu.memory_space<hbm>>
    %dma_start3A_51 = arith.constant 0 : i32
    %dma_start3A_52 = arith.constant 0 : i32
    %dma_start3A_53 = tpu.memref_slice %dma_start3A_50[%dma_start3A_51, %dma_start3A_52] : memref<10000x128xf32, #tpu.memory_space<hbm>> -> memref<10000x128xf32, #tpu.memory_space<hbm>>
    tpu.enqueue_indirect_dma source(%dma_start3A_53 : memref<10000x128xf32, #tpu.memory_space<hbm>>) target(%dma_start3A_43 : memref<64x128xf32, #tpu.memory_space<vmem>>) offsets(%dma_start3A_46 : memref<64xi32, #tpu.memory_space<vmem>>) semaphore(%arg10 : memref<!tpu.dma_semaphore, #tpu.memory_space<semaphore_mem>>)
    %dma_start3A_54 = arith.constant 0 : i32
    %dma_start3A_55 = arith.constant 64 : i32
    %dma_start3A_56 = arith.constant 0 : i32
    %dma_start3A_57 = tpu.memref_slice %arg6[%dma_start3A_55, %dma_start3A_56] : memref<128x128xf32, #tpu.memory_space<vmem>> -> memref<64x128xf32, #tpu.memory_space<vmem>>
    %dma_start3A_58 = arith.constant 64 : i32
    %dma_start3A_59 = tpu.memref_slice %arg5[%dma_start3A_54, %dma_start3A_58] : memref<2x128xi32, #tpu.memory_space<vmem>> -> memref<1x64xi32, #tpu.memory_space<vmem>>
    %dma_start3A_60 = tpu.memref_squeeze %dma_start3A_59 : memref<1x64xi32, #tpu.memory_space<vmem>> -> memref<64xi32, #tpu.memory_space<vmem>>
    %dma_start3A_61 = arith.constant 0 : i32
    %dma_start3A_62 = arith.constant 0 : i32
    %dma_start3A_63 = tpu.memref_slice %arg3[%arg0, %dma_start3A_61, %dma_start3A_62] : memref<2x10000x128xf32, #tpu.memory_space<hbm>> -> memref<1x10000x128xf32, #tpu.memory_space<hbm>>
    %dma_start3A_64 = tpu.memref_squeeze %dma_start3A_63 : memref<1x10000x128xf32, #tpu.memory_space<hbm>> -> memref<10000x128xf32, #tpu.memory_space<hbm>>
    %dma_start3A_65 = arith.constant 0 : i32
    %dma_start3A_66 = arith.constant 0 : i32
    %dma_start3A_67 = tpu.memref_slice %dma_start3A_64[%dma_start3A_65, %dma_start3A_66] : memref<10000x128xf32, #tpu.memory_space<hbm>> -> memref<10000x128xf32, #tpu.memory_space<hbm>>
    tpu.enqueue_indirect_dma source(%dma_start3A_67 : memref<10000x128xf32, #tpu.memory_space<hbm>>) target(%dma_start3A_57 : memref<64x128xf32, #tpu.memory_space<vmem>>) offsets(%dma_start3A_60 : memref<64xi32, #tpu.memory_space<vmem>>) semaphore(%arg10 : memref<!tpu.dma_semaphore, #tpu.memory_space<semaphore_mem>>)
    %add3A_68 = arith.constant 16 : i32
    %add3A_69 = arith.addi %arg1, %add3A_68 : i32
    %dma_start3A_70 = arith.constant 0 : i32
    %dma_start3A_71 = arith.constant 0 : i32
    %dma_start3A_72 = tpu.memref_slice %arg2[%add3A_69, %dma_start3A_70, %dma_start3A_71] : memref<1296x2x128xi32, #tpu.memory_space<hbm>> -> memref<1x2x128xi32, #tpu.memory_space<hbm>>
    %dma_start3A_73 = tpu.memref_squeeze %dma_start3A_72 : memref<1x2x128xi32, #tpu.memory_space<hbm>> -> memref<2x128xi32, #tpu.memory_space<hbm>>
    %dma_start3A_74 = arith.constant 0 : i32
    %dma_start3A_75 = arith.constant 0 : i32
    %dma_start3A_76 = tpu.memref_slice %arg2[%add3A_69, %dma_start3A_74, %dma_start3A_75] : memref<1296x2x128xi32, #tpu.memory_space<hbm>> -> memref<1x2x128xi32, #tpu.memory_space<hbm>>
    %dma_start3A_77 = tpu.memref_squeeze %dma_start3A_76 : memref<1x2x128xi32, #tpu.memory_space<hbm>> -> memref<2x128xi32, #tpu.memory_space<hbm>>
    tpu.enqueue_dma source(%dma_start3A_77 : memref<2x128xi32, #tpu.memory_space<hbm>>) target(%arg7 : memref<2x128xi32, #tpu.memory_space<vmem>>) target_semaphore(%arg12 : memref<!tpu.dma_semaphore, #tpu.memory_space<semaphore_mem>>)
    %dma_wait3A_78 = arith.constant 0 : i32
    %dma_wait3A_79 = arith.constant 0 : i32
    %dma_wait3A_80 = tpu.memref_slice %arg2[%add3A_69, %dma_wait3A_78, %dma_wait3A_79] : memref<1296x2x128xi32, #tpu.memory_space<hbm>> -> memref<1x2x128xi32, #tpu.memory_space<hbm>>
    %dma_wait3A_81 = tpu.memref_squeeze %dma_wait3A_80 : memref<1x2x128xi32, #tpu.memory_space<hbm>> -> memref<2x128xi32, #tpu.memory_space<hbm>>
    %dma_wait3A_82 = arith.constant 0 : i32
    %dma_wait3A_83 = arith.constant 0 : i32
    %dma_wait3A_84 = tpu.memref_slice %arg2[%add3A_69, %dma_wait3A_82, %dma_wait3A_83] : memref<1296x2x128xi32, #tpu.memory_space<hbm>> -> memref<1x2x128xi32, #tpu.memory_space<hbm>>
    %dma_wait3A_85 = tpu.memref_squeeze %dma_wait3A_84 : memref<1x2x128xi32, #tpu.memory_space<hbm>> -> memref<2x128xi32, #tpu.memory_space<hbm>>
    tpu.wait_dma2 semaphore(%arg12 : memref<!tpu.dma_semaphore, #tpu.memory_space<semaphore_mem>>) src(%dma_wait3A_85 : memref<2x128xi32, #tpu.memory_space<hbm>>) dst(%arg7 : memref<2x128xi32, #tpu.memory_space<vmem>>)
    %dma_start3A_86 = arith.constant 0 : i32
    %dma_start3A_87 = arith.constant 0 : i32
    %dma_start3A_88 = arith.constant 0 : i32
    %dma_start3A_89 = tpu.memref_slice %arg8[%dma_start3A_87, %dma_start3A_88] : memref<128x128xf32, #tpu.memory_space<vmem>> -> memref<64x128xf32, #tpu.memory_space<vmem>>
    %dma_start3A_90 = arith.constant 0 : i32
    %dma_start3A_91 = tpu.memref_slice %arg7[%dma_start3A_86, %dma_start3A_90] : memref<2x128xi32, #tpu.memory_space<vmem>> -> memref<1x64xi32, #tpu.memory_space<vmem>>
    %dma_start3A_92 = tpu.memref_squeeze %dma_start3A_91 : memref<1x64xi32, #tpu.memory_space<vmem>> -> memref<64xi32, #tpu.memory_space<vmem>>
    %dma_start3A_93 = arith.constant 0 : i32
    %dma_start3A_94 = arith.constant 0 : i32
    %dma_start3A_95 = tpu.memref_slice %arg3[%arg0, %dma_start3A_93, %dma_start3A_94] : memref<2x10000x128xf32, #tpu.memory_space<hbm>> -> memref<1x10000x128xf32, #tpu.memory_space<hbm>>
    %dma_start3A_96 = tpu.memref_squeeze %dma_start3A_95 : memref<1x10000x128xf32, #tpu.memory_space<hbm>> -> memref<10000x128xf32, #tpu.memory_space<hbm>>
    %dma_start3A_97 = arith.constant 0 : i32
    %dma_start3A_98 = arith.constant 0 : i32
    %dma_start3A_99 = tpu.memref_slice %dma_start3A_96[%dma_start3A_97, %dma_start3A_98] : memref<10000x128xf32, #tpu.memory_space<hbm>> -> memref<10000x128xf32, #tpu.memory_space<hbm>>
    tpu.enqueue_indirect_dma source(%dma_start3A_99 : memref<10000x128xf32, #tpu.memory_space<hbm>>) target(%dma_start3A_89 : memref<64x128xf32, #tpu.memory_space<vmem>>) offsets(%dma_start3A_92 : memref<64xi32, #tpu.memory_space<vmem>>) semaphore(%arg11 : memref<!tpu.dma_semaphore, #tpu.memory_space<semaphore_mem>>)
    %dma_start3A_100 = arith.constant 0 : i32
    %dma_start3A_101 = arith.constant 64 : i32
    %dma_start3A_102 = arith.constant 0 : i32
    %dma_start3A_103 = tpu.memref_slice %arg8[%dma_start3A_101, %dma_start3A_102] : memref<128x128xf32, #tpu.memory_space<vmem>> -> memref<64x128xf32, #tpu.memory_space<vmem>>
    %dma_start3A_104 = arith.constant 64 : i32
    %dma_start3A_105 = tpu.memref_slice %arg7[%dma_start3A_100, %dma_start3A_104] : memref<2x128xi32, #tpu.memory_space<vmem>> -> memref<1x64xi32, #tpu.memory_space<vmem>>
    %dma_start3A_106 = tpu.memref_squeeze %dma_start3A_105 : memref<1x64xi32, #tpu.memory_space<vmem>> -> memref<64xi32, #tpu.memory_space<vmem>>
    %dma_start3A_107 = arith.constant 0 : i32
    %dma_start3A_108 = arith.constant 0 : i32
    %dma_start3A_109 = tpu.memref_slice %arg3[%arg0, %dma_start3A_107, %dma_start3A_108] : memref<2x10000x128xf32, #tpu.memory_space<hbm>> -> memref<1x10000x128xf32, #tpu.memory_space<hbm>>
    %dma_start3A_110 = tpu.memref_squeeze %dma_start3A_109 : memref<1x10000x128xf32, #tpu.memory_space<hbm>> -> memref<10000x128xf32, #tpu.memory_space<hbm>>
    %dma_start3A_111 = arith.constant 0 : i32
    %dma_start3A_112 = arith.constant 0 : i32
    %dma_start3A_113 = tpu.memref_slice %dma_start3A_110[%dma_start3A_111, %dma_start3A_112] : memref<10000x128xf32, #tpu.memory_space<hbm>> -> memref<10000x128xf32, #tpu.memory_space<hbm>>
    tpu.enqueue_indirect_dma source(%dma_start3A_113 : memref<10000x128xf32, #tpu.memory_space<hbm>>) target(%dma_start3A_103 : memref<64x128xf32, #tpu.memory_space<vmem>>) offsets(%dma_start3A_106 : memref<64xi32, #tpu.memory_space<vmem>>) semaphore(%arg11 : memref<!tpu.dma_semaphore, #tpu.memory_space<semaphore_mem>>)
    %dma_wait3A_114 = arith.constant 0 : i32
    %dma_wait3A_115 = arith.constant 0 : i32
    %dma_wait3A_116 = arith.constant 0 : i32
    %dma_wait3A_117 = tpu.memref_slice %arg6[%dma_wait3A_115, %dma_wait3A_116] : memref<128x128xf32, #tpu.memory_space<vmem>> -> memref<64x128xf32, #tpu.memory_space<vmem>>
    %dma_wait3A_118 = arith.constant 0 : i32
    %dma_wait3A_119 = tpu.memref_slice %arg5[%dma_wait3A_114, %dma_wait3A_118] : memref<2x128xi32, #tpu.memory_space<vmem>> -> memref<1x64xi32, #tpu.memory_space<vmem>>
    %dma_wait3A_120 = tpu.memref_squeeze %dma_wait3A_119 : memref<1x64xi32, #tpu.memory_space<vmem>> -> memref<64xi32, #tpu.memory_space<vmem>>
    %dma_wait3A_121 = arith.constant 0 : i32
    %dma_wait3A_122 = arith.constant 0 : i32
    %dma_wait3A_123 = tpu.memref_slice %arg3[%arg0, %dma_wait3A_121, %dma_wait3A_122] : memref<2x10000x128xf32, #tpu.memory_space<hbm>> -> memref<1x10000x128xf32, #tpu.memory_space<hbm>>
    %dma_wait3A_124 = tpu.memref_squeeze %dma_wait3A_123 : memref<1x10000x128xf32, #tpu.memory_space<hbm>> -> memref<10000x128xf32, #tpu.memory_space<hbm>>
    %dma_wait3A_125 = arith.constant 0 : i32
    %dma_wait3A_126 = arith.constant 0 : i32
    %dma_wait3A_127 = tpu.memref_slice %dma_wait3A_124[%dma_wait3A_125, %dma_wait3A_126] : memref<10000x128xf32, #tpu.memory_space<hbm>> -> memref<10000x128xf32, #tpu.memory_space<hbm>>
    tpu.wait_indirect_dma semaphore(%arg10 : memref<!tpu.dma_semaphore, #tpu.memory_space<semaphore_mem>>) src(%dma_wait3A_127 : memref<10000x128xf32, #tpu.memory_space<hbm>>) dst(%dma_wait3A_117 : memref<64x128xf32, #tpu.memory_space<vmem>>)
    %dma_wait3A_128 = arith.constant 0 : i32
    %dma_wait3A_129 = arith.constant 64 : i32
    %dma_wait3A_130 = arith.constant 0 : i32
    %dma_wait3A_131 = tpu.memref_slice %arg6[%dma_wait3A_129, %dma_wait3A_130] : memref<128x128xf32, #tpu.memory_space<vmem>> -> memref<64x128xf32, #tpu.memory_space<vmem>>
    %dma_wait3A_132 = arith.constant 64 : i32
    %dma_wait3A_133 = tpu.memref_slice %arg5[%dma_wait3A_128, %dma_wait3A_132] : memref<2x128xi32, #tpu.memory_space<vmem>> -> memref<1x64xi32, #tpu.memory_space<vmem>>
    %dma_wait3A_134 = tpu.memref_squeeze %dma_wait3A_133 : memref<1x64xi32, #tpu.memory_space<vmem>> -> memref<64xi32, #tpu.memory_space<vmem>>
    %dma_wait3A_135 = arith.constant 0 : i32
    %dma_wait3A_136 = arith.constant 0 : i32
    %dma_wait3A_137 = tpu.memref_slice %arg3[%arg0, %dma_wait3A_135, %dma_wait3A_136] : memref<2x10000x128xf32, #tpu.memory_space<hbm>> -> memref<1x10000x128xf32, #tpu.memory_space<hbm>>
    %dma_wait3A_138 = tpu.memref_squeeze %dma_wait3A_137 : memref<1x10000x128xf32, #tpu.memory_space<hbm>> -> memref<10000x128xf32, #tpu.memory_space<hbm>>
    %dma_wait3A_139 = arith.constant 0 : i32
    %dma_wait3A_140 = arith.constant 0 : i32
    %dma_wait3A_141 = tpu.memref_slice %dma_wait3A_138[%dma_wait3A_139, %dma_wait3A_140] : memref<10000x128xf32, #tpu.memory_space<hbm>> -> memref<10000x128xf32, #tpu.memory_space<hbm>>
    tpu.wait_indirect_dma semaphore(%arg10 : memref<!tpu.dma_semaphore, #tpu.memory_space<semaphore_mem>>) src(%dma_wait3A_141 : memref<10000x128xf32, #tpu.memory_space<hbm>>) dst(%dma_wait3A_131 : memref<64x128xf32, #tpu.memory_space<vmem>>)
    %dma_start3A_142 = arith.constant 1 : i32
    %dma_start3A_143 = arith.constant 0 : i32
    %dma_start3A_144 = arith.constant 0 : i32
    %dma_start3A_145 = tpu.memref_slice %arg6[%dma_start3A_143, %dma_start3A_144] : memref<128x128xf32, #tpu.memory_space<vmem>> -> memref<64x128xf32, #tpu.memory_space<vmem>>
    %dma_start3A_146 = arith.constant 0 : i32
    %dma_start3A_147 = tpu.memref_slice %arg5[%dma_start3A_142, %dma_start3A_146] : memref<2x128xi32, #tpu.memory_space<vmem>> -> memref<1x64xi32, #tpu.memory_space<vmem>>
    %dma_start3A_148 = tpu.memref_squeeze %dma_start3A_147 : memref<1x64xi32, #tpu.memory_space<vmem>> -> memref<64xi32, #tpu.memory_space<vmem>>
    %dma_start3A_149 = arith.constant 0 : i32
    %dma_start3A_150 = arith.constant 0 : i32
    %dma_start3A_151 = tpu.memref_slice %arg9[%dma_start3A_149, %dma_start3A_150] : memref<10240x128xf32, #tpu.memory_space<vmem_shared>> -> memref<10240x128xf32, #tpu.memory_space<vmem_shared>>
    tpu.enqueue_indirect_dma source(%dma_start3A_145 : memref<64x128xf32, #tpu.memory_space<vmem>>) target(%dma_start3A_151 : memref<10240x128xf32, #tpu.memory_space<vmem_shared>>) offsets(%dma_start3A_148 : memref<64xi32, #tpu.memory_space<vmem>>) semaphore(%arg13 : memref<!tpu.dma_semaphore, #tpu.memory_space<semaphore_mem>>) {add = true}
    %dma_start3A_152 = arith.constant 1 : i32
    %dma_start3A_153 = arith.constant 64 : i32
    %dma_start3A_154 = arith.constant 0 : i32
    %dma_start3A_155 = tpu.memref_slice %arg6[%dma_start3A_153, %dma_start3A_154] : memref<128x128xf32, #tpu.memory_space<vmem>> -> memref<64x128xf32, #tpu.memory_space<vmem>>
    %dma_start3A_156 = arith.constant 64 : i32
    %dma_start3A_157 = tpu.memref_slice %arg5[%dma_start3A_152, %dma_start3A_156] : memref<2x128xi32, #tpu.memory_space<vmem>> -> memref<1x64xi32, #tpu.memory_space<vmem>>
    %dma_start3A_158 = tpu.memref_squeeze %dma_start3A_157 : memref<1x64xi32, #tpu.memory_space<vmem>> -> memref<64xi32, #tpu.memory_space<vmem>>
    %dma_start3A_159 = arith.constant 0 : i32
    %dma_start3A_160 = arith.constant 0 : i32
    %dma_start3A_161 = tpu.memref_slice %arg9[%dma_start3A_159, %dma_start3A_160] : memref<10240x128xf32, #tpu.memory_space<vmem_shared>> -> memref<10240x128xf32, #tpu.memory_space<vmem_shared>>
    tpu.enqueue_indirect_dma source(%dma_start3A_155 : memref<64x128xf32, #tpu.memory_space<vmem>>) target(%dma_start3A_161 : memref<10240x128xf32, #tpu.memory_space<vmem_shared>>) offsets(%dma_start3A_158 : memref<64xi32, #tpu.memory_space<vmem>>) semaphore(%arg13 : memref<!tpu.dma_semaphore, #tpu.memory_space<semaphore_mem>>) {add = true}
    %scan3A_162 = arith.constant 0 : i32
    %scan3A_163 = arith.constant 0 : i32
    %scan3A_164 = arith.constant 39 : i32
    %scan3A_165 = arith.addi %scan3A_163, %scan3A_164 : i32
    %scan3A_166 = arith.constant 1 : i32
    %scan3A_167 = scf.for %scan3A_298 = %scan3A_163 to %scan3A_165 step %scan3A_166 iter_args(%scan3A_299 = %scan3A_162) -> (i32)  : i32 {
      %mul3A_300 = arith.constant 2 : i32
      %mul3A_301 = arith.muli %mul3A_300, %scan3A_298 : i32
      %add3A_302 = arith.constant 1 : i32
      %add3A_303 = arith.addi %mul3A_301, %add3A_302 : i32
      %add3A_304 = arith.constant 0 : i32
      %add3A_305 = arith.addi %add3A_303, %add3A_304 : i32
      %dma_wait3A_306 = arith.constant 1 : i32
      %dma_wait3A_307 = arith.constant 0 : i32
      %dma_wait3A_308 = arith.constant 0 : i32
      %dma_wait3A_309 = tpu.memref_slice %arg6[%dma_wait3A_307, %dma_wait3A_308] : memref<128x128xf32, #tpu.memory_space<vmem>> -> memref<64x128xf32, #tpu.memory_space<vmem>>
      %dma_wait3A_310 = arith.constant 0 : i32
      %dma_wait3A_311 = tpu.memref_slice %arg5[%dma_wait3A_306, %dma_wait3A_310] : memref<2x128xi32, #tpu.memory_space<vmem>> -> memref<1x64xi32, #tpu.memory_space<vmem>>
      %dma_wait3A_312 = tpu.memref_squeeze %dma_wait3A_311 : memref<1x64xi32, #tpu.memory_space<vmem>> -> memref<64xi32, #tpu.memory_space<vmem>>
      %dma_wait3A_313 = arith.constant 0 : i32
      %dma_wait3A_314 = arith.constant 0 : i32
      %dma_wait3A_315 = tpu.memref_slice %arg9[%dma_wait3A_313, %dma_wait3A_314] : memref<10240x128xf32, #tpu.memory_space<vmem_shared>> -> memref<10240x128xf32, #tpu.memory_space<vmem_shared>>
      tpu.wait_indirect_dma semaphore(%arg13 : memref<!tpu.dma_semaphore, #tpu.memory_space<semaphore_mem>>) src(%dma_wait3A_309 : memref<64x128xf32, #tpu.memory_space<vmem>>) dst(%dma_wait3A_315 : memref<10240x128xf32, #tpu.memory_space<vmem_shared>>)
      %dma_wait3A_316 = arith.constant 1 : i32
      %dma_wait3A_317 = arith.constant 64 : i32
      %dma_wait3A_318 = arith.constant 0 : i32
      %dma_wait3A_319 = tpu.memref_slice %arg6[%dma_wait3A_317, %dma_wait3A_318] : memref<128x128xf32, #tpu.memory_space<vmem>> -> memref<64x128xf32, #tpu.memory_space<vmem>>
      %dma_wait3A_320 = arith.constant 64 : i32
      %dma_wait3A_321 = tpu.memref_slice %arg5[%dma_wait3A_316, %dma_wait3A_320] : memref<2x128xi32, #tpu.memory_space<vmem>> -> memref<1x64xi32, #tpu.memory_space<vmem>>
      %dma_wait3A_322 = tpu.memref_squeeze %dma_wait3A_321 : memref<1x64xi32, #tpu.memory_space<vmem>> -> memref<64xi32, #tpu.memory_space<vmem>>
      %dma_wait3A_323 = arith.constant 0 : i32
      %dma_wait3A_324 = arith.constant 0 : i32
      %dma_wait3A_325 = tpu.memref_slice %arg9[%dma_wait3A_323, %dma_wait3A_324] : memref<10240x128xf32, #tpu.memory_space<vmem_shared>> -> memref<10240x128xf32, #tpu.memory_space<vmem_shared>>
      tpu.wait_indirect_dma semaphore(%arg13 : memref<!tpu.dma_semaphore, #tpu.memory_space<semaphore_mem>>) src(%dma_wait3A_319 : memref<64x128xf32, #tpu.memory_space<vmem>>) dst(%dma_wait3A_325 : memref<10240x128xf32, #tpu.memory_space<vmem_shared>>)
      %add3A_326 = arith.constant 1 : i32
      %add3A_327 = arith.addi %add3A_305, %add3A_326 : i32
      %mul3A_328 = arith.constant 16 : i32
      %mul3A_329 = arith.muli %mul3A_328, %add3A_327 : i32
      %add3A_330 = arith.addi %arg1, %mul3A_329 : i32
      %dma_start3A_331 = arith.constant 0 : i32
      %dma_start3A_332 = arith.constant 0 : i32
      %dma_start3A_333 = tpu.memref_slice %arg2[%add3A_330, %dma_start3A_331, %dma_start3A_332] : memref<1296x2x128xi32, #tpu.memory_space<hbm>> -> memref<1x2x128xi32, #tpu.memory_space<hbm>>
      %dma_start3A_334 = tpu.memref_squeeze %dma_start3A_333 : memref<1x2x128xi32, #tpu.memory_space<hbm>> -> memref<2x128xi32, #tpu.memory_space<hbm>>
      %dma_start3A_335 = arith.constant 0 : i32
      %dma_start3A_336 = arith.constant 0 : i32
      %dma_start3A_337 = tpu.memref_slice %arg2[%add3A_330, %dma_start3A_335, %dma_start3A_336] : memref<1296x2x128xi32, #tpu.memory_space<hbm>> -> memref<1x2x128xi32, #tpu.memory_space<hbm>>
      %dma_start3A_338 = tpu.memref_squeeze %dma_start3A_337 : memref<1x2x128xi32, #tpu.memory_space<hbm>> -> memref<2x128xi32, #tpu.memory_space<hbm>>
      tpu.enqueue_dma source(%dma_start3A_338 : memref<2x128xi32, #tpu.memory_space<hbm>>) target(%arg5 : memref<2x128xi32, #tpu.memory_space<vmem>>) target_semaphore(%arg12 : memref<!tpu.dma_semaphore, #tpu.memory_space<semaphore_mem>>)
      %dma_wait3A_339 = arith.constant 0 : i32
      %dma_wait3A_340 = arith.constant 0 : i32
      %dma_wait3A_341 = tpu.memref_slice %arg2[%add3A_330, %dma_wait3A_339, %dma_wait3A_340] : memref<1296x2x128xi32, #tpu.memory_space<hbm>> -> memref<1x2x128xi32, #tpu.memory_space<hbm>>
      %dma_wait3A_342 = tpu.memref_squeeze %dma_wait3A_341 : memref<1x2x128xi32, #tpu.memory_space<hbm>> -> memref<2x128xi32, #tpu.memory_space<hbm>>
      %dma_wait3A_343 = arith.constant 0 : i32
      %dma_wait3A_344 = arith.constant 0 : i32
      %dma_wait3A_345 = tpu.memref_slice %arg2[%add3A_330, %dma_wait3A_343, %dma_wait3A_344] : memref<1296x2x128xi32, #tpu.memory_space<hbm>> -> memref<1x2x128xi32, #tpu.memory_space<hbm>>
      %dma_wait3A_346 = tpu.memref_squeeze %dma_wait3A_345 : memref<1x2x128xi32, #tpu.memory_space<hbm>> -> memref<2x128xi32, #tpu.memory_space<hbm>>
      tpu.wait_dma2 semaphore(%arg12 : memref<!tpu.dma_semaphore, #tpu.memory_space<semaphore_mem>>) src(%dma_wait3A_346 : memref<2x128xi32, #tpu.memory_space<hbm>>) dst(%arg5 : memref<2x128xi32, #tpu.memory_space<vmem>>)
      %dma_start3A_347 = arith.constant 0 : i32
      %dma_start3A_348 = arith.constant 0 : i32
      %dma_start3A_349 = arith.constant 0 : i32
      %dma_start3A_350 = tpu.memref_slice %arg6[%dma_start3A_348, %dma_start3A_349] : memref<128x128xf32, #tpu.memory_space<vmem>> -> memref<64x128xf32, #tpu.memory_space<vmem>>
      %dma_start3A_351 = arith.constant 0 : i32
      %dma_start3A_352 = tpu.memref_slice %arg5[%dma_start3A_347, %dma_start3A_351] : memref<2x128xi32, #tpu.memory_space<vmem>> -> memref<1x64xi32, #tpu.memory_space<vmem>>
      %dma_start3A_353 = tpu.memref_squeeze %dma_start3A_352 : memref<1x64xi32, #tpu.memory_space<vmem>> -> memref<64xi32, #tpu.memory_space<vmem>>
      %dma_start3A_354 = arith.constant 0 : i32
      %dma_start3A_355 = arith.constant 0 : i32
      %dma_start3A_356 = tpu.memref_slice %arg3[%arg0, %dma_start3A_354, %dma_start3A_355] : memref<2x10000x128xf32, #tpu.memory_space<hbm>> -> memref<1x10000x128xf32, #tpu.memory_space<hbm>>
      %dma_start3A_357 = tpu.memref_squeeze %dma_start3A_356 : memref<1x10000x128xf32, #tpu.memory_space<hbm>> -> memref<10000x128xf32, #tpu.memory_space<hbm>>
      %dma_start3A_358 = arith.constant 0 : i32
      %dma_start3A_359 = arith.constant 0 : i32
      %dma_start3A_360 = tpu.memref_slice %dma_start3A_357[%dma_start3A_358, %dma_start3A_359] : memref<10000x128xf32, #tpu.memory_space<hbm>> -> memref<10000x128xf32, #tpu.memory_space<hbm>>
      tpu.enqueue_indirect_dma source(%dma_start3A_360 : memref<10000x128xf32, #tpu.memory_space<hbm>>) target(%dma_start3A_350 : memref<64x128xf32, #tpu.memory_space<vmem>>) offsets(%dma_start3A_353 : memref<64xi32, #tpu.memory_space<vmem>>) semaphore(%arg10 : memref<!tpu.dma_semaphore, #tpu.memory_space<semaphore_mem>>)
      %dma_start3A_361 = arith.constant 0 : i32
      %dma_start3A_362 = arith.constant 64 : i32
      %dma_start3A_363 = arith.constant 0 : i32
      %dma_start3A_364 = tpu.memref_slice %arg6[%dma_start3A_362, %dma_start3A_363] : memref<128x128xf32, #tpu.memory_space<vmem>> -> memref<64x128xf32, #tpu.memory_space<vmem>>
      %dma_start3A_365 = arith.constant 64 : i32
      %dma_start3A_366 = tpu.memref_slice %arg5[%dma_start3A_361, %dma_start3A_365] : memref<2x128xi32, #tpu.memory_space<vmem>> -> memref<1x64xi32, #tpu.memory_space<vmem>>
      %dma_start3A_367 = tpu.memref_squeeze %dma_start3A_366 : memref<1x64xi32, #tpu.memory_space<vmem>> -> memref<64xi32, #tpu.memory_space<vmem>>
      %dma_start3A_368 = arith.constant 0 : i32
      %dma_start3A_369 = arith.constant 0 : i32
      %dma_start3A_370 = tpu.memref_slice %arg3[%arg0, %dma_start3A_368, %dma_start3A_369] : memref<2x10000x128xf32, #tpu.memory_space<hbm>> -> memref<1x10000x128xf32, #tpu.memory_space<hbm>>
      %dma_start3A_371 = tpu.memref_squeeze %dma_start3A_370 : memref<1x10000x128xf32, #tpu.memory_space<hbm>> -> memref<10000x128xf32, #tpu.memory_space<hbm>>
      %dma_start3A_372 = arith.constant 0 : i32
      %dma_start3A_373 = arith.constant 0 : i32
      %dma_start3A_374 = tpu.memref_slice %dma_start3A_371[%dma_start3A_372, %dma_start3A_373] : memref<10000x128xf32, #tpu.memory_space<hbm>> -> memref<10000x128xf32, #tpu.memory_space<hbm>>
      tpu.enqueue_indirect_dma source(%dma_start3A_374 : memref<10000x128xf32, #tpu.memory_space<hbm>>) target(%dma_start3A_364 : memref<64x128xf32, #tpu.memory_space<vmem>>) offsets(%dma_start3A_367 : memref<64xi32, #tpu.memory_space<vmem>>) semaphore(%arg10 : memref<!tpu.dma_semaphore, #tpu.memory_space<semaphore_mem>>)
      %dma_wait3A_375 = arith.constant 0 : i32
      %dma_wait3A_376 = arith.constant 0 : i32
      %dma_wait3A_377 = arith.constant 0 : i32
      %dma_wait3A_378 = tpu.memref_slice %arg8[%dma_wait3A_376, %dma_wait3A_377] : memref<128x128xf32, #tpu.memory_space<vmem>> -> memref<64x128xf32, #tpu.memory_space<vmem>>
      %dma_wait3A_379 = arith.constant 0 : i32
      %dma_wait3A_380 = tpu.memref_slice %arg7[%dma_wait3A_375, %dma_wait3A_379] : memref<2x128xi32, #tpu.memory_space<vmem>> -> memref<1x64xi32, #tpu.memory_space<vmem>>
      %dma_wait3A_381 = tpu.memref_squeeze %dma_wait3A_380 : memref<1x64xi32, #tpu.memory_space<vmem>> -> memref<64xi32, #tpu.memory_space<vmem>>
      %dma_wait3A_382 = arith.constant 0 : i32
      %dma_wait3A_383 = arith.constant 0 : i32
      %dma_wait3A_384 = tpu.memref_slice %arg3[%arg0, %dma_wait3A_382, %dma_wait3A_383] : memref<2x10000x128xf32, #tpu.memory_space<hbm>> -> memref<1x10000x128xf32, #tpu.memory_space<hbm>>
      %dma_wait3A_385 = tpu.memref_squeeze %dma_wait3A_384 : memref<1x10000x128xf32, #tpu.memory_space<hbm>> -> memref<10000x128xf32, #tpu.memory_space<hbm>>
      %dma_wait3A_386 = arith.constant 0 : i32
      %dma_wait3A_387 = arith.constant 0 : i32
      %dma_wait3A_388 = tpu.memref_slice %dma_wait3A_385[%dma_wait3A_386, %dma_wait3A_387] : memref<10000x128xf32, #tpu.memory_space<hbm>> -> memref<10000x128xf32, #tpu.memory_space<hbm>>
      tpu.wait_indirect_dma semaphore(%arg11 : memref<!tpu.dma_semaphore, #tpu.memory_space<semaphore_mem>>) src(%dma_wait3A_388 : memref<10000x128xf32, #tpu.memory_space<hbm>>) dst(%dma_wait3A_378 : memref<64x128xf32, #tpu.memory_space<vmem>>)
      %dma_wait3A_389 = arith.constant 0 : i32
      %dma_wait3A_390 = arith.constant 64 : i32
      %dma_wait3A_391 = arith.constant 0 : i32
      %dma_wait3A_392 = tpu.memref_slice %arg8[%dma_wait3A_390, %dma_wait3A_391] : memref<128x128xf32, #tpu.memory_space<vmem>> -> memref<64x128xf32, #tpu.memory_space<vmem>>
      %dma_wait3A_393 = arith.constant 64 : i32
      %dma_wait3A_394 = tpu.memref_slice %arg7[%dma_wait3A_389, %dma_wait3A_393] : memref<2x128xi32, #tpu.memory_space<vmem>> -> memref<1x64xi32, #tpu.memory_space<vmem>>
      %dma_wait3A_395 = tpu.memref_squeeze %dma_wait3A_394 : memref<1x64xi32, #tpu.memory_space<vmem>> -> memref<64xi32, #tpu.memory_space<vmem>>
      %dma_wait3A_396 = arith.constant 0 : i32
      %dma_wait3A_397 = arith.constant 0 : i32
      %dma_wait3A_398 = tpu.memref_slice %arg3[%arg0, %dma_wait3A_396, %dma_wait3A_397] : memref<2x10000x128xf32, #tpu.memory_space<hbm>> -> memref<1x10000x128xf32, #tpu.memory_space<hbm>>
      %dma_wait3A_399 = tpu.memref_squeeze %dma_wait3A_398 : memref<1x10000x128xf32, #tpu.memory_space<hbm>> -> memref<10000x128xf32, #tpu.memory_space<hbm>>
      %dma_wait3A_400 = arith.constant 0 : i32
      %dma_wait3A_401 = arith.constant 0 : i32
      %dma_wait3A_402 = tpu.memref_slice %dma_wait3A_399[%dma_wait3A_400, %dma_wait3A_401] : memref<10000x128xf32, #tpu.memory_space<hbm>> -> memref<10000x128xf32, #tpu.memory_space<hbm>>
      tpu.wait_indirect_dma semaphore(%arg11 : memref<!tpu.dma_semaphore, #tpu.memory_space<semaphore_mem>>) src(%dma_wait3A_402 : memref<10000x128xf32, #tpu.memory_space<hbm>>) dst(%dma_wait3A_392 : memref<64x128xf32, #tpu.memory_space<vmem>>)
      %dma_start3A_403 = arith.constant 1 : i32
      %dma_start3A_404 = arith.constant 0 : i32
      %dma_start3A_405 = arith.constant 0 : i32
      %dma_start3A_406 = tpu.memref_slice %arg8[%dma_start3A_404, %dma_start3A_405] : memref<128x128xf32, #tpu.memory_space<vmem>> -> memref<64x128xf32, #tpu.memory_space<vmem>>
      %dma_start3A_407 = arith.constant 0 : i32
      %dma_start3A_408 = tpu.memref_slice %arg7[%dma_start3A_403, %dma_start3A_407] : memref<2x128xi32, #tpu.memory_space<vmem>> -> memref<1x64xi32, #tpu.memory_space<vmem>>
      %dma_start3A_409 = tpu.memref_squeeze %dma_start3A_408 : memref<1x64xi32, #tpu.memory_space<vmem>> -> memref<64xi32, #tpu.memory_space<vmem>>
      %dma_start3A_410 = arith.constant 0 : i32
      %dma_start3A_411 = arith.constant 0 : i32
      %dma_start3A_412 = tpu.memref_slice %arg9[%dma_start3A_410, %dma_start3A_411] : memref<10240x128xf32, #tpu.memory_space<vmem_shared>> -> memref<10240x128xf32, #tpu.memory_space<vmem_shared>>
      tpu.enqueue_indirect_dma source(%dma_start3A_406 : memref<64x128xf32, #tpu.memory_space<vmem>>) target(%dma_start3A_412 : memref<10240x128xf32, #tpu.memory_space<vmem_shared>>) offsets(%dma_start3A_409 : memref<64xi32, #tpu.memory_space<vmem>>) semaphore(%arg14 : memref<!tpu.dma_semaphore, #tpu.memory_space<semaphore_mem>>) {add = true}
      %dma_start3A_413 = arith.constant 1 : i32
      %dma_start3A_414 = arith.constant 64 : i32
      %dma_start3A_415 = arith.constant 0 : i32
      %dma_start3A_416 = tpu.memref_slice %arg8[%dma_start3A_414, %dma_start3A_415] : memref<128x128xf32, #tpu.memory_space<vmem>> -> memref<64x128xf32, #tpu.memory_space<vmem>>
      %dma_start3A_417 = arith.constant 64 : i32
      %dma_start3A_418 = tpu.memref_slice %arg7[%dma_start3A_413, %dma_start3A_417] : memref<2x128xi32, #tpu.memory_space<vmem>> -> memref<1x64xi32, #tpu.memory_space<vmem>>
      %dma_start3A_419 = tpu.memref_squeeze %dma_start3A_418 : memref<1x64xi32, #tpu.memory_space<vmem>> -> memref<64xi32, #tpu.memory_space<vmem>>
      %dma_start3A_420 = arith.constant 0 : i32
      %dma_start3A_421 = arith.constant 0 : i32
      %dma_start3A_422 = tpu.memref_slice %arg9[%dma_start3A_420, %dma_start3A_421] : memref<10240x128xf32, #tpu.memory_space<vmem_shared>> -> memref<10240x128xf32, #tpu.memory_space<vmem_shared>>
      tpu.enqueue_indirect_dma source(%dma_start3A_416 : memref<64x128xf32, #tpu.memory_space<vmem>>) target(%dma_start3A_422 : memref<10240x128xf32, #tpu.memory_space<vmem_shared>>) offsets(%dma_start3A_419 : memref<64xi32, #tpu.memory_space<vmem>>) semaphore(%arg14 : memref<!tpu.dma_semaphore, #tpu.memory_space<semaphore_mem>>) {add = true}
      %mul3A_423 = arith.constant 2 : i32
      %mul3A_424 = arith.muli %mul3A_423, %scan3A_298 : i32
      %add3A_425 = arith.constant 1 : i32
      %add3A_426 = arith.addi %mul3A_424, %add3A_425 : i32
      %add3A_427 = arith.constant 1 : i32
      %add3A_428 = arith.addi %add3A_426, %add3A_427 : i32
      %dma_wait3A_429 = arith.constant 1 : i32
      %dma_wait3A_430 = arith.constant 0 : i32
      %dma_wait3A_431 = arith.constant 0 : i32
      %dma_wait3A_432 = tpu.memref_slice %arg8[%dma_wait3A_430, %dma_wait3A_431] : memref<128x128xf32, #tpu.memory_space<vmem>> -> memref<64x128xf32, #tpu.memory_space<vmem>>
      %dma_wait3A_433 = arith.constant 0 : i32
      %dma_wait3A_434 = tpu.memref_slice %arg7[%dma_wait3A_429, %dma_wait3A_433] : memref<2x128xi32, #tpu.memory_space<vmem>> -> memref<1x64xi32, #tpu.memory_space<vmem>>
      %dma_wait3A_435 = tpu.memref_squeeze %dma_wait3A_434 : memref<1x64xi32, #tpu.memory_space<vmem>> -> memref<64xi32, #tpu.memory_space<vmem>>
      %dma_wait3A_436 = arith.constant 0 : i32
      %dma_wait3A_437 = arith.constant 0 : i32
      %dma_wait3A_438 = tpu.memref_slice %arg9[%dma_wait3A_436, %dma_wait3A_437] : memref<10240x128xf32, #tpu.memory_space<vmem_shared>> -> memref<10240x128xf32, #tpu.memory_space<vmem_shared>>
      tpu.wait_indirect_dma semaphore(%arg14 : memref<!tpu.dma_semaphore, #tpu.memory_space<semaphore_mem>>) src(%dma_wait3A_432 : memref<64x128xf32, #tpu.memory_space<vmem>>) dst(%dma_wait3A_438 : memref<10240x128xf32, #tpu.memory_space<vmem_shared>>)
      %dma_wait3A_439 = arith.constant 1 : i32
      %dma_wait3A_440 = arith.constant 64 : i32
      %dma_wait3A_441 = arith.constant 0 : i32
      %dma_wait3A_442 = tpu.memref_slice %arg8[%dma_wait3A_440, %dma_wait3A_441] : memref<128x128xf32, #tpu.memory_space<vmem>> -> memref<64x128xf32, #tpu.memory_space<vmem>>
      %dma_wait3A_443 = arith.constant 64 : i32
      %dma_wait3A_444 = tpu.memref_slice %arg7[%dma_wait3A_439, %dma_wait3A_443] : memref<2x128xi32, #tpu.memory_space<vmem>> -> memref<1x64xi32, #tpu.memory_space<vmem>>
      %dma_wait3A_445 = tpu.memref_squeeze %dma_wait3A_444 : memref<1x64xi32, #tpu.memory_space<vmem>> -> memref<64xi32, #tpu.memory_space<vmem>>
      %dma_wait3A_446 = arith.constant 0 : i32
      %dma_wait3A_447 = arith.constant 0 : i32
      %dma_wait3A_448 = tpu.memref_slice %arg9[%dma_wait3A_446, %dma_wait3A_447] : memref<10240x128xf32, #tpu.memory_space<vmem_shared>> -> memref<10240x128xf32, #tpu.memory_space<vmem_shared>>
      tpu.wait_indirect_dma semaphore(%arg14 : memref<!tpu.dma_semaphore, #tpu.memory_space<semaphore_mem>>) src(%dma_wait3A_442 : memref<64x128xf32, #tpu.memory_space<vmem>>) dst(%dma_wait3A_448 : memref<10240x128xf32, #tpu.memory_space<vmem_shared>>)
      %add3A_449 = arith.constant 1 : i32
      %add3A_450 = arith.addi %add3A_428, %add3A_449 : i32
      %mul3A_451 = arith.constant 16 : i32
      %mul3A_452 = arith.muli %mul3A_451, %add3A_450 : i32
      %add3A_453 = arith.addi %arg1, %mul3A_452 : i32
      %dma_start3A_454 = arith.constant 0 : i32
      %dma_start3A_455 = arith.constant 0 : i32
      %dma_start3A_456 = tpu.memref_slice %arg2[%add3A_453, %dma_start3A_454, %dma_start3A_455] : memref<1296x2x128xi32, #tpu.memory_space<hbm>> -> memref<1x2x128xi32, #tpu.memory_space<hbm>>
      %dma_start3A_457 = tpu.memref_squeeze %dma_start3A_456 : memref<1x2x128xi32, #tpu.memory_space<hbm>> -> memref<2x128xi32, #tpu.memory_space<hbm>>
      %dma_start3A_458 = arith.constant 0 : i32
      %dma_start3A_459 = arith.constant 0 : i32
      %dma_start3A_460 = tpu.memref_slice %arg2[%add3A_453, %dma_start3A_458, %dma_start3A_459] : memref<1296x2x128xi32, #tpu.memory_space<hbm>> -> memref<1x2x128xi32, #tpu.memory_space<hbm>>
      %dma_start3A_461 = tpu.memref_squeeze %dma_start3A_460 : memref<1x2x128xi32, #tpu.memory_space<hbm>> -> memref<2x128xi32, #tpu.memory_space<hbm>>
      tpu.enqueue_dma source(%dma_start3A_461 : memref<2x128xi32, #tpu.memory_space<hbm>>) target(%arg7 : memref<2x128xi32, #tpu.memory_space<vmem>>) target_semaphore(%arg12 : memref<!tpu.dma_semaphore, #tpu.memory_space<semaphore_mem>>)
      %dma_wait3A_462 = arith.constant 0 : i32
      %dma_wait3A_463 = arith.constant 0 : i32
      %dma_wait3A_464 = tpu.memref_slice %arg2[%add3A_453, %dma_wait3A_462, %dma_wait3A_463] : memref<1296x2x128xi32, #tpu.memory_space<hbm>> -> memref<1x2x128xi32, #tpu.memory_space<hbm>>
      %dma_wait3A_465 = tpu.memref_squeeze %dma_wait3A_464 : memref<1x2x128xi32, #tpu.memory_space<hbm>> -> memref<2x128xi32, #tpu.memory_space<hbm>>
      %dma_wait3A_466 = arith.constant 0 : i32
      %dma_wait3A_467 = arith.constant 0 : i32
      %dma_wait3A_468 = tpu.memref_slice %arg2[%add3A_453, %dma_wait3A_466, %dma_wait3A_467] : memref<1296x2x128xi32, #tpu.memory_space<hbm>> -> memref<1x2x128xi32, #tpu.memory_space<hbm>>
      %dma_wait3A_469 = tpu.memref_squeeze %dma_wait3A_468 : memref<1x2x128xi32, #tpu.memory_space<hbm>> -> memref<2x128xi32, #tpu.memory_space<hbm>>
      tpu.wait_dma2 semaphore(%arg12 : memref<!tpu.dma_semaphore, #tpu.memory_space<semaphore_mem>>) src(%dma_wait3A_469 : memref<2x128xi32, #tpu.memory_space<hbm>>) dst(%arg7 : memref<2x128xi32, #tpu.memory_space<vmem>>)
      %dma_start3A_470 = arith.constant 0 : i32
      %dma_start3A_471 = arith.constant 0 : i32
      %dma_start3A_472 = arith.constant 0 : i32
      %dma_start3A_473 = tpu.memref_slice %arg8[%dma_start3A_471, %dma_start3A_472] : memref<128x128xf32, #tpu.memory_space<vmem>> -> memref<64x128xf32, #tpu.memory_space<vmem>>
      %dma_start3A_474 = arith.constant 0 : i32
      %dma_start3A_475 = tpu.memref_slice %arg7[%dma_start3A_470, %dma_start3A_474] : memref<2x128xi32, #tpu.memory_space<vmem>> -> memref<1x64xi32, #tpu.memory_space<vmem>>
      %dma_start3A_476 = tpu.memref_squeeze %dma_start3A_475 : memref<1x64xi32, #tpu.memory_space<vmem>> -> memref<64xi32, #tpu.memory_space<vmem>>
      %dma_start3A_477 = arith.constant 0 : i32
      %dma_start3A_478 = arith.constant 0 : i32
      %dma_start3A_479 = tpu.memref_slice %arg3[%arg0, %dma_start3A_477, %dma_start3A_478] : memref<2x10000x128xf32, #tpu.memory_space<hbm>> -> memref<1x10000x128xf32, #tpu.memory_space<hbm>>
      %dma_start3A_480 = tpu.memref_squeeze %dma_start3A_479 : memref<1x10000x128xf32, #tpu.memory_space<hbm>> -> memref<10000x128xf32, #tpu.memory_space<hbm>>
      %dma_start3A_481 = arith.constant 0 : i32
      %dma_start3A_482 = arith.constant 0 : i32
      %dma_start3A_483 = tpu.memref_slice %dma_start3A_480[%dma_start3A_481, %dma_start3A_482] : memref<10000x128xf32, #tpu.memory_space<hbm>> -> memref<10000x128xf32, #tpu.memory_space<hbm>>
      tpu.enqueue_indirect_dma source(%dma_start3A_483 : memref<10000x128xf32, #tpu.memory_space<hbm>>) target(%dma_start3A_473 : memref<64x128xf32, #tpu.memory_space<vmem>>) offsets(%dma_start3A_476 : memref<64xi32, #tpu.memory_space<vmem>>) semaphore(%arg11 : memref<!tpu.dma_semaphore, #tpu.memory_space<semaphore_mem>>)
      %dma_start3A_484 = arith.constant 0 : i32
      %dma_start3A_485 = arith.constant 64 : i32
      %dma_start3A_486 = arith.constant 0 : i32
      %dma_start3A_487 = tpu.memref_slice %arg8[%dma_start3A_485, %dma_start3A_486] : memref<128x128xf32, #tpu.memory_space<vmem>> -> memref<64x128xf32, #tpu.memory_space<vmem>>
      %dma_start3A_488 = arith.constant 64 : i32
      %dma_start3A_489 = tpu.memref_slice %arg7[%dma_start3A_484, %dma_start3A_488] : memref<2x128xi32, #tpu.memory_space<vmem>> -> memref<1x64xi32, #tpu.memory_space<vmem>>
      %dma_start3A_490 = tpu.memref_squeeze %dma_start3A_489 : memref<1x64xi32, #tpu.memory_space<vmem>> -> memref<64xi32, #tpu.memory_space<vmem>>
      %dma_start3A_491 = arith.constant 0 : i32
      %dma_start3A_492 = arith.constant 0 : i32
      %dma_start3A_493 = tpu.memref_slice %arg3[%arg0, %dma_start3A_491, %dma_start3A_492] : memref<2x10000x128xf32, #tpu.memory_space<hbm>> -> memref<1x10000x128xf32, #tpu.memory_space<hbm>>
      %dma_start3A_494 = tpu.memref_squeeze %dma_start3A_493 : memref<1x10000x128xf32, #tpu.memory_space<hbm>> -> memref<10000x128xf32, #tpu.memory_space<hbm>>
      %dma_start3A_495 = arith.constant 0 : i32
      %dma_start3A_496 = arith.constant 0 : i32
      %dma_start3A_497 = tpu.memref_slice %dma_start3A_494[%dma_start3A_495, %dma_start3A_496] : memref<10000x128xf32, #tpu.memory_space<hbm>> -> memref<10000x128xf32, #tpu.memory_space<hbm>>
      tpu.enqueue_indirect_dma source(%dma_start3A_497 : memref<10000x128xf32, #tpu.memory_space<hbm>>) target(%dma_start3A_487 : memref<64x128xf32, #tpu.memory_space<vmem>>) offsets(%dma_start3A_490 : memref<64xi32, #tpu.memory_space<vmem>>) semaphore(%arg11 : memref<!tpu.dma_semaphore, #tpu.memory_space<semaphore_mem>>)
      %dma_wait3A_498 = arith.constant 0 : i32
      %dma_wait3A_499 = arith.constant 0 : i32
      %dma_wait3A_500 = arith.constant 0 : i32
      %dma_wait3A_501 = tpu.memref_slice %arg6[%dma_wait3A_499, %dma_wait3A_500] : memref<128x128xf32, #tpu.memory_space<vmem>> -> memref<64x128xf32, #tpu.memory_space<vmem>>
      %dma_wait3A_502 = arith.constant 0 : i32
      %dma_wait3A_503 = tpu.memref_slice %arg5[%dma_wait3A_498, %dma_wait3A_502] : memref<2x128xi32, #tpu.memory_space<vmem>> -> memref<1x64xi32, #tpu.memory_space<vmem>>
      %dma_wait3A_504 = tpu.memref_squeeze %dma_wait3A_503 : memref<1x64xi32, #tpu.memory_space<vmem>> -> memref<64xi32, #tpu.memory_space<vmem>>
      %dma_wait3A_505 = arith.constant 0 : i32
      %dma_wait3A_506 = arith.constant 0 : i32
      %dma_wait3A_507 = tpu.memref_slice %arg3[%arg0, %dma_wait3A_505, %dma_wait3A_506] : memref<2x10000x128xf32, #tpu.memory_space<hbm>> -> memref<1x10000x128xf32, #tpu.memory_space<hbm>>
      %dma_wait3A_508 = tpu.memref_squeeze %dma_wait3A_507 : memref<1x10000x128xf32, #tpu.memory_space<hbm>> -> memref<10000x128xf32, #tpu.memory_space<hbm>>
      %dma_wait3A_509 = arith.constant 0 : i32
      %dma_wait3A_510 = arith.constant 0 : i32
      %dma_wait3A_511 = tpu.memref_slice %dma_wait3A_508[%dma_wait3A_509, %dma_wait3A_510] : memref<10000x128xf32, #tpu.memory_space<hbm>> -> memref<10000x128xf32, #tpu.memory_space<hbm>>
      tpu.wait_indirect_dma semaphore(%arg10 : memref<!tpu.dma_semaphore, #tpu.memory_space<semaphore_mem>>) src(%dma_wait3A_511 : memref<10000x128xf32, #tpu.memory_space<hbm>>) dst(%dma_wait3A_501 : memref<64x128xf32, #tpu.memory_space<vmem>>)
      %dma_wait3A_512 = arith.constant 0 : i32
      %dma_wait3A_513 = arith.constant 64 : i32
      %dma_wait3A_514 = arith.constant 0 : i32
      %dma_wait3A_515 = tpu.memref_slice %arg6[%dma_wait3A_513, %dma_wait3A_514] : memref<128x128xf32, #tpu.memory_space<vmem>> -> memref<64x128xf32, #tpu.memory_space<vmem>>
      %dma_wait3A_516 = arith.constant 64 : i32
      %dma_wait3A_517 = tpu.memref_slice %arg5[%dma_wait3A_512, %dma_wait3A_516] : memref<2x128xi32, #tpu.memory_space<vmem>> -> memref<1x64xi32, #tpu.memory_space<vmem>>
      %dma_wait3A_518 = tpu.memref_squeeze %dma_wait3A_517 : memref<1x64xi32, #tpu.memory_space<vmem>> -> memref<64xi32, #tpu.memory_space<vmem>>
      %dma_wait3A_519 = arith.constant 0 : i32
      %dma_wait3A_520 = arith.constant 0 : i32
      %dma_wait3A_521 = tpu.memref_slice %arg3[%arg0, %dma_wait3A_519, %dma_wait3A_520] : memref<2x10000x128xf32, #tpu.memory_space<hbm>> -> memref<1x10000x128xf32, #tpu.memory_space<hbm>>
      %dma_wait3A_522 = tpu.memref_squeeze %dma_wait3A_521 : memref<1x10000x128xf32, #tpu.memory_space<hbm>> -> memref<10000x128xf32, #tpu.memory_space<hbm>>
      %dma_wait3A_523 = arith.constant 0 : i32
      %dma_wait3A_524 = arith.constant 0 : i32
      %dma_wait3A_525 = tpu.memref_slice %dma_wait3A_522[%dma_wait3A_523, %dma_wait3A_524] : memref<10000x128xf32, #tpu.memory_space<hbm>> -> memref<10000x128xf32, #tpu.memory_space<hbm>>
      tpu.wait_indirect_dma semaphore(%arg10 : memref<!tpu.dma_semaphore, #tpu.memory_space<semaphore_mem>>) src(%dma_wait3A_525 : memref<10000x128xf32, #tpu.memory_space<hbm>>) dst(%dma_wait3A_515 : memref<64x128xf32, #tpu.memory_space<vmem>>)
      %dma_start3A_526 = arith.constant 1 : i32
      %dma_start3A_527 = arith.constant 0 : i32
      %dma_start3A_528 = arith.constant 0 : i32
      %dma_start3A_529 = tpu.memref_slice %arg6[%dma_start3A_527, %dma_start3A_528] : memref<128x128xf32, #tpu.memory_space<vmem>> -> memref<64x128xf32, #tpu.memory_space<vmem>>
      %dma_start3A_530 = arith.constant 0 : i32
      %dma_start3A_531 = tpu.memref_slice %arg5[%dma_start3A_526, %dma_start3A_530] : memref<2x128xi32, #tpu.memory_space<vmem>> -> memref<1x64xi32, #tpu.memory_space<vmem>>
      %dma_start3A_532 = tpu.memref_squeeze %dma_start3A_531 : memref<1x64xi32, #tpu.memory_space<vmem>> -> memref<64xi32, #tpu.memory_space<vmem>>
      %dma_start3A_533 = arith.constant 0 : i32
      %dma_start3A_534 = arith.constant 0 : i32
      %dma_start3A_535 = tpu.memref_slice %arg9[%dma_start3A_533, %dma_start3A_534] : memref<10240x128xf32, #tpu.memory_space<vmem_shared>> -> memref<10240x128xf32, #tpu.memory_space<vmem_shared>>
      tpu.enqueue_indirect_dma source(%dma_start3A_529 : memref<64x128xf32, #tpu.memory_space<vmem>>) target(%dma_start3A_535 : memref<10240x128xf32, #tpu.memory_space<vmem_shared>>) offsets(%dma_start3A_532 : memref<64xi32, #tpu.memory_space<vmem>>) semaphore(%arg13 : memref<!tpu.dma_semaphore, #tpu.memory_space<semaphore_mem>>) {add = true}
      %dma_start3A_536 = arith.constant 1 : i32
      %dma_start3A_537 = arith.constant 64 : i32
      %dma_start3A_538 = arith.constant 0 : i32
      %dma_start3A_539 = tpu.memref_slice %arg6[%dma_start3A_537, %dma_start3A_538] : memref<128x128xf32, #tpu.memory_space<vmem>> -> memref<64x128xf32, #tpu.memory_space<vmem>>
      %dma_start3A_540 = arith.constant 64 : i32
      %dma_start3A_541 = tpu.memref_slice %arg5[%dma_start3A_536, %dma_start3A_540] : memref<2x128xi32, #tpu.memory_space<vmem>> -> memref<1x64xi32, #tpu.memory_space<vmem>>
      %dma_start3A_542 = tpu.memref_squeeze %dma_start3A_541 : memref<1x64xi32, #tpu.memory_space<vmem>> -> memref<64xi32, #tpu.memory_space<vmem>>
      %dma_start3A_543 = arith.constant 0 : i32
      %dma_start3A_544 = arith.constant 0 : i32
      %dma_start3A_545 = tpu.memref_slice %arg9[%dma_start3A_543, %dma_start3A_544] : memref<10240x128xf32, #tpu.memory_space<vmem_shared>> -> memref<10240x128xf32, #tpu.memory_space<vmem_shared>>
      tpu.enqueue_indirect_dma source(%dma_start3A_539 : memref<64x128xf32, #tpu.memory_space<vmem>>) target(%dma_start3A_545 : memref<10240x128xf32, #tpu.memory_space<vmem_shared>>) offsets(%dma_start3A_542 : memref<64xi32, #tpu.memory_space<vmem>>) semaphore(%arg13 : memref<!tpu.dma_semaphore, #tpu.memory_space<semaphore_mem>>) {add = true}
      %scan3A_546 = arith.constant 0 : i32
      scf.yield %scan3A_546 : i32
    }
    %scan3A_168 = arith.constant 39 : i32
    %dma_wait3A_169 = arith.constant 1 : i32
    %dma_wait3A_170 = arith.constant 0 : i32
    %dma_wait3A_171 = arith.constant 0 : i32
    %dma_wait3A_172 = tpu.memref_slice %arg6[%dma_wait3A_170, %dma_wait3A_171] : memref<128x128xf32, #tpu.memory_space<vmem>> -> memref<64x128xf32, #tpu.memory_space<vmem>>
    %dma_wait3A_173 = arith.constant 0 : i32
    %dma_wait3A_174 = tpu.memref_slice %arg5[%dma_wait3A_169, %dma_wait3A_173] : memref<2x128xi32, #tpu.memory_space<vmem>> -> memref<1x64xi32, #tpu.memory_space<vmem>>
    %dma_wait3A_175 = tpu.memref_squeeze %dma_wait3A_174 : memref<1x64xi32, #tpu.memory_space<vmem>> -> memref<64xi32, #tpu.memory_space<vmem>>
    %dma_wait3A_176 = arith.constant 0 : i32
    %dma_wait3A_177 = arith.constant 0 : i32
    %dma_wait3A_178 = tpu.memref_slice %arg9[%dma_wait3A_176, %dma_wait3A_177] : memref<10240x128xf32, #tpu.memory_space<vmem_shared>> -> memref<10240x128xf32, #tpu.memory_space<vmem_shared>>
    tpu.wait_indirect_dma semaphore(%arg13 : memref<!tpu.dma_semaphore, #tpu.memory_space<semaphore_mem>>) src(%dma_wait3A_172 : memref<64x128xf32, #tpu.memory_space<vmem>>) dst(%dma_wait3A_178 : memref<10240x128xf32, #tpu.memory_space<vmem_shared>>)
    %dma_wait3A_179 = arith.constant 1 : i32
    %dma_wait3A_180 = arith.constant 64 : i32
    %dma_wait3A_181 = arith.constant 0 : i32
    %dma_wait3A_182 = tpu.memref_slice %arg6[%dma_wait3A_180, %dma_wait3A_181] : memref<128x128xf32, #tpu.memory_space<vmem>> -> memref<64x128xf32, #tpu.memory_space<vmem>>
    %dma_wait3A_183 = arith.constant 64 : i32
    %dma_wait3A_184 = tpu.memref_slice %arg5[%dma_wait3A_179, %dma_wait3A_183] : memref<2x128xi32, #tpu.memory_space<vmem>> -> memref<1x64xi32, #tpu.memory_space<vmem>>
    %dma_wait3A_185 = tpu.memref_squeeze %dma_wait3A_184 : memref<1x64xi32, #tpu.memory_space<vmem>> -> memref<64xi32, #tpu.memory_space<vmem>>
    %dma_wait3A_186 = arith.constant 0 : i32
    %dma_wait3A_187 = arith.constant 0 : i32
    %dma_wait3A_188 = tpu.memref_slice %arg9[%dma_wait3A_186, %dma_wait3A_187] : memref<10240x128xf32, #tpu.memory_space<vmem_shared>> -> memref<10240x128xf32, #tpu.memory_space<vmem_shared>>
    tpu.wait_indirect_dma semaphore(%arg13 : memref<!tpu.dma_semaphore, #tpu.memory_space<semaphore_mem>>) src(%dma_wait3A_182 : memref<64x128xf32, #tpu.memory_space<vmem>>) dst(%dma_wait3A_188 : memref<10240x128xf32, #tpu.memory_space<vmem_shared>>)
    %dma_wait3A_189 = arith.constant 0 : i32
    %dma_wait3A_190 = arith.constant 0 : i32
    %dma_wait3A_191 = arith.constant 0 : i32
    %dma_wait3A_192 = tpu.memref_slice %arg8[%dma_wait3A_190, %dma_wait3A_191] : memref<128x128xf32, #tpu.memory_space<vmem>> -> memref<64x128xf32, #tpu.memory_space<vmem>>
    %dma_wait3A_193 = arith.constant 0 : i32
    %dma_wait3A_194 = tpu.memref_slice %arg7[%dma_wait3A_189, %dma_wait3A_193] : memref<2x128xi32, #tpu.memory_space<vmem>> -> memref<1x64xi32, #tpu.memory_space<vmem>>
    %dma_wait3A_195 = tpu.memref_squeeze %dma_wait3A_194 : memref<1x64xi32, #tpu.memory_space<vmem>> -> memref<64xi32, #tpu.memory_space<vmem>>
    %dma_wait3A_196 = arith.constant 0 : i32
    %dma_wait3A_197 = arith.constant 0 : i32
    %dma_wait3A_198 = tpu.memref_slice %arg3[%arg0, %dma_wait3A_196, %dma_wait3A_197] : memref<2x10000x128xf32, #tpu.memory_space<hbm>> -> memref<1x10000x128xf32, #tpu.memory_space<hbm>>
    %dma_wait3A_199 = tpu.memref_squeeze %dma_wait3A_198 : memref<1x10000x128xf32, #tpu.memory_space<hbm>> -> memref<10000x128xf32, #tpu.memory_space<hbm>>
    %dma_wait3A_200 = arith.constant 0 : i32
    %dma_wait3A_201 = arith.constant 0 : i32
    %dma_wait3A_202 = tpu.memref_slice %dma_wait3A_199[%dma_wait3A_200, %dma_wait3A_201] : memref<10000x128xf32, #tpu.memory_space<hbm>> -> memref<10000x128xf32, #tpu.memory_space<hbm>>
    tpu.wait_indirect_dma semaphore(%arg11 : memref<!tpu.dma_semaphore, #tpu.memory_space<semaphore_mem>>) src(%dma_wait3A_202 : memref<10000x128xf32, #tpu.memory_space<hbm>>) dst(%dma_wait3A_192 : memref<64x128xf32, #tpu.memory_space<vmem>>)
    %dma_wait3A_203 = arith.constant 0 : i32
    %dma_wait3A_204 = arith.constant 64 : i32
    %dma_wait3A_205 = arith.constant 0 : i32
    %dma_wait3A_206 = tpu.memref_slice %arg8[%dma_wait3A_204, %dma_wait3A_205] : memref<128x128xf32, #tpu.memory_space<vmem>> -> memref<64x128xf32, #tpu.memory_space<vmem>>
    %dma_wait3A_207 = arith.constant 64 : i32
    %dma_wait3A_208 = tpu.memref_slice %arg7[%dma_wait3A_203, %dma_wait3A_207] : memref<2x128xi32, #tpu.memory_space<vmem>> -> memref<1x64xi32, #tpu.memory_space<vmem>>
    %dma_wait3A_209 = tpu.memref_squeeze %dma_wait3A_208 : memref<1x64xi32, #tpu.memory_space<vmem>> -> memref<64xi32, #tpu.memory_space<vmem>>
    %dma_wait3A_210 = arith.constant 0 : i32
    %dma_wait3A_211 = arith.constant 0 : i32
    %dma_wait3A_212 = tpu.memref_slice %arg3[%arg0, %dma_wait3A_210, %dma_wait3A_211] : memref<2x10000x128xf32, #tpu.memory_space<hbm>> -> memref<1x10000x128xf32, #tpu.memory_space<hbm>>
    %dma_wait3A_213 = tpu.memref_squeeze %dma_wait3A_212 : memref<1x10000x128xf32, #tpu.memory_space<hbm>> -> memref<10000x128xf32, #tpu.memory_space<hbm>>
    %dma_wait3A_214 = arith.constant 0 : i32
    %dma_wait3A_215 = arith.constant 0 : i32
    %dma_wait3A_216 = tpu.memref_slice %dma_wait3A_213[%dma_wait3A_214, %dma_wait3A_215] : memref<10000x128xf32, #tpu.memory_space<hbm>> -> memref<10000x128xf32, #tpu.memory_space<hbm>>
    tpu.wait_indirect_dma semaphore(%arg11 : memref<!tpu.dma_semaphore, #tpu.memory_space<semaphore_mem>>) src(%dma_wait3A_216 : memref<10000x128xf32, #tpu.memory_space<hbm>>) dst(%dma_wait3A_206 : memref<64x128xf32, #tpu.memory_space<vmem>>)
    %dma_start3A_217 = arith.constant 1 : i32
    %dma_start3A_218 = arith.constant 0 : i32
    %dma_start3A_219 = arith.constant 0 : i32
    %dma_start3A_220 = tpu.memref_slice %arg8[%dma_start3A_218, %dma_start3A_219] : memref<128x128xf32, #tpu.memory_space<vmem>> -> memref<64x128xf32, #tpu.memory_space<vmem>>
    %dma_start3A_221 = arith.constant 0 : i32
    %dma_start3A_222 = tpu.memref_slice %arg7[%dma_start3A_217, %dma_start3A_221] : memref<2x128xi32, #tpu.memory_space<vmem>> -> memref<1x64xi32, #tpu.memory_space<vmem>>
    %dma_start3A_223 = tpu.memref_squeeze %dma_start3A_222 : memref<1x64xi32, #tpu.memory_space<vmem>> -> memref<64xi32, #tpu.memory_space<vmem>>
    %dma_start3A_224 = arith.constant 0 : i32
    %dma_start3A_225 = arith.constant 0 : i32
    %dma_start3A_226 = tpu.memref_slice %arg9[%dma_start3A_224, %dma_start3A_225] : memref<10240x128xf32, #tpu.memory_space<vmem_shared>> -> memref<10240x128xf32, #tpu.memory_space<vmem_shared>>
    tpu.enqueue_indirect_dma source(%dma_start3A_220 : memref<64x128xf32, #tpu.memory_space<vmem>>) target(%dma_start3A_226 : memref<10240x128xf32, #tpu.memory_space<vmem_shared>>) offsets(%dma_start3A_223 : memref<64xi32, #tpu.memory_space<vmem>>) semaphore(%arg14 : memref<!tpu.dma_semaphore, #tpu.memory_space<semaphore_mem>>) {add = true}
    %dma_start3A_227 = arith.constant 1 : i32
    %dma_start3A_228 = arith.constant 64 : i32
    %dma_start3A_229 = arith.constant 0 : i32
    %dma_start3A_230 = tpu.memref_slice %arg8[%dma_start3A_228, %dma_start3A_229] : memref<128x128xf32, #tpu.memory_space<vmem>> -> memref<64x128xf32, #tpu.memory_space<vmem>>
    %dma_start3A_231 = arith.constant 64 : i32
    %dma_start3A_232 = tpu.memref_slice %arg7[%dma_start3A_227, %dma_start3A_231] : memref<2x128xi32, #tpu.memory_space<vmem>> -> memref<1x64xi32, #tpu.memory_space<vmem>>
    %dma_start3A_233 = tpu.memref_squeeze %dma_start3A_232 : memref<1x64xi32, #tpu.memory_space<vmem>> -> memref<64xi32, #tpu.memory_space<vmem>>
    %dma_start3A_234 = arith.constant 0 : i32
    %dma_start3A_235 = arith.constant 0 : i32
    %dma_start3A_236 = tpu.memref_slice %arg9[%dma_start3A_234, %dma_start3A_235] : memref<10240x128xf32, #tpu.memory_space<vmem_shared>> -> memref<10240x128xf32, #tpu.memory_space<vmem_shared>>
    tpu.enqueue_indirect_dma source(%dma_start3A_230 : memref<64x128xf32, #tpu.memory_space<vmem>>) target(%dma_start3A_236 : memref<10240x128xf32, #tpu.memory_space<vmem_shared>>) offsets(%dma_start3A_233 : memref<64xi32, #tpu.memory_space<vmem>>) semaphore(%arg14 : memref<!tpu.dma_semaphore, #tpu.memory_space<semaphore_mem>>) {add = true}
    %dma_wait3A_237 = arith.constant 1 : i32
    %dma_wait3A_238 = arith.constant 0 : i32
    %dma_wait3A_239 = arith.constant 0 : i32
    %dma_wait3A_240 = tpu.memref_slice %arg8[%dma_wait3A_238, %dma_wait3A_239] : memref<128x128xf32, #tpu.memory_space<vmem>> -> memref<64x128xf32, #tpu.memory_space<vmem>>
    %dma_wait3A_241 = arith.constant 0 : i32
    %dma_wait3A_242 = tpu.memref_slice %arg7[%dma_wait3A_237, %dma_wait3A_241] : memref<2x128xi32, #tpu.memory_space<vmem>> -> memref<1x64xi32, #tpu.memory_space<vmem>>
    %dma_wait3A_243 = tpu.memref_squeeze %dma_wait3A_242 : memref<1x64xi32, #tpu.memory_space<vmem>> -> memref<64xi32, #tpu.memory_space<vmem>>
    %dma_wait3A_244 = arith.constant 0 : i32
    %dma_wait3A_245 = arith.constant 0 : i32
    %dma_wait3A_246 = tpu.memref_slice %arg9[%dma_wait3A_244, %dma_wait3A_245] : memref<10240x128xf32, #tpu.memory_space<vmem_shared>> -> memref<10240x128xf32, #tpu.memory_space<vmem_shared>>
    tpu.wait_indirect_dma semaphore(%arg14 : memref<!tpu.dma_semaphore, #tpu.memory_space<semaphore_mem>>) src(%dma_wait3A_240 : memref<64x128xf32, #tpu.memory_space<vmem>>) dst(%dma_wait3A_246 : memref<10240x128xf32, #tpu.memory_space<vmem_shared>>)
    %dma_wait3A_247 = arith.constant 1 : i32
    %dma_wait3A_248 = arith.constant 64 : i32
    %dma_wait3A_249 = arith.constant 0 : i32
    %dma_wait3A_250 = tpu.memref_slice %arg8[%dma_wait3A_248, %dma_wait3A_249] : memref<128x128xf32, #tpu.memory_space<vmem>> -> memref<64x128xf32, #tpu.memory_space<vmem>>
    %dma_wait3A_251 = arith.constant 64 : i32
    %dma_wait3A_252 = tpu.memref_slice %arg7[%dma_wait3A_247, %dma_wait3A_251] : memref<2x128xi32, #tpu.memory_space<vmem>> -> memref<1x64xi32, #tpu.memory_space<vmem>>
    %dma_wait3A_253 = tpu.memref_squeeze %dma_wait3A_252 : memref<1x64xi32, #tpu.memory_space<vmem>> -> memref<64xi32, #tpu.memory_space<vmem>>
    %dma_wait3A_254 = arith.constant 0 : i32
    %dma_wait3A_255 = arith.constant 0 : i32
    %dma_wait3A_256 = tpu.memref_slice %arg9[%dma_wait3A_254, %dma_wait3A_255] : memref<10240x128xf32, #tpu.memory_space<vmem_shared>> -> memref<10240x128xf32, #tpu.memory_space<vmem_shared>>
    tpu.wait_indirect_dma semaphore(%arg14 : memref<!tpu.dma_semaphore, #tpu.memory_space<semaphore_mem>>) src(%dma_wait3A_250 : memref<64x128xf32, #tpu.memory_space<vmem>>) dst(%dma_wait3A_256 : memref<10240x128xf32, #tpu.memory_space<vmem_shared>>)
    %barrier3A_257 = arith.constant 0 : index
    tpu.barrier barrier_id(%barrier3A_257)
    %mul3A_258 = arith.constant 640 : i32
    %mul3A_259 = arith.muli %arg1, %mul3A_258 : i32
    %add3A_260 = arith.constant 0 : i32
    %add3A_261 = arith.addi %mul3A_259, %add3A_260 : i32
    "tpu.region"() ({
      %run_scoped3A = tpu.sem_alloc : memref<!tpu.dma_semaphore, #tpu.memory_space<semaphore_mem>>
      %dma_start3A_298 = arith.constant 0 : i32
      %dma_start3A_299 = tpu.memref_slice %arg9[%add3A_261, %dma_start3A_298] : memref<10240x128xf32, #tpu.memory_space<vmem_shared>> -> memref<128x128xf32, #tpu.memory_space<vmem_shared>>
      %dma_start3A_300 = arith.constant 0 : i32
      %dma_start3A_301 = tpu.memref_slice %arg9[%add3A_261, %dma_start3A_300] : memref<10240x128xf32, #tpu.memory_space<vmem_shared>> -> memref<128x128xf32, #tpu.memory_space<vmem_shared>>
      tpu.enqueue_dma source(%dma_start3A_301 : memref<128x128xf32, #tpu.memory_space<vmem_shared>>) target(%arg6 : memref<128x128xf32, #tpu.memory_space<vmem>>) target_semaphore(%run_scoped3A : memref<!tpu.dma_semaphore, #tpu.memory_space<semaphore_mem>>)
      %dma_wait3A_302 = arith.constant 0 : i32
      %dma_wait3A_303 = tpu.memref_slice %arg9[%add3A_261, %dma_wait3A_302] : memref<10240x128xf32, #tpu.memory_space<vmem_shared>> -> memref<128x128xf32, #tpu.memory_space<vmem_shared>>
      %dma_wait3A_304 = arith.constant 0 : i32
      %dma_wait3A_305 = tpu.memref_slice %arg9[%add3A_261, %dma_wait3A_304] : memref<10240x128xf32, #tpu.memory_space<vmem_shared>> -> memref<128x128xf32, #tpu.memory_space<vmem_shared>>
      tpu.wait_dma2 semaphore(%run_scoped3A : memref<!tpu.dma_semaphore, #tpu.memory_space<semaphore_mem>>) src(%dma_wait3A_305 : memref<128x128xf32, #tpu.memory_space<vmem_shared>>) dst(%arg6 : memref<128x128xf32, #tpu.memory_space<vmem>>)
      tpu.yield
    }) : () -> ()
    %mul3A_262 = arith.constant 640 : i32
    %mul3A_263 = arith.muli %arg1, %mul3A_262 : i32
    %add3A_264 = arith.constant 0 : i32
    %add3A_265 = arith.addi %mul3A_263, %add3A_264 : i32
    "tpu.region"() ({
      %run_scoped3A = tpu.sem_alloc : memref<!tpu.dma_semaphore, #tpu.memory_space<semaphore_mem>>
      %dma_start3A_298 = arith.constant 0 : i32
      %dma_start3A_299 = tpu.memref_slice %arg4[%arg0, %add3A_265, %dma_start3A_298] : memref<2x10240x128xf32, #tpu.memory_space<hbm>> -> memref<1x128x128xf32, #tpu.memory_space<hbm>>
      %dma_start3A_300 = tpu.memref_squeeze %dma_start3A_299 : memref<1x128x128xf32, #tpu.memory_space<hbm>> -> memref<128x128xf32, #tpu.memory_space<hbm>>
      %dma_start3A_301 = arith.constant 0 : i32
      %dma_start3A_302 = tpu.memref_slice %arg4[%arg0, %add3A_265, %dma_start3A_301] : memref<2x10240x128xf32, #tpu.memory_space<hbm>> -> memref<1x128x128xf32, #tpu.memory_space<hbm>>
      %dma_start3A_303 = tpu.memref_squeeze %dma_start3A_302 : memref<1x128x128xf32, #tpu.memory_space<hbm>> -> memref<128x128xf32, #tpu.memory_space<hbm>>
      tpu.enqueue_dma source(%arg6 : memref<128x128xf32, #tpu.memory_space<vmem>>) target(%dma_start3A_303 : memref<128x128xf32, #tpu.memory_space<hbm>>) target_semaphore(%run_scoped3A : memref<!tpu.dma_semaphore, #tpu.memory_space<semaphore_mem>>)
      %dma_wait3A_304 = arith.constant 0 : i32
      %dma_wait3A_305 = tpu.memref_slice %arg4[%arg0, %add3A_265, %dma_wait3A_304] : memref<2x10240x128xf32, #tpu.memory_space<hbm>> -> memref<1x128x128xf32, #tpu.memory_space<hbm>>
      %dma_wait3A_306 = tpu.memref_squeeze %dma_wait3A_305 : memref<1x128x128xf32, #tpu.memory_space<hbm>> -> memref<128x128xf32, #tpu.memory_space<hbm>>
      %dma_wait3A_307 = arith.constant 0 : i32
      %dma_wait3A_308 = tpu.memref_slice %arg4[%arg0, %add3A_265, %dma_wait3A_307] : memref<2x10240x128xf32, #tpu.memory_space<hbm>> -> memref<1x128x128xf32, #tpu.memory_space<hbm>>
      %dma_wait3A_309 = tpu.memref_squeeze %dma_wait3A_308 : memref<1x128x128xf32, #tpu.memory_space<hbm>> -> memref<128x128xf32, #tpu.memory_space<hbm>>
      tpu.wait_dma2 semaphore(%run_scoped3A : memref<!tpu.dma_semaphore, #tpu.memory_space<semaphore_mem>>) src(%arg6 : memref<128x128xf32, #tpu.memory_space<vmem>>) dst(%dma_wait3A_309 : memref<128x128xf32, #tpu.memory_space<hbm>>)
      tpu.yield
    }) : () -> ()
    %mul3A_266 = arith.constant 640 : i32
    %mul3A_267 = arith.muli %arg1, %mul3A_266 : i32
    %add3A_268 = arith.constant 128 : i32
    %add3A_269 = arith.addi %mul3A_267, %add3A_268 : i32
    "tpu.region"() ({
      %run_scoped3A = tpu.sem_alloc : memref<!tpu.dma_semaphore, #tpu.memory_space<semaphore_mem>>
      %dma_start3A_298 = arith.constant 0 : i32
      %dma_start3A_299 = tpu.memref_slice %arg9[%add3A_269, %dma_start3A_298] : memref<10240x128xf32, #tpu.memory_space<vmem_shared>> -> memref<128x128xf32, #tpu.memory_space<vmem_shared>>
      %dma_start3A_300 = arith.constant 0 : i32
      %dma_start3A_301 = tpu.memref_slice %arg9[%add3A_269, %dma_start3A_300] : memref<10240x128xf32, #tpu.memory_space<vmem_shared>> -> memref<128x128xf32, #tpu.memory_space<vmem_shared>>
      tpu.enqueue_dma source(%dma_start3A_301 : memref<128x128xf32, #tpu.memory_space<vmem_shared>>) target(%arg6 : memref<128x128xf32, #tpu.memory_space<vmem>>) target_semaphore(%run_scoped3A : memref<!tpu.dma_semaphore, #tpu.memory_space<semaphore_mem>>)
      %dma_wait3A_302 = arith.constant 0 : i32
      %dma_wait3A_303 = tpu.memref_slice %arg9[%add3A_269, %dma_wait3A_302] : memref<10240x128xf32, #tpu.memory_space<vmem_shared>> -> memref<128x128xf32, #tpu.memory_space<vmem_shared>>
      %dma_wait3A_304 = arith.constant 0 : i32
      %dma_wait3A_305 = tpu.memref_slice %arg9[%add3A_269, %dma_wait3A_304] : memref<10240x128xf32, #tpu.memory_space<vmem_shared>> -> memref<128x128xf32, #tpu.memory_space<vmem_shared>>
      tpu.wait_dma2 semaphore(%run_scoped3A : memref<!tpu.dma_semaphore, #tpu.memory_space<semaphore_mem>>) src(%dma_wait3A_305 : memref<128x128xf32, #tpu.memory_space<vmem_shared>>) dst(%arg6 : memref<128x128xf32, #tpu.memory_space<vmem>>)
      tpu.yield
    }) : () -> ()
    %mul3A_270 = arith.constant 640 : i32
    %mul3A_271 = arith.muli %arg1, %mul3A_270 : i32
    %add3A_272 = arith.constant 128 : i32
    %add3A_273 = arith.addi %mul3A_271, %add3A_272 : i32
    "tpu.region"() ({
      %run_scoped3A = tpu.sem_alloc : memref<!tpu.dma_semaphore, #tpu.memory_space<semaphore_mem>>
      %dma_start3A_298 = arith.constant 0 : i32
      %dma_start3A_299 = tpu.memref_slice %arg4[%arg0, %add3A_273, %dma_start3A_298] : memref<2x10240x128xf32, #tpu.memory_space<hbm>> -> memref<1x128x128xf32, #tpu.memory_space<hbm>>
      %dma_start3A_300 = tpu.memref_squeeze %dma_start3A_299 : memref<1x128x128xf32, #tpu.memory_space<hbm>> -> memref<128x128xf32, #tpu.memory_space<hbm>>
      %dma_start3A_301 = arith.constant 0 : i32
      %dma_start3A_302 = tpu.memref_slice %arg4[%arg0, %add3A_273, %dma_start3A_301] : memref<2x10240x128xf32, #tpu.memory_space<hbm>> -> memref<1x128x128xf32, #tpu.memory_space<hbm>>
      %dma_start3A_303 = tpu.memref_squeeze %dma_start3A_302 : memref<1x128x128xf32, #tpu.memory_space<hbm>> -> memref<128x128xf32, #tpu.memory_space<hbm>>
      tpu.enqueue_dma source(%arg6 : memref<128x128xf32, #tpu.memory_space<vmem>>) target(%dma_start3A_303 : memref<128x128xf32, #tpu.memory_space<hbm>>) target_semaphore(%run_scoped3A : memref<!tpu.dma_semaphore, #tpu.memory_space<semaphore_mem>>)
      %dma_wait3A_304 = arith.constant 0 : i32
      %dma_wait3A_305 = tpu.memref_slice %arg4[%arg0, %add3A_273, %dma_wait3A_304] : memref<2x10240x128xf32, #tpu.memory_space<hbm>> -> memref<1x128x128xf32, #tpu.memory_space<hbm>>
      %dma_wait3A_306 = tpu.memref_squeeze %dma_wait3A_305 : memref<1x128x128xf32, #tpu.memory_space<hbm>> -> memref<128x128xf32, #tpu.memory_space<hbm>>
      %dma_wait3A_307 = arith.constant 0 : i32
      %dma_wait3A_308 = tpu.memref_slice %arg4[%arg0, %add3A_273, %dma_wait3A_307] : memref<2x10240x128xf32, #tpu.memory_space<hbm>> -> memref<1x128x128xf32, #tpu.memory_space<hbm>>
      %dma_wait3A_309 = tpu.memref_squeeze %dma_wait3A_308 : memref<1x128x128xf32, #tpu.memory_space<hbm>> -> memref<128x128xf32, #tpu.memory_space<hbm>>
      tpu.wait_dma2 semaphore(%run_scoped3A : memref<!tpu.dma_semaphore, #tpu.memory_space<semaphore_mem>>) src(%arg6 : memref<128x128xf32, #tpu.memory_space<vmem>>) dst(%dma_wait3A_309 : memref<128x128xf32, #tpu.memory_space<hbm>>)
      tpu.yield
    }) : () -> ()
    %mul3A_274 = arith.constant 640 : i32
    %mul3A_275 = arith.muli %arg1, %mul3A_274 : i32
    %add3A_276 = arith.constant 256 : i32
    %add3A_277 = arith.addi %mul3A_275, %add3A_276 : i32
    "tpu.region"() ({
      %run_scoped3A = tpu.sem_alloc : memref<!tpu.dma_semaphore, #tpu.memory_space<semaphore_mem>>
      %dma_start3A_298 = arith.constant 0 : i32
      %dma_start3A_299 = tpu.memref_slice %arg9[%add3A_277, %dma_start3A_298] : memref<10240x128xf32, #tpu.memory_space<vmem_shared>> -> memref<128x128xf32, #tpu.memory_space<vmem_shared>>
      %dma_start3A_300 = arith.constant 0 : i32
      %dma_start3A_301 = tpu.memref_slice %arg9[%add3A_277, %dma_start3A_300] : memref<10240x128xf32, #tpu.memory_space<vmem_shared>> -> memref<128x128xf32, #tpu.memory_space<vmem_shared>>
      tpu.enqueue_dma source(%dma_start3A_301 : memref<128x128xf32, #tpu.memory_space<vmem_shared>>) target(%arg6 : memref<128x128xf32, #tpu.memory_space<vmem>>) target_semaphore(%run_scoped3A : memref<!tpu.dma_semaphore, #tpu.memory_space<semaphore_mem>>)
      %dma_wait3A_302 = arith.constant 0 : i32
      %dma_wait3A_303 = tpu.memref_slice %arg9[%add3A_277, %dma_wait3A_302] : memref<10240x128xf32, #tpu.memory_space<vmem_shared>> -> memref<128x128xf32, #tpu.memory_space<vmem_shared>>
      %dma_wait3A_304 = arith.constant 0 : i32
      %dma_wait3A_305 = tpu.memref_slice %arg9[%add3A_277, %dma_wait3A_304] : memref<10240x128xf32, #tpu.memory_space<vmem_shared>> -> memref<128x128xf32, #tpu.memory_space<vmem_shared>>
      tpu.wait_dma2 semaphore(%run_scoped3A : memref<!tpu.dma_semaphore, #tpu.memory_space<semaphore_mem>>) src(%dma_wait3A_305 : memref<128x128xf32, #tpu.memory_space<vmem_shared>>) dst(%arg6 : memref<128x128xf32, #tpu.memory_space<vmem>>)
      tpu.yield
    }) : () -> ()
    %mul3A_278 = arith.constant 640 : i32
    %mul3A_279 = arith.muli %arg1, %mul3A_278 : i32
    %add3A_280 = arith.constant 256 : i32
    %add3A_281 = arith.addi %mul3A_279, %add3A_280 : i32
    "tpu.region"() ({
      %run_scoped3A = tpu.sem_alloc : memref<!tpu.dma_semaphore, #tpu.memory_space<semaphore_mem>>
      %dma_start3A_298 = arith.constant 0 : i32
      %dma_start3A_299 = tpu.memref_slice %arg4[%arg0, %add3A_281, %dma_start3A_298] : memref<2x10240x128xf32, #tpu.memory_space<hbm>> -> memref<1x128x128xf32, #tpu.memory_space<hbm>>
      %dma_start3A_300 = tpu.memref_squeeze %dma_start3A_299 : memref<1x128x128xf32, #tpu.memory_space<hbm>> -> memref<128x128xf32, #tpu.memory_space<hbm>>
      %dma_start3A_301 = arith.constant 0 : i32
      %dma_start3A_302 = tpu.memref_slice %arg4[%arg0, %add3A_281, %dma_start3A_301] : memref<2x10240x128xf32, #tpu.memory_space<hbm>> -> memref<1x128x128xf32, #tpu.memory_space<hbm>>
      %dma_start3A_303 = tpu.memref_squeeze %dma_start3A_302 : memref<1x128x128xf32, #tpu.memory_space<hbm>> -> memref<128x128xf32, #tpu.memory_space<hbm>>
      tpu.enqueue_dma source(%arg6 : memref<128x128xf32, #tpu.memory_space<vmem>>) target(%dma_start3A_303 : memref<128x128xf32, #tpu.memory_space<hbm>>) target_semaphore(%run_scoped3A : memref<!tpu.dma_semaphore, #tpu.memory_space<semaphore_mem>>)
      %dma_wait3A_304 = arith.constant 0 : i32
      %dma_wait3A_305 = tpu.memref_slice %arg4[%arg0, %add3A_281, %dma_wait3A_304] : memref<2x10240x128xf32, #tpu.memory_space<hbm>> -> memref<1x128x128xf32, #tpu.memory_space<hbm>>
      %dma_wait3A_306 = tpu.memref_squeeze %dma_wait3A_305 : memref<1x128x128xf32, #tpu.memory_space<hbm>> -> memref<128x128xf32, #tpu.memory_space<hbm>>
      %dma_wait3A_307 = arith.constant 0 : i32
      %dma_wait3A_308 = tpu.memref_slice %arg4[%arg0, %add3A_281, %dma_wait3A_307] : memref<2x10240x128xf32, #tpu.memory_space<hbm>> -> memref<1x128x128xf32, #tpu.memory_space<hbm>>
      %dma_wait3A_309 = tpu.memref_squeeze %dma_wait3A_308 : memref<1x128x128xf32, #tpu.memory_space<hbm>> -> memref<128x128xf32, #tpu.memory_space<hbm>>
      tpu.wait_dma2 semaphore(%run_scoped3A : memref<!tpu.dma_semaphore, #tpu.memory_space<semaphore_mem>>) src(%arg6 : memref<128x128xf32, #tpu.memory_space<vmem>>) dst(%dma_wait3A_309 : memref<128x128xf32, #tpu.memory_space<hbm>>)
      tpu.yield
    }) : () -> ()
    %mul3A_282 = arith.constant 640 : i32
    %mul3A_283 = arith.muli %arg1, %mul3A_282 : i32
    %add3A_284 = arith.constant 384 : i32
    %add3A_285 = arith.addi %mul3A_283, %add3A_284 : i32
    "tpu.region"() ({
      %run_scoped3A = tpu.sem_alloc : memref<!tpu.dma_semaphore, #tpu.memory_space<semaphore_mem>>
      %dma_start3A_298 = arith.constant 0 : i32
      %dma_start3A_299 = tpu.memref_slice %arg9[%add3A_285, %dma_start3A_298] : memref<10240x128xf32, #tpu.memory_space<vmem_shared>> -> memref<128x128xf32, #tpu.memory_space<vmem_shared>>
      %dma_start3A_300 = arith.constant 0 : i32
      %dma_start3A_301 = tpu.memref_slice %arg9[%add3A_285, %dma_start3A_300] : memref<10240x128xf32, #tpu.memory_space<vmem_shared>> -> memref<128x128xf32, #tpu.memory_space<vmem_shared>>
      tpu.enqueue_dma source(%dma_start3A_301 : memref<128x128xf32, #tpu.memory_space<vmem_shared>>) target(%arg6 : memref<128x128xf32, #tpu.memory_space<vmem>>) target_semaphore(%run_scoped3A : memref<!tpu.dma_semaphore, #tpu.memory_space<semaphore_mem>>)
      %dma_wait3A_302 = arith.constant 0 : i32
      %dma_wait3A_303 = tpu.memref_slice %arg9[%add3A_285, %dma_wait3A_302] : memref<10240x128xf32, #tpu.memory_space<vmem_shared>> -> memref<128x128xf32, #tpu.memory_space<vmem_shared>>
      %dma_wait3A_304 = arith.constant 0 : i32
      %dma_wait3A_305 = tpu.memref_slice %arg9[%add3A_285, %dma_wait3A_304] : memref<10240x128xf32, #tpu.memory_space<vmem_shared>> -> memref<128x128xf32, #tpu.memory_space<vmem_shared>>
      tpu.wait_dma2 semaphore(%run_scoped3A : memref<!tpu.dma_semaphore, #tpu.memory_space<semaphore_mem>>) src(%dma_wait3A_305 : memref<128x128xf32, #tpu.memory_space<vmem_shared>>) dst(%arg6 : memref<128x128xf32, #tpu.memory_space<vmem>>)
      tpu.yield
    }) : () -> ()
    %mul3A_286 = arith.constant 640 : i32
    %mul3A_287 = arith.muli %arg1, %mul3A_286 : i32
    %add3A_288 = arith.constant 384 : i32
    %add3A_289 = arith.addi %mul3A_287, %add3A_288 : i32
    "tpu.region"() ({
      %run_scoped3A = tpu.sem_alloc : memref<!tpu.dma_semaphore, #tpu.memory_space<semaphore_mem>>
      %dma_start3A_298 = arith.constant 0 : i32
      %dma_start3A_299 = tpu.memref_slice %arg4[%arg0, %add3A_289, %dma_start3A_298] : memref<2x10240x128xf32, #tpu.memory_space<hbm>> -> memref<1x128x128xf32, #tpu.memory_space<hbm>>
      %dma_start3A_300 = tpu.memref_squeeze %dma_start3A_299 : memref<1x128x128xf32, #tpu.memory_space<hbm>> -> memref<128x128xf32, #tpu.memory_space<hbm>>
      %dma_start3A_301 = arith.constant 0 : i32
      %dma_start3A_302 = tpu.memref_slice %arg4[%arg0, %add3A_289, %dma_start3A_301] : memref<2x10240x128xf32, #tpu.memory_space<hbm>> -> memref<1x128x128xf32, #tpu.memory_space<hbm>>
      %dma_start3A_303 = tpu.memref_squeeze %dma_start3A_302 : memref<1x128x128xf32, #tpu.memory_space<hbm>> -> memref<128x128xf32, #tpu.memory_space<hbm>>
      tpu.enqueue_dma source(%arg6 : memref<128x128xf32, #tpu.memory_space<vmem>>) target(%dma_start3A_303 : memref<128x128xf32, #tpu.memory_space<hbm>>) target_semaphore(%run_scoped3A : memref<!tpu.dma_semaphore, #tpu.memory_space<semaphore_mem>>)
      %dma_wait3A_304 = arith.constant 0 : i32
      %dma_wait3A_305 = tpu.memref_slice %arg4[%arg0, %add3A_289, %dma_wait3A_304] : memref<2x10240x128xf32, #tpu.memory_space<hbm>> -> memref<1x128x128xf32, #tpu.memory_space<hbm>>
      %dma_wait3A_306 = tpu.memref_squeeze %dma_wait3A_305 : memref<1x128x128xf32, #tpu.memory_space<hbm>> -> memref<128x128xf32, #tpu.memory_space<hbm>>
      %dma_wait3A_307 = arith.constant 0 : i32
      %dma_wait3A_308 = tpu.memref_slice %arg4[%arg0, %add3A_289, %dma_wait3A_307] : memref<2x10240x128xf32, #tpu.memory_space<hbm>> -> memref<1x128x128xf32, #tpu.memory_space<hbm>>
      %dma_wait3A_309 = tpu.memref_squeeze %dma_wait3A_308 : memref<1x128x128xf32, #tpu.memory_space<hbm>> -> memref<128x128xf32, #tpu.memory_space<hbm>>
      tpu.wait_dma2 semaphore(%run_scoped3A : memref<!tpu.dma_semaphore, #tpu.memory_space<semaphore_mem>>) src(%arg6 : memref<128x128xf32, #tpu.memory_space<vmem>>) dst(%dma_wait3A_309 : memref<128x128xf32, #tpu.memory_space<hbm>>)
      tpu.yield
    }) : () -> ()
    %mul3A_290 = arith.constant 640 : i32
    %mul3A_291 = arith.muli %arg1, %mul3A_290 : i32
    %add3A_292 = arith.constant 512 : i32
    %add3A_293 = arith.addi %mul3A_291, %add3A_292 : i32
    "tpu.region"() ({
      %run_scoped3A = tpu.sem_alloc : memref<!tpu.dma_semaphore, #tpu.memory_space<semaphore_mem>>
      %dma_start3A_298 = arith.constant 0 : i32
      %dma_start3A_299 = tpu.memref_slice %arg9[%add3A_293, %dma_start3A_298] : memref<10240x128xf32, #tpu.memory_space<vmem_shared>> -> memref<128x128xf32, #tpu.memory_space<vmem_shared>>
      %dma_start3A_300 = arith.constant 0 : i32
      %dma_start3A_301 = tpu.memref_slice %arg9[%add3A_293, %dma_start3A_300] : memref<10240x128xf32, #tpu.memory_space<vmem_shared>> -> memref<128x128xf32, #tpu.memory_space<vmem_shared>>
      tpu.enqueue_dma source(%dma_start3A_301 : memref<128x128xf32, #tpu.memory_space<vmem_shared>>) target(%arg6 : memref<128x128xf32, #tpu.memory_space<vmem>>) target_semaphore(%run_scoped3A : memref<!tpu.dma_semaphore, #tpu.memory_space<semaphore_mem>>)
      %dma_wait3A_302 = arith.constant 0 : i32
      %dma_wait3A_303 = tpu.memref_slice %arg9[%add3A_293, %dma_wait3A_302] : memref<10240x128xf32, #tpu.memory_space<vmem_shared>> -> memref<128x128xf32, #tpu.memory_space<vmem_shared>>
      %dma_wait3A_304 = arith.constant 0 : i32
      %dma_wait3A_305 = tpu.memref_slice %arg9[%add3A_293, %dma_wait3A_304] : memref<10240x128xf32, #tpu.memory_space<vmem_shared>> -> memref<128x128xf32, #tpu.memory_space<vmem_shared>>
      tpu.wait_dma2 semaphore(%run_scoped3A : memref<!tpu.dma_semaphore, #tpu.memory_space<semaphore_mem>>) src(%dma_wait3A_305 : memref<128x128xf32, #tpu.memory_space<vmem_shared>>) dst(%arg6 : memref<128x128xf32, #tpu.memory_space<vmem>>)
      tpu.yield
    }) : () -> ()
    %mul3A_294 = arith.constant 640 : i32
    %mul3A_295 = arith.muli %arg1, %mul3A_294 : i32
    %add3A_296 = arith.constant 512 : i32
    %add3A_297 = arith.addi %mul3A_295, %add3A_296 : i32
    "tpu.region"() ({
      %run_scoped3A = tpu.sem_alloc : memref<!tpu.dma_semaphore, #tpu.memory_space<semaphore_mem>>
      %dma_start3A_298 = arith.constant 0 : i32
      %dma_start3A_299 = tpu.memref_slice %arg4[%arg0, %add3A_297, %dma_start3A_298] : memref<2x10240x128xf32, #tpu.memory_space<hbm>> -> memref<1x128x128xf32, #tpu.memory_space<hbm>>
      %dma_start3A_300 = tpu.memref_squeeze %dma_start3A_299 : memref<1x128x128xf32, #tpu.memory_space<hbm>> -> memref<128x128xf32, #tpu.memory_space<hbm>>
      %dma_start3A_301 = arith.constant 0 : i32
      %dma_start3A_302 = tpu.memref_slice %arg4[%arg0, %add3A_297, %dma_start3A_301] : memref<2x10240x128xf32, #tpu.memory_space<hbm>> -> memref<1x128x128xf32, #tpu.memory_space<hbm>>
      %dma_start3A_303 = tpu.memref_squeeze %dma_start3A_302 : memref<1x128x128xf32, #tpu.memory_space<hbm>> -> memref<128x128xf32, #tpu.memory_space<hbm>>
      tpu.enqueue_dma source(%arg6 : memref<128x128xf32, #tpu.memory_space<vmem>>) target(%dma_start3A_303 : memref<128x128xf32, #tpu.memory_space<hbm>>) target_semaphore(%run_scoped3A : memref<!tpu.dma_semaphore, #tpu.memory_space<semaphore_mem>>)
      %dma_wait3A_304 = arith.constant 0 : i32
      %dma_wait3A_305 = tpu.memref_slice %arg4[%arg0, %add3A_297, %dma_wait3A_304] : memref<2x10240x128xf32, #tpu.memory_space<hbm>> -> memref<1x128x128xf32, #tpu.memory_space<hbm>>
      %dma_wait3A_306 = tpu.memref_squeeze %dma_wait3A_305 : memref<1x128x128xf32, #tpu.memory_space<hbm>> -> memref<128x128xf32, #tpu.memory_space<hbm>>
      %dma_wait3A_307 = arith.constant 0 : i32
      %dma_wait3A_308 = tpu.memref_slice %arg4[%arg0, %add3A_297, %dma_wait3A_307] : memref<2x10240x128xf32, #tpu.memory_space<hbm>> -> memref<1x128x128xf32, #tpu.memory_space<hbm>>
      %dma_wait3A_309 = tpu.memref_squeeze %dma_wait3A_308 : memref<1x128x128xf32, #tpu.memory_space<hbm>> -> memref<128x128xf32, #tpu.memory_space<hbm>>
      tpu.wait_dma2 semaphore(%run_scoped3A : memref<!tpu.dma_semaphore, #tpu.memory_space<semaphore_mem>>) src(%arg6 : memref<128x128xf32, #tpu.memory_space<vmem>>) dst(%dma_wait3A_309 : memref<128x128xf32, #tpu.memory_space<hbm>>)
      tpu.yield
    }) : () -> ()
    return
  }
}

#map = affine_map<(d0, d1) -> (0)>
#map1 = affine_map<(d0, d1) -> (0, 0, 0)>
module attributes {stable_mosaic.version = 14 : i64} {
  func.func @_deg_kernel(%arg0: i32, %arg1: i32, %arg2: memref<165888xi32, #tpu.memory_space<hbm>>, %arg3: memref<2x10240x128xf32, #tpu.memory_space<hbm>>, %arg4: memref<128xi32, #tpu.memory_space<vmem>>, %arg5: memref<128xi32, #tpu.memory_space<vmem>>, %arg6: memref<128x128xf32, #tpu.memory_space<vmem>>, %arg7: memref<128x128xf32, #tpu.memory_space<vmem>>, %arg8: memref<10240x128xf32, #tpu.memory_space<vmem_shared>>, %arg9: memref<!tpu.dma_semaphore, #tpu.memory_space<semaphore_mem>>, %arg10: memref<!tpu.dma_semaphore, #tpu.memory_space<semaphore_mem>>, %arg11: memref<!tpu.dma_semaphore, #tpu.memory_space<semaphore_mem>>) attributes {dimension_semantics = [#tpu.dimension_semantics<core_parallel>, #tpu.dimension_semantics<subcore_parallel>], iteration_bounds = array<i64: 2, 16>, scalar_prefetch = 0 : i64, scratch_operands = 8 : i64, tpu.core_type = #tpu.core_type<sc_vector_subcore>, window_params = [{transform_indices = #map}, {transform_indices = #map1}]} {
    %mul3A = arith.constant 16 : i32
    %mul3A_0 = arith.muli %arg0, %mul3A : i32
    %add3A = arith.addi %mul3A_0, %arg1 : i32
    %scan3A = arith.constant 0 : i32
    %scan3A_1 = arith.constant 0 : i32
    %scan3A_2 = arith.constant 1024 : i32
    %scan3A_3 = arith.addi %scan3A_1, %scan3A_2 : i32
    %scan3A_4 = arith.constant 1 : i32
    %scan3A_5 = scf.for %scan3A_106 = %scan3A_1 to %scan3A_3 step %scan3A_4 iter_args(%scan3A_107 = %scan3A) -> (i32)  : i32 {
      %broadcast_in_dim3A = arith.constant 1.000000e+00 : f32
      %broadcast_in_dim3A_108 = vector.broadcast %broadcast_in_dim3A : f32 to vector<16xf32>
      %jit3A = arith.constant 8 : i32
      %div3A = arith.divsi %scan3A_106, %jit3A : i32
      %sign3A = arith.constant 0 : i32
      %sign3A_109 = arith.cmpi sgt, %scan3A_106, %sign3A : i32
      %sign3A_110 = arith.extui %sign3A_109 : i1 to i32
      %sign3A_111 = arith.constant 0 : i32
      %sign3A_112 = arith.cmpi slt, %scan3A_106, %sign3A_111 : i32
      %sign3A_113 = arith.extui %sign3A_112 : i1 to i32
      %sign3A_114 = arith.subi %sign3A_110, %sign3A_113 : i32
      %sign3A_115 = arith.constant 0 : i32
      %sign3A_116 = arith.cmpi sgt, %jit3A, %sign3A_115 : i32
      %sign3A_117 = arith.extui %sign3A_116 : i1 to i32
      %sign3A_118 = arith.constant 0 : i32
      %sign3A_119 = arith.cmpi slt, %jit3A, %sign3A_118 : i32
      %sign3A_120 = arith.extui %sign3A_119 : i1 to i32
      %sign3A_121 = arith.subi %sign3A_117, %sign3A_120 : i32
      %ne3A = arith.cmpi ne, %sign3A_114, %sign3A_121 : i32
      %rem3A = arith.remsi %scan3A_106, %jit3A : i32
      %ne3A_122 = arith.constant 0 : i32
      %ne3A_123 = arith.cmpi ne, %rem3A, %ne3A_122 : i32
      %and3A = arith.andi %ne3A, %ne3A_123 : i1
      %sub3A = arith.constant 1 : i32
      %sub3A_124 = arith.subi %div3A, %sub3A : i32
      %select_n3A = arith.select %and3A, %sub3A_124, %div3A : i32
      %jit3A_125 = arith.constant 8 : i32
      %eq3A = arith.constant 0 : i32
      %eq3A_126 = arith.cmpi eq, %jit3A_125, %eq3A : i32
      %jit3A_127 = arith.constant 1 : i32
      %select_n3A_128 = arith.select %eq3A_126, %jit3A_127, %jit3A_125 : i32
      %rem3A_129 = arith.remsi %scan3A_106, %select_n3A_128 : i32
      %ne3A_130 = arith.constant 0 : i32
      %ne3A_131 = arith.cmpi ne, %rem3A_129, %ne3A_130 : i32
      %lt3A = arith.constant 0 : i32
      %lt3A_132 = arith.cmpi slt, %rem3A_129, %lt3A : i32
      %lt3A_133 = arith.constant 0 : i32
      %lt3A_134 = arith.cmpi slt, %select_n3A_128, %lt3A_133 : i32
      %ne3A_135 = arith.xori %lt3A_132, %lt3A_134 : i1
      %and3A_136 = arith.andi %ne3A_135, %ne3A_131 : i1
      %add3A_137 = arith.addi %rem3A_129, %select_n3A_128 : i32
      %select_n3A_138 = arith.select %and3A_136, %add3A_137, %rem3A_129 : i32
      %mul3A_139 = arith.constant 16 : i32
      %mul3A_140 = arith.muli %select_n3A_138, %mul3A_139 : i32
      %swap3A = arith.index_cast %select_n3A : i32 to index
      %swap3A_141 = arith.index_cast %mul3A_140 : i32 to index
      %swap3A_142 = tpu.vector_load %arg6[%swap3A, %swap3A_141] {strides = array<i32>} : memref<128x128xf32, #tpu.memory_space<vmem>>, vector<1x16xf32>,
      %swap3A_143 = vector.shape_cast %swap3A_142 : vector<1x16xf32> to vector<16xf32>
      %swap3A_144 = vector.shape_cast %broadcast_in_dim3A_108 : vector<16xf32> to vector<1x16xf32>
      tpu.vector_store %arg6[%swap3A, %swap3A_141], %swap3A_144 {strides = array<i32>} : memref<128x128xf32, #tpu.memory_space<vmem>>, vector<1x16xf32>,
      %scan3A_145 = arith.constant 0 : i32
      scf.yield %scan3A_145 : i32
    }
    %scan3A_6 = arith.constant 1024 : i32
    %scan3A_7 = arith.constant 0 : i32
    %scan3A_8 = arith.constant 0 : i32
    %scan3A_9 = arith.constant 1024 : i32
    %scan3A_10 = arith.addi %scan3A_8, %scan3A_9 : i32
    %scan3A_11 = arith.constant 1 : i32
    %scan3A_12 = scf.for %scan3A_106 = %scan3A_8 to %scan3A_10 step %scan3A_11 iter_args(%scan3A_107 = %scan3A_7) -> (i32)  : i32 {
      %broadcast_in_dim3A = arith.constant 0.000000e+00 : f32
      %broadcast_in_dim3A_108 = vector.broadcast %broadcast_in_dim3A : f32 to vector<16xf32>
      %jit3A = arith.constant 8 : i32
      %div3A = arith.divsi %scan3A_106, %jit3A : i32
      %sign3A = arith.constant 0 : i32
      %sign3A_109 = arith.cmpi sgt, %scan3A_106, %sign3A : i32
      %sign3A_110 = arith.extui %sign3A_109 : i1 to i32
      %sign3A_111 = arith.constant 0 : i32
      %sign3A_112 = arith.cmpi slt, %scan3A_106, %sign3A_111 : i32
      %sign3A_113 = arith.extui %sign3A_112 : i1 to i32
      %sign3A_114 = arith.subi %sign3A_110, %sign3A_113 : i32
      %sign3A_115 = arith.constant 0 : i32
      %sign3A_116 = arith.cmpi sgt, %jit3A, %sign3A_115 : i32
      %sign3A_117 = arith.extui %sign3A_116 : i1 to i32
      %sign3A_118 = arith.constant 0 : i32
      %sign3A_119 = arith.cmpi slt, %jit3A, %sign3A_118 : i32
      %sign3A_120 = arith.extui %sign3A_119 : i1 to i32
      %sign3A_121 = arith.subi %sign3A_117, %sign3A_120 : i32
      %ne3A = arith.cmpi ne, %sign3A_114, %sign3A_121 : i32
      %rem3A = arith.remsi %scan3A_106, %jit3A : i32
      %ne3A_122 = arith.constant 0 : i32
      %ne3A_123 = arith.cmpi ne, %rem3A, %ne3A_122 : i32
      %and3A = arith.andi %ne3A, %ne3A_123 : i1
      %sub3A = arith.constant 1 : i32
      %sub3A_124 = arith.subi %div3A, %sub3A : i32
      %select_n3A = arith.select %and3A, %sub3A_124, %div3A : i32
      %jit3A_125 = arith.constant 8 : i32
      %eq3A = arith.constant 0 : i32
      %eq3A_126 = arith.cmpi eq, %jit3A_125, %eq3A : i32
      %jit3A_127 = arith.constant 1 : i32
      %select_n3A_128 = arith.select %eq3A_126, %jit3A_127, %jit3A_125 : i32
      %rem3A_129 = arith.remsi %scan3A_106, %select_n3A_128 : i32
      %ne3A_130 = arith.constant 0 : i32
      %ne3A_131 = arith.cmpi ne, %rem3A_129, %ne3A_130 : i32
      %lt3A = arith.constant 0 : i32
      %lt3A_132 = arith.cmpi slt, %rem3A_129, %lt3A : i32
      %lt3A_133 = arith.constant 0 : i32
      %lt3A_134 = arith.cmpi slt, %select_n3A_128, %lt3A_133 : i32
      %ne3A_135 = arith.xori %lt3A_132, %lt3A_134 : i1
      %and3A_136 = arith.andi %ne3A_135, %ne3A_131 : i1
      %add3A_137 = arith.addi %rem3A_129, %select_n3A_128 : i32
      %select_n3A_138 = arith.select %and3A_136, %add3A_137, %rem3A_129 : i32
      %mul3A_139 = arith.constant 16 : i32
      %mul3A_140 = arith.muli %select_n3A_138, %mul3A_139 : i32
      %swap3A = arith.index_cast %select_n3A : i32 to index
      %swap3A_141 = arith.index_cast %mul3A_140 : i32 to index
      %swap3A_142 = tpu.vector_load %arg7[%swap3A, %swap3A_141] {strides = array<i32>} : memref<128x128xf32, #tpu.memory_space<vmem>>, vector<1x16xf32>,
      %swap3A_143 = vector.shape_cast %swap3A_142 : vector<1x16xf32> to vector<16xf32>
      %swap3A_144 = vector.shape_cast %broadcast_in_dim3A_108 : vector<16xf32> to vector<1x16xf32>
      tpu.vector_store %arg7[%swap3A, %swap3A_141], %swap3A_144 {strides = array<i32>} : memref<128x128xf32, #tpu.memory_space<vmem>>, vector<1x16xf32>,
      %scan3A_145 = arith.constant 0 : i32
      scf.yield %scan3A_145 : i32
    }
    %scan3A_13 = arith.constant 1024 : i32
    %mul3A_14 = arith.constant 640 : i32
    %mul3A_15 = arith.muli %arg1, %mul3A_14 : i32
    %add3A_16 = arith.constant 0 : i32
    %add3A_17 = arith.addi %mul3A_15, %add3A_16 : i32
    "tpu.region"() ({
      %run_scoped3A = tpu.sem_alloc : memref<!tpu.dma_semaphore, #tpu.memory_space<semaphore_mem>>
      %dma_start3A_106 = arith.constant 0 : i32
      %dma_start3A_107 = tpu.memref_slice %arg8[%add3A_17, %dma_start3A_106] : memref<10240x128xf32, #tpu.memory_space<vmem_shared>> -> memref<128x128xf32, #tpu.memory_space<vmem_shared>>
      %dma_start3A_108 = arith.constant 0 : i32
      %dma_start3A_109 = tpu.memref_slice %arg8[%add3A_17, %dma_start3A_108] : memref<10240x128xf32, #tpu.memory_space<vmem_shared>> -> memref<128x128xf32, #tpu.memory_space<vmem_shared>>
      tpu.enqueue_dma source(%arg7 : memref<128x128xf32, #tpu.memory_space<vmem>>) target(%dma_start3A_109 : memref<128x128xf32, #tpu.memory_space<vmem_shared>>) target_semaphore(%run_scoped3A : memref<!tpu.dma_semaphore, #tpu.memory_space<semaphore_mem>>)
      %dma_wait3A_110 = arith.constant 0 : i32
      %dma_wait3A_111 = tpu.memref_slice %arg8[%add3A_17, %dma_wait3A_110] : memref<10240x128xf32, #tpu.memory_space<vmem_shared>> -> memref<128x128xf32, #tpu.memory_space<vmem_shared>>
      %dma_wait3A_112 = arith.constant 0 : i32
      %dma_wait3A_113 = tpu.memref_slice %arg8[%add3A_17, %dma_wait3A_112] : memref<10240x128xf32, #tpu.memory_space<vmem_shared>> -> memref<128x128xf32, #tpu.memory_space<vmem_shared>>
      tpu.wait_dma2 semaphore(%run_scoped3A : memref<!tpu.dma_semaphore, #tpu.memory_space<semaphore_mem>>) src(%arg7 : memref<128x128xf32, #tpu.memory_space<vmem>>) dst(%dma_wait3A_113 : memref<128x128xf32, #tpu.memory_space<vmem_shared>>)
      tpu.yield
    }) : () -> ()
    %mul3A_18 = arith.constant 640 : i32
    %mul3A_19 = arith.muli %arg1, %mul3A_18 : i32
    %add3A_20 = arith.constant 128 : i32
    %add3A_21 = arith.addi %mul3A_19, %add3A_20 : i32
    "tpu.region"() ({
      %run_scoped3A = tpu.sem_alloc : memref<!tpu.dma_semaphore, #tpu.memory_space<semaphore_mem>>
      %dma_start3A_106 = arith.constant 0 : i32
      %dma_start3A_107 = tpu.memref_slice %arg8[%add3A_21, %dma_start3A_106] : memref<10240x128xf32, #tpu.memory_space<vmem_shared>> -> memref<128x128xf32, #tpu.memory_space<vmem_shared>>
      %dma_start3A_108 = arith.constant 0 : i32
      %dma_start3A_109 = tpu.memref_slice %arg8[%add3A_21, %dma_start3A_108] : memref<10240x128xf32, #tpu.memory_space<vmem_shared>> -> memref<128x128xf32, #tpu.memory_space<vmem_shared>>
      tpu.enqueue_dma source(%arg7 : memref<128x128xf32, #tpu.memory_space<vmem>>) target(%dma_start3A_109 : memref<128x128xf32, #tpu.memory_space<vmem_shared>>) target_semaphore(%run_scoped3A : memref<!tpu.dma_semaphore, #tpu.memory_space<semaphore_mem>>)
      %dma_wait3A_110 = arith.constant 0 : i32
      %dma_wait3A_111 = tpu.memref_slice %arg8[%add3A_21, %dma_wait3A_110] : memref<10240x128xf32, #tpu.memory_space<vmem_shared>> -> memref<128x128xf32, #tpu.memory_space<vmem_shared>>
      %dma_wait3A_112 = arith.constant 0 : i32
      %dma_wait3A_113 = tpu.memref_slice %arg8[%add3A_21, %dma_wait3A_112] : memref<10240x128xf32, #tpu.memory_space<vmem_shared>> -> memref<128x128xf32, #tpu.memory_space<vmem_shared>>
      tpu.wait_dma2 semaphore(%run_scoped3A : memref<!tpu.dma_semaphore, #tpu.memory_space<semaphore_mem>>) src(%arg7 : memref<128x128xf32, #tpu.memory_space<vmem>>) dst(%dma_wait3A_113 : memref<128x128xf32, #tpu.memory_space<vmem_shared>>)
      tpu.yield
    }) : () -> ()
    %mul3A_22 = arith.constant 640 : i32
    %mul3A_23 = arith.muli %arg1, %mul3A_22 : i32
    %add3A_24 = arith.constant 256 : i32
    %add3A_25 = arith.addi %mul3A_23, %add3A_24 : i32
    "tpu.region"() ({
      %run_scoped3A = tpu.sem_alloc : memref<!tpu.dma_semaphore, #tpu.memory_space<semaphore_mem>>
      %dma_start3A_106 = arith.constant 0 : i32
      %dma_start3A_107 = tpu.memref_slice %arg8[%add3A_25, %dma_start3A_106] : memref<10240x128xf32, #tpu.memory_space<vmem_shared>> -> memref<128x128xf32, #tpu.memory_space<vmem_shared>>
      %dma_start3A_108 = arith.constant 0 : i32
      %dma_start3A_109 = tpu.memref_slice %arg8[%add3A_25, %dma_start3A_108] : memref<10240x128xf32, #tpu.memory_space<vmem_shared>> -> memref<128x128xf32, #tpu.memory_space<vmem_shared>>
      tpu.enqueue_dma source(%arg7 : memref<128x128xf32, #tpu.memory_space<vmem>>) target(%dma_start3A_109 : memref<128x128xf32, #tpu.memory_space<vmem_shared>>) target_semaphore(%run_scoped3A : memref<!tpu.dma_semaphore, #tpu.memory_space<semaphore_mem>>)
      %dma_wait3A_110 = arith.constant 0 : i32
      %dma_wait3A_111 = tpu.memref_slice %arg8[%add3A_25, %dma_wait3A_110] : memref<10240x128xf32, #tpu.memory_space<vmem_shared>> -> memref<128x128xf32, #tpu.memory_space<vmem_shared>>
      %dma_wait3A_112 = arith.constant 0 : i32
      %dma_wait3A_113 = tpu.memref_slice %arg8[%add3A_25, %dma_wait3A_112] : memref<10240x128xf32, #tpu.memory_space<vmem_shared>> -> memref<128x128xf32, #tpu.memory_space<vmem_shared>>
      tpu.wait_dma2 semaphore(%run_scoped3A : memref<!tpu.dma_semaphore, #tpu.memory_space<semaphore_mem>>) src(%arg7 : memref<128x128xf32, #tpu.memory_space<vmem>>) dst(%dma_wait3A_113 : memref<128x128xf32, #tpu.memory_space<vmem_shared>>)
      tpu.yield
    }) : () -> ()
    %mul3A_26 = arith.constant 640 : i32
    %mul3A_27 = arith.muli %arg1, %mul3A_26 : i32
    %add3A_28 = arith.constant 384 : i32
    %add3A_29 = arith.addi %mul3A_27, %add3A_28 : i32
    "tpu.region"() ({
      %run_scoped3A = tpu.sem_alloc : memref<!tpu.dma_semaphore, #tpu.memory_space<semaphore_mem>>
      %dma_start3A_106 = arith.constant 0 : i32
      %dma_start3A_107 = tpu.memref_slice %arg8[%add3A_29, %dma_start3A_106] : memref<10240x128xf32, #tpu.memory_space<vmem_shared>> -> memref<128x128xf32, #tpu.memory_space<vmem_shared>>
      %dma_start3A_108 = arith.constant 0 : i32
      %dma_start3A_109 = tpu.memref_slice %arg8[%add3A_29, %dma_start3A_108] : memref<10240x128xf32, #tpu.memory_space<vmem_shared>> -> memref<128x128xf32, #tpu.memory_space<vmem_shared>>
      tpu.enqueue_dma source(%arg7 : memref<128x128xf32, #tpu.memory_space<vmem>>) target(%dma_start3A_109 : memref<128x128xf32, #tpu.memory_space<vmem_shared>>) target_semaphore(%run_scoped3A : memref<!tpu.dma_semaphore, #tpu.memory_space<semaphore_mem>>)
      %dma_wait3A_110 = arith.constant 0 : i32
      %dma_wait3A_111 = tpu.memref_slice %arg8[%add3A_29, %dma_wait3A_110] : memref<10240x128xf32, #tpu.memory_space<vmem_shared>> -> memref<128x128xf32, #tpu.memory_space<vmem_shared>>
      %dma_wait3A_112 = arith.constant 0 : i32
      %dma_wait3A_113 = tpu.memref_slice %arg8[%add3A_29, %dma_wait3A_112] : memref<10240x128xf32, #tpu.memory_space<vmem_shared>> -> memref<128x128xf32, #tpu.memory_space<vmem_shared>>
      tpu.wait_dma2 semaphore(%run_scoped3A : memref<!tpu.dma_semaphore, #tpu.memory_space<semaphore_mem>>) src(%arg7 : memref<128x128xf32, #tpu.memory_space<vmem>>) dst(%dma_wait3A_113 : memref<128x128xf32, #tpu.memory_space<vmem_shared>>)
      tpu.yield
    }) : () -> ()
    %mul3A_30 = arith.constant 640 : i32
    %mul3A_31 = arith.muli %arg1, %mul3A_30 : i32
    %add3A_32 = arith.constant 512 : i32
    %add3A_33 = arith.addi %mul3A_31, %add3A_32 : i32
    "tpu.region"() ({
      %run_scoped3A = tpu.sem_alloc : memref<!tpu.dma_semaphore, #tpu.memory_space<semaphore_mem>>
      %dma_start3A_106 = arith.constant 0 : i32
      %dma_start3A_107 = tpu.memref_slice %arg8[%add3A_33, %dma_start3A_106] : memref<10240x128xf32, #tpu.memory_space<vmem_shared>> -> memref<128x128xf32, #tpu.memory_space<vmem_shared>>
      %dma_start3A_108 = arith.constant 0 : i32
      %dma_start3A_109 = tpu.memref_slice %arg8[%add3A_33, %dma_start3A_108] : memref<10240x128xf32, #tpu.memory_space<vmem_shared>> -> memref<128x128xf32, #tpu.memory_space<vmem_shared>>
      tpu.enqueue_dma source(%arg7 : memref<128x128xf32, #tpu.memory_space<vmem>>) target(%dma_start3A_109 : memref<128x128xf32, #tpu.memory_space<vmem_shared>>) target_semaphore(%run_scoped3A : memref<!tpu.dma_semaphore, #tpu.memory_space<semaphore_mem>>)
      %dma_wait3A_110 = arith.constant 0 : i32
      %dma_wait3A_111 = tpu.memref_slice %arg8[%add3A_33, %dma_wait3A_110] : memref<10240x128xf32, #tpu.memory_space<vmem_shared>> -> memref<128x128xf32, #tpu.memory_space<vmem_shared>>
      %dma_wait3A_112 = arith.constant 0 : i32
      %dma_wait3A_113 = tpu.memref_slice %arg8[%add3A_33, %dma_wait3A_112] : memref<10240x128xf32, #tpu.memory_space<vmem_shared>> -> memref<128x128xf32, #tpu.memory_space<vmem_shared>>
      tpu.wait_dma2 semaphore(%run_scoped3A : memref<!tpu.dma_semaphore, #tpu.memory_space<semaphore_mem>>) src(%arg7 : memref<128x128xf32, #tpu.memory_space<vmem>>) dst(%dma_wait3A_113 : memref<128x128xf32, #tpu.memory_space<vmem_shared>>)
      tpu.yield
    }) : () -> ()
    %barrier3A = arith.constant 0 : index
    tpu.barrier barrier_id(%barrier3A)
    %mul3A_34 = arith.constant 128 : i32
    %mul3A_35 = arith.muli %add3A, %mul3A_34 : i32
    %dma_start3A = tpu.memref_slice %arg2[%mul3A_35] : memref<165888xi32, #tpu.memory_space<hbm>> -> memref<128xi32, #tpu.memory_space<hbm>>
    %dma_start3A_36 = tpu.memref_slice %arg2[%mul3A_35] : memref<165888xi32, #tpu.memory_space<hbm>> -> memref<128xi32, #tpu.memory_space<hbm>>
    tpu.enqueue_dma source(%dma_start3A_36 : memref<128xi32, #tpu.memory_space<hbm>>) target(%arg4 : memref<128xi32, #tpu.memory_space<vmem>>) target_semaphore(%arg9 : memref<!tpu.dma_semaphore, #tpu.memory_space<semaphore_mem>>)
    %dma_wait3A = tpu.memref_slice %arg2[%mul3A_35] : memref<165888xi32, #tpu.memory_space<hbm>> -> memref<128xi32, #tpu.memory_space<hbm>>
    %dma_wait3A_37 = tpu.memref_slice %arg2[%mul3A_35] : memref<165888xi32, #tpu.memory_space<hbm>> -> memref<128xi32, #tpu.memory_space<hbm>>
    tpu.wait_dma2 semaphore(%arg9 : memref<!tpu.dma_semaphore, #tpu.memory_space<semaphore_mem>>) src(%dma_wait3A_37 : memref<128xi32, #tpu.memory_space<hbm>>) dst(%arg4 : memref<128xi32, #tpu.memory_space<vmem>>)
    %dma_start3A_38 = arith.constant 0 : i32
    %dma_start3A_39 = arith.constant 0 : i32
    %dma_start3A_40 = tpu.memref_slice %arg8[%dma_start3A_38, %dma_start3A_39] : memref<10240x128xf32, #tpu.memory_space<vmem_shared>> -> memref<10240x128xf32, #tpu.memory_space<vmem_shared>>
    tpu.enqueue_indirect_dma source(%arg6 : memref<128x128xf32, #tpu.memory_space<vmem>>) target(%dma_start3A_40 : memref<10240x128xf32, #tpu.memory_space<vmem_shared>>) offsets(%arg4 : memref<128xi32, #tpu.memory_space<vmem>>) semaphore(%arg10 : memref<!tpu.dma_semaphore, #tpu.memory_space<semaphore_mem>>) {add = true}
    %scan3A_41 = arith.constant 0 : i32
    %scan3A_42 = arith.constant 0 : i32
    %scan3A_43 = arith.constant 19 : i32
    %scan3A_44 = arith.addi %scan3A_42, %scan3A_43 : i32
    %scan3A_45 = arith.constant 1 : i32
    %scan3A_46 = scf.for %scan3A_106 = %scan3A_42 to %scan3A_44 step %scan3A_45 iter_args(%scan3A_107 = %scan3A_41) -> (i32)  : i32 {
      %mul3A_108 = arith.constant 2 : i32
      %mul3A_109 = arith.muli %mul3A_108, %scan3A_106 : i32
      %add3A_110 = arith.constant 1 : i32
      %add3A_111 = arith.addi %mul3A_109, %add3A_110 : i32
      %add3A_112 = arith.constant 0 : i32
      %add3A_113 = arith.addi %add3A_111, %add3A_112 : i32
      %mul3A_114 = arith.constant 32 : i32
      %mul3A_115 = arith.muli %mul3A_114, %add3A_113 : i32
      %add3A_116 = arith.addi %add3A, %mul3A_115 : i32
      %mul3A_117 = arith.constant 128 : i32
      %mul3A_118 = arith.muli %add3A_116, %mul3A_117 : i32
      %dma_start3A_119 = tpu.memref_slice %arg2[%mul3A_118] : memref<165888xi32, #tpu.memory_space<hbm>> -> memref<128xi32, #tpu.memory_space<hbm>>
      %dma_start3A_120 = tpu.memref_slice %arg2[%mul3A_118] : memref<165888xi32, #tpu.memory_space<hbm>> -> memref<128xi32, #tpu.memory_space<hbm>>
      tpu.enqueue_dma source(%dma_start3A_120 : memref<128xi32, #tpu.memory_space<hbm>>) target(%arg5 : memref<128xi32, #tpu.memory_space<vmem>>) target_semaphore(%arg9 : memref<!tpu.dma_semaphore, #tpu.memory_space<semaphore_mem>>)
      %dma_wait3A_121 = tpu.memref_slice %arg2[%mul3A_118] : memref<165888xi32, #tpu.memory_space<hbm>> -> memref<128xi32, #tpu.memory_space<hbm>>
      %dma_wait3A_122 = tpu.memref_slice %arg2[%mul3A_118] : memref<165888xi32, #tpu.memory_space<hbm>> -> memref<128xi32, #tpu.memory_space<hbm>>
      tpu.wait_dma2 semaphore(%arg9 : memref<!tpu.dma_semaphore, #tpu.memory_space<semaphore_mem>>) src(%dma_wait3A_122 : memref<128xi32, #tpu.memory_space<hbm>>) dst(%arg5 : memref<128xi32, #tpu.memory_space<vmem>>)
      %dma_start3A_123 = arith.constant 0 : i32
      %dma_start3A_124 = arith.constant 0 : i32
      %dma_start3A_125 = tpu.memref_slice %arg8[%dma_start3A_123, %dma_start3A_124] : memref<10240x128xf32, #tpu.memory_space<vmem_shared>> -> memref<10240x128xf32, #tpu.memory_space<vmem_shared>>
      tpu.enqueue_indirect_dma source(%arg6 : memref<128x128xf32, #tpu.memory_space<vmem>>) target(%dma_start3A_125 : memref<10240x128xf32, #tpu.memory_space<vmem_shared>>) offsets(%arg5 : memref<128xi32, #tpu.memory_space<vmem>>) semaphore(%arg11 : memref<!tpu.dma_semaphore, #tpu.memory_space<semaphore_mem>>) {add = true}
      %dma_wait3A_126 = arith.constant 0 : i32
      %dma_wait3A_127 = arith.constant 0 : i32
      %dma_wait3A_128 = tpu.memref_slice %arg8[%dma_wait3A_126, %dma_wait3A_127] : memref<10240x128xf32, #tpu.memory_space<vmem_shared>> -> memref<10240x128xf32, #tpu.memory_space<vmem_shared>>
      tpu.wait_indirect_dma semaphore(%arg10 : memref<!tpu.dma_semaphore, #tpu.memory_space<semaphore_mem>>) src(%arg6 : memref<128x128xf32, #tpu.memory_space<vmem>>) dst(%dma_wait3A_128 : memref<10240x128xf32, #tpu.memory_space<vmem_shared>>)
      %mul3A_129 = arith.constant 2 : i32
      %mul3A_130 = arith.muli %mul3A_129, %scan3A_106 : i32
      %add3A_131 = arith.constant 1 : i32
      %add3A_132 = arith.addi %mul3A_130, %add3A_131 : i32
      %add3A_133 = arith.constant 1 : i32
      %add3A_134 = arith.addi %add3A_132, %add3A_133 : i32
      %mul3A_135 = arith.constant 32 : i32
      %mul3A_136 = arith.muli %mul3A_135, %add3A_134 : i32
      %add3A_137 = arith.addi %add3A, %mul3A_136 : i32
      %mul3A_138 = arith.constant 128 : i32
      %mul3A_139 = arith.muli %add3A_137, %mul3A_138 : i32
      %dma_start3A_140 = tpu.memref_slice %arg2[%mul3A_139] : memref<165888xi32, #tpu.memory_space<hbm>> -> memref<128xi32, #tpu.memory_space<hbm>>
      %dma_start3A_141 = tpu.memref_slice %arg2[%mul3A_139] : memref<165888xi32, #tpu.memory_space<hbm>> -> memref<128xi32, #tpu.memory_space<hbm>>
      tpu.enqueue_dma source(%dma_start3A_141 : memref<128xi32, #tpu.memory_space<hbm>>) target(%arg4 : memref<128xi32, #tpu.memory_space<vmem>>) target_semaphore(%arg9 : memref<!tpu.dma_semaphore, #tpu.memory_space<semaphore_mem>>)
      %dma_wait3A_142 = tpu.memref_slice %arg2[%mul3A_139] : memref<165888xi32, #tpu.memory_space<hbm>> -> memref<128xi32, #tpu.memory_space<hbm>>
      %dma_wait3A_143 = tpu.memref_slice %arg2[%mul3A_139] : memref<165888xi32, #tpu.memory_space<hbm>> -> memref<128xi32, #tpu.memory_space<hbm>>
      tpu.wait_dma2 semaphore(%arg9 : memref<!tpu.dma_semaphore, #tpu.memory_space<semaphore_mem>>) src(%dma_wait3A_143 : memref<128xi32, #tpu.memory_space<hbm>>) dst(%arg4 : memref<128xi32, #tpu.memory_space<vmem>>)
      %dma_start3A_144 = arith.constant 0 : i32
      %dma_start3A_145 = arith.constant 0 : i32
      %dma_start3A_146 = tpu.memref_slice %arg8[%dma_start3A_144, %dma_start3A_145] : memref<10240x128xf32, #tpu.memory_space<vmem_shared>> -> memref<10240x128xf32, #tpu.memory_space<vmem_shared>>
      tpu.enqueue_indirect_dma source(%arg6 : memref<128x128xf32, #tpu.memory_space<vmem>>) target(%dma_start3A_146 : memref<10240x128xf32, #tpu.memory_space<vmem_shared>>) offsets(%arg4 : memref<128xi32, #tpu.memory_space<vmem>>) semaphore(%arg10 : memref<!tpu.dma_semaphore, #tpu.memory_space<semaphore_mem>>) {add = true}
      %dma_wait3A_147 = arith.constant 0 : i32
      %dma_wait3A_148 = arith.constant 0 : i32
      %dma_wait3A_149 = tpu.memref_slice %arg8[%dma_wait3A_147, %dma_wait3A_148] : memref<10240x128xf32, #tpu.memory_space<vmem_shared>> -> memref<10240x128xf32, #tpu.memory_space<vmem_shared>>
      tpu.wait_indirect_dma semaphore(%arg11 : memref<!tpu.dma_semaphore, #tpu.memory_space<semaphore_mem>>) src(%arg6 : memref<128x128xf32, #tpu.memory_space<vmem>>) dst(%dma_wait3A_149 : memref<10240x128xf32, #tpu.memory_space<vmem_shared>>)
      %scan3A_150 = arith.constant 0 : i32
      scf.yield %scan3A_150 : i32
    }
    %scan3A_47 = arith.constant 19 : i32
    %add3A_48 = arith.constant 1248 : i32
    %add3A_49 = arith.addi %add3A, %add3A_48 : i32
    %mul3A_50 = arith.constant 128 : i32
    %mul3A_51 = arith.muli %add3A_49, %mul3A_50 : i32
    %dma_start3A_52 = tpu.memref_slice %arg2[%mul3A_51] : memref<165888xi32, #tpu.memory_space<hbm>> -> memref<128xi32, #tpu.memory_space<hbm>>
    %dma_start3A_53 = tpu.memref_slice %arg2[%mul3A_51] : memref<165888xi32, #tpu.memory_space<hbm>> -> memref<128xi32, #tpu.memory_space<hbm>>
    tpu.enqueue_dma source(%dma_start3A_53 : memref<128xi32, #tpu.memory_space<hbm>>) target(%arg5 : memref<128xi32, #tpu.memory_space<vmem>>) target_semaphore(%arg9 : memref<!tpu.dma_semaphore, #tpu.memory_space<semaphore_mem>>)
    %dma_wait3A_54 = tpu.memref_slice %arg2[%mul3A_51] : memref<165888xi32, #tpu.memory_space<hbm>> -> memref<128xi32, #tpu.memory_space<hbm>>
    %dma_wait3A_55 = tpu.memref_slice %arg2[%mul3A_51] : memref<165888xi32, #tpu.memory_space<hbm>> -> memref<128xi32, #tpu.memory_space<hbm>>
    tpu.wait_dma2 semaphore(%arg9 : memref<!tpu.dma_semaphore, #tpu.memory_space<semaphore_mem>>) src(%dma_wait3A_55 : memref<128xi32, #tpu.memory_space<hbm>>) dst(%arg5 : memref<128xi32, #tpu.memory_space<vmem>>)
    %dma_start3A_56 = arith.constant 0 : i32
    %dma_start3A_57 = arith.constant 0 : i32
    %dma_start3A_58 = tpu.memref_slice %arg8[%dma_start3A_56, %dma_start3A_57] : memref<10240x128xf32, #tpu.memory_space<vmem_shared>> -> memref<10240x128xf32, #tpu.memory_space<vmem_shared>>
    tpu.enqueue_indirect_dma source(%arg6 : memref<128x128xf32, #tpu.memory_space<vmem>>) target(%dma_start3A_58 : memref<10240x128xf32, #tpu.memory_space<vmem_shared>>) offsets(%arg5 : memref<128xi32, #tpu.memory_space<vmem>>) semaphore(%arg11 : memref<!tpu.dma_semaphore, #tpu.memory_space<semaphore_mem>>) {add = true}
    %dma_wait3A_59 = arith.constant 0 : i32
    %dma_wait3A_60 = arith.constant 0 : i32
    %dma_wait3A_61 = tpu.memref_slice %arg8[%dma_wait3A_59, %dma_wait3A_60] : memref<10240x128xf32, #tpu.memory_space<vmem_shared>> -> memref<10240x128xf32, #tpu.memory_space<vmem_shared>>
    tpu.wait_indirect_dma semaphore(%arg10 : memref<!tpu.dma_semaphore, #tpu.memory_space<semaphore_mem>>) src(%arg6 : memref<128x128xf32, #tpu.memory_space<vmem>>) dst(%dma_wait3A_61 : memref<10240x128xf32, #tpu.memory_space<vmem_shared>>)
    %dma_wait3A_62 = arith.constant 0 : i32
    %dma_wait3A_63 = arith.constant 0 : i32
    %dma_wait3A_64 = tpu.memref_slice %arg8[%dma_wait3A_62, %dma_wait3A_63] : memref<10240x128xf32, #tpu.memory_space<vmem_shared>> -> memref<10240x128xf32, #tpu.memory_space<vmem_shared>>
    tpu.wait_indirect_dma semaphore(%arg11 : memref<!tpu.dma_semaphore, #tpu.memory_space<semaphore_mem>>) src(%arg6 : memref<128x128xf32, #tpu.memory_space<vmem>>) dst(%dma_wait3A_64 : memref<10240x128xf32, #tpu.memory_space<vmem_shared>>)
    %barrier3A_65 = arith.constant 0 : index
    tpu.barrier barrier_id(%barrier3A_65)
    %mul3A_66 = arith.constant 640 : i32
    %mul3A_67 = arith.muli %arg1, %mul3A_66 : i32
    %add3A_68 = arith.constant 0 : i32
    %add3A_69 = arith.addi %mul3A_67, %add3A_68 : i32
    "tpu.region"() ({
      %run_scoped3A = tpu.sem_alloc : memref<!tpu.dma_semaphore, #tpu.memory_space<semaphore_mem>>
      %dma_start3A_106 = arith.constant 0 : i32
      %dma_start3A_107 = tpu.memref_slice %arg8[%add3A_69, %dma_start3A_106] : memref<10240x128xf32, #tpu.memory_space<vmem_shared>> -> memref<128x128xf32, #tpu.memory_space<vmem_shared>>
      %dma_start3A_108 = arith.constant 0 : i32
      %dma_start3A_109 = tpu.memref_slice %arg8[%add3A_69, %dma_start3A_108] : memref<10240x128xf32, #tpu.memory_space<vmem_shared>> -> memref<128x128xf32, #tpu.memory_space<vmem_shared>>
      tpu.enqueue_dma source(%dma_start3A_109 : memref<128x128xf32, #tpu.memory_space<vmem_shared>>) target(%arg7 : memref<128x128xf32, #tpu.memory_space<vmem>>) target_semaphore(%run_scoped3A : memref<!tpu.dma_semaphore, #tpu.memory_space<semaphore_mem>>)
      %dma_wait3A_110 = arith.constant 0 : i32
      %dma_wait3A_111 = tpu.memref_slice %arg8[%add3A_69, %dma_wait3A_110] : memref<10240x128xf32, #tpu.memory_space<vmem_shared>> -> memref<128x128xf32, #tpu.memory_space<vmem_shared>>
      %dma_wait3A_112 = arith.constant 0 : i32
      %dma_wait3A_113 = tpu.memref_slice %arg8[%add3A_69, %dma_wait3A_112] : memref<10240x128xf32, #tpu.memory_space<vmem_shared>> -> memref<128x128xf32, #tpu.memory_space<vmem_shared>>
      tpu.wait_dma2 semaphore(%run_scoped3A : memref<!tpu.dma_semaphore, #tpu.memory_space<semaphore_mem>>) src(%dma_wait3A_113 : memref<128x128xf32, #tpu.memory_space<vmem_shared>>) dst(%arg7 : memref<128x128xf32, #tpu.memory_space<vmem>>)
      tpu.yield
    }) : () -> ()
    %mul3A_70 = arith.constant 640 : i32
    %mul3A_71 = arith.muli %arg1, %mul3A_70 : i32
    %add3A_72 = arith.constant 0 : i32
    %add3A_73 = arith.addi %mul3A_71, %add3A_72 : i32
    "tpu.region"() ({
      %run_scoped3A = tpu.sem_alloc : memref<!tpu.dma_semaphore, #tpu.memory_space<semaphore_mem>>
      %dma_start3A_106 = arith.constant 0 : i32
      %dma_start3A_107 = tpu.memref_slice %arg3[%arg0, %add3A_73, %dma_start3A_106] : memref<2x10240x128xf32, #tpu.memory_space<hbm>> -> memref<1x128x128xf32, #tpu.memory_space<hbm>>
      %dma_start3A_108 = tpu.memref_squeeze %dma_start3A_107 : memref<1x128x128xf32, #tpu.memory_space<hbm>> -> memref<128x128xf32, #tpu.memory_space<hbm>>
      %dma_start3A_109 = arith.constant 0 : i32
      %dma_start3A_110 = tpu.memref_slice %arg3[%arg0, %add3A_73, %dma_start3A_109] : memref<2x10240x128xf32, #tpu.memory_space<hbm>> -> memref<1x128x128xf32, #tpu.memory_space<hbm>>
      %dma_start3A_111 = tpu.memref_squeeze %dma_start3A_110 : memref<1x128x128xf32, #tpu.memory_space<hbm>> -> memref<128x128xf32, #tpu.memory_space<hbm>>
      tpu.enqueue_dma source(%arg7 : memref<128x128xf32, #tpu.memory_space<vmem>>) target(%dma_start3A_111 : memref<128x128xf32, #tpu.memory_space<hbm>>) target_semaphore(%run_scoped3A : memref<!tpu.dma_semaphore, #tpu.memory_space<semaphore_mem>>)
      %dma_wait3A_112 = arith.constant 0 : i32
      %dma_wait3A_113 = tpu.memref_slice %arg3[%arg0, %add3A_73, %dma_wait3A_112] : memref<2x10240x128xf32, #tpu.memory_space<hbm>> -> memref<1x128x128xf32, #tpu.memory_space<hbm>>
      %dma_wait3A_114 = tpu.memref_squeeze %dma_wait3A_113 : memref<1x128x128xf32, #tpu.memory_space<hbm>> -> memref<128x128xf32, #tpu.memory_space<hbm>>
      %dma_wait3A_115 = arith.constant 0 : i32
      %dma_wait3A_116 = tpu.memref_slice %arg3[%arg0, %add3A_73, %dma_wait3A_115] : memref<2x10240x128xf32, #tpu.memory_space<hbm>> -> memref<1x128x128xf32, #tpu.memory_space<hbm>>
      %dma_wait3A_117 = tpu.memref_squeeze %dma_wait3A_116 : memref<1x128x128xf32, #tpu.memory_space<hbm>> -> memref<128x128xf32, #tpu.memory_space<hbm>>
      tpu.wait_dma2 semaphore(%run_scoped3A : memref<!tpu.dma_semaphore, #tpu.memory_space<semaphore_mem>>) src(%arg7 : memref<128x128xf32, #tpu.memory_space<vmem>>) dst(%dma_wait3A_117 : memref<128x128xf32, #tpu.memory_space<hbm>>)
      tpu.yield
    }) : () -> ()
    %mul3A_74 = arith.constant 640 : i32
    %mul3A_75 = arith.muli %arg1, %mul3A_74 : i32
    %add3A_76 = arith.constant 128 : i32
    %add3A_77 = arith.addi %mul3A_75, %add3A_76 : i32
    "tpu.region"() ({
      %run_scoped3A = tpu.sem_alloc : memref<!tpu.dma_semaphore, #tpu.memory_space<semaphore_mem>>
      %dma_start3A_106 = arith.constant 0 : i32
      %dma_start3A_107 = tpu.memref_slice %arg8[%add3A_77, %dma_start3A_106] : memref<10240x128xf32, #tpu.memory_space<vmem_shared>> -> memref<128x128xf32, #tpu.memory_space<vmem_shared>>
      %dma_start3A_108 = arith.constant 0 : i32
      %dma_start3A_109 = tpu.memref_slice %arg8[%add3A_77, %dma_start3A_108] : memref<10240x128xf32, #tpu.memory_space<vmem_shared>> -> memref<128x128xf32, #tpu.memory_space<vmem_shared>>
      tpu.enqueue_dma source(%dma_start3A_109 : memref<128x128xf32, #tpu.memory_space<vmem_shared>>) target(%arg7 : memref<128x128xf32, #tpu.memory_space<vmem>>) target_semaphore(%run_scoped3A : memref<!tpu.dma_semaphore, #tpu.memory_space<semaphore_mem>>)
      %dma_wait3A_110 = arith.constant 0 : i32
      %dma_wait3A_111 = tpu.memref_slice %arg8[%add3A_77, %dma_wait3A_110] : memref<10240x128xf32, #tpu.memory_space<vmem_shared>> -> memref<128x128xf32, #tpu.memory_space<vmem_shared>>
      %dma_wait3A_112 = arith.constant 0 : i32
      %dma_wait3A_113 = tpu.memref_slice %arg8[%add3A_77, %dma_wait3A_112] : memref<10240x128xf32, #tpu.memory_space<vmem_shared>> -> memref<128x128xf32, #tpu.memory_space<vmem_shared>>
      tpu.wait_dma2 semaphore(%run_scoped3A : memref<!tpu.dma_semaphore, #tpu.memory_space<semaphore_mem>>) src(%dma_wait3A_113 : memref<128x128xf32, #tpu.memory_space<vmem_shared>>) dst(%arg7 : memref<128x128xf32, #tpu.memory_space<vmem>>)
      tpu.yield
    }) : () -> ()
    %mul3A_78 = arith.constant 640 : i32
    %mul3A_79 = arith.muli %arg1, %mul3A_78 : i32
    %add3A_80 = arith.constant 128 : i32
    %add3A_81 = arith.addi %mul3A_79, %add3A_80 : i32
    "tpu.region"() ({
      %run_scoped3A = tpu.sem_alloc : memref<!tpu.dma_semaphore, #tpu.memory_space<semaphore_mem>>
      %dma_start3A_106 = arith.constant 0 : i32
      %dma_start3A_107 = tpu.memref_slice %arg3[%arg0, %add3A_81, %dma_start3A_106] : memref<2x10240x128xf32, #tpu.memory_space<hbm>> -> memref<1x128x128xf32, #tpu.memory_space<hbm>>
      %dma_start3A_108 = tpu.memref_squeeze %dma_start3A_107 : memref<1x128x128xf32, #tpu.memory_space<hbm>> -> memref<128x128xf32, #tpu.memory_space<hbm>>
      %dma_start3A_109 = arith.constant 0 : i32
      %dma_start3A_110 = tpu.memref_slice %arg3[%arg0, %add3A_81, %dma_start3A_109] : memref<2x10240x128xf32, #tpu.memory_space<hbm>> -> memref<1x128x128xf32, #tpu.memory_space<hbm>>
      %dma_start3A_111 = tpu.memref_squeeze %dma_start3A_110 : memref<1x128x128xf32, #tpu.memory_space<hbm>> -> memref<128x128xf32, #tpu.memory_space<hbm>>
      tpu.enqueue_dma source(%arg7 : memref<128x128xf32, #tpu.memory_space<vmem>>) target(%dma_start3A_111 : memref<128x128xf32, #tpu.memory_space<hbm>>) target_semaphore(%run_scoped3A : memref<!tpu.dma_semaphore, #tpu.memory_space<semaphore_mem>>)
      %dma_wait3A_112 = arith.constant 0 : i32
      %dma_wait3A_113 = tpu.memref_slice %arg3[%arg0, %add3A_81, %dma_wait3A_112] : memref<2x10240x128xf32, #tpu.memory_space<hbm>> -> memref<1x128x128xf32, #tpu.memory_space<hbm>>
      %dma_wait3A_114 = tpu.memref_squeeze %dma_wait3A_113 : memref<1x128x128xf32, #tpu.memory_space<hbm>> -> memref<128x128xf32, #tpu.memory_space<hbm>>
      %dma_wait3A_115 = arith.constant 0 : i32
      %dma_wait3A_116 = tpu.memref_slice %arg3[%arg0, %add3A_81, %dma_wait3A_115] : memref<2x10240x128xf32, #tpu.memory_space<hbm>> -> memref<1x128x128xf32, #tpu.memory_space<hbm>>
      %dma_wait3A_117 = tpu.memref_squeeze %dma_wait3A_116 : memref<1x128x128xf32, #tpu.memory_space<hbm>> -> memref<128x128xf32, #tpu.memory_space<hbm>>
      tpu.wait_dma2 semaphore(%run_scoped3A : memref<!tpu.dma_semaphore, #tpu.memory_space<semaphore_mem>>) src(%arg7 : memref<128x128xf32, #tpu.memory_space<vmem>>) dst(%dma_wait3A_117 : memref<128x128xf32, #tpu.memory_space<hbm>>)
      tpu.yield
    }) : () -> ()
    %mul3A_82 = arith.constant 640 : i32
    %mul3A_83 = arith.muli %arg1, %mul3A_82 : i32
    %add3A_84 = arith.constant 256 : i32
    %add3A_85 = arith.addi %mul3A_83, %add3A_84 : i32
    "tpu.region"() ({
      %run_scoped3A = tpu.sem_alloc : memref<!tpu.dma_semaphore, #tpu.memory_space<semaphore_mem>>
      %dma_start3A_106 = arith.constant 0 : i32
      %dma_start3A_107 = tpu.memref_slice %arg8[%add3A_85, %dma_start3A_106] : memref<10240x128xf32, #tpu.memory_space<vmem_shared>> -> memref<128x128xf32, #tpu.memory_space<vmem_shared>>
      %dma_start3A_108 = arith.constant 0 : i32
      %dma_start3A_109 = tpu.memref_slice %arg8[%add3A_85, %dma_start3A_108] : memref<10240x128xf32, #tpu.memory_space<vmem_shared>> -> memref<128x128xf32, #tpu.memory_space<vmem_shared>>
      tpu.enqueue_dma source(%dma_start3A_109 : memref<128x128xf32, #tpu.memory_space<vmem_shared>>) target(%arg7 : memref<128x128xf32, #tpu.memory_space<vmem>>) target_semaphore(%run_scoped3A : memref<!tpu.dma_semaphore, #tpu.memory_space<semaphore_mem>>)
      %dma_wait3A_110 = arith.constant 0 : i32
      %dma_wait3A_111 = tpu.memref_slice %arg8[%add3A_85, %dma_wait3A_110] : memref<10240x128xf32, #tpu.memory_space<vmem_shared>> -> memref<128x128xf32, #tpu.memory_space<vmem_shared>>
      %dma_wait3A_112 = arith.constant 0 : i32
      %dma_wait3A_113 = tpu.memref_slice %arg8[%add3A_85, %dma_wait3A_112] : memref<10240x128xf32, #tpu.memory_space<vmem_shared>> -> memref<128x128xf32, #tpu.memory_space<vmem_shared>>
      tpu.wait_dma2 semaphore(%run_scoped3A : memref<!tpu.dma_semaphore, #tpu.memory_space<semaphore_mem>>) src(%dma_wait3A_113 : memref<128x128xf32, #tpu.memory_space<vmem_shared>>) dst(%arg7 : memref<128x128xf32, #tpu.memory_space<vmem>>)
      tpu.yield
    }) : () -> ()
    %mul3A_86 = arith.constant 640 : i32
    %mul3A_87 = arith.muli %arg1, %mul3A_86 : i32
    %add3A_88 = arith.constant 256 : i32
    %add3A_89 = arith.addi %mul3A_87, %add3A_88 : i32
    "tpu.region"() ({
      %run_scoped3A = tpu.sem_alloc : memref<!tpu.dma_semaphore, #tpu.memory_space<semaphore_mem>>
      %dma_start3A_106 = arith.constant 0 : i32
      %dma_start3A_107 = tpu.memref_slice %arg3[%arg0, %add3A_89, %dma_start3A_106] : memref<2x10240x128xf32, #tpu.memory_space<hbm>> -> memref<1x128x128xf32, #tpu.memory_space<hbm>>
      %dma_start3A_108 = tpu.memref_squeeze %dma_start3A_107 : memref<1x128x128xf32, #tpu.memory_space<hbm>> -> memref<128x128xf32, #tpu.memory_space<hbm>>
      %dma_start3A_109 = arith.constant 0 : i32
      %dma_start3A_110 = tpu.memref_slice %arg3[%arg0, %add3A_89, %dma_start3A_109] : memref<2x10240x128xf32, #tpu.memory_space<hbm>> -> memref<1x128x128xf32, #tpu.memory_space<hbm>>
      %dma_start3A_111 = tpu.memref_squeeze %dma_start3A_110 : memref<1x128x128xf32, #tpu.memory_space<hbm>> -> memref<128x128xf32, #tpu.memory_space<hbm>>
      tpu.enqueue_dma source(%arg7 : memref<128x128xf32, #tpu.memory_space<vmem>>) target(%dma_start3A_111 : memref<128x128xf32, #tpu.memory_space<hbm>>) target_semaphore(%run_scoped3A : memref<!tpu.dma_semaphore, #tpu.memory_space<semaphore_mem>>)
      %dma_wait3A_112 = arith.constant 0 : i32
      %dma_wait3A_113 = tpu.memref_slice %arg3[%arg0, %add3A_89, %dma_wait3A_112] : memref<2x10240x128xf32, #tpu.memory_space<hbm>> -> memref<1x128x128xf32, #tpu.memory_space<hbm>>
      %dma_wait3A_114 = tpu.memref_squeeze %dma_wait3A_113 : memref<1x128x128xf32, #tpu.memory_space<hbm>> -> memref<128x128xf32, #tpu.memory_space<hbm>>
      %dma_wait3A_115 = arith.constant 0 : i32
      %dma_wait3A_116 = tpu.memref_slice %arg3[%arg0, %add3A_89, %dma_wait3A_115] : memref<2x10240x128xf32, #tpu.memory_space<hbm>> -> memref<1x128x128xf32, #tpu.memory_space<hbm>>
      %dma_wait3A_117 = tpu.memref_squeeze %dma_wait3A_116 : memref<1x128x128xf32, #tpu.memory_space<hbm>> -> memref<128x128xf32, #tpu.memory_space<hbm>>
      tpu.wait_dma2 semaphore(%run_scoped3A : memref<!tpu.dma_semaphore, #tpu.memory_space<semaphore_mem>>) src(%arg7 : memref<128x128xf32, #tpu.memory_space<vmem>>) dst(%dma_wait3A_117 : memref<128x128xf32, #tpu.memory_space<hbm>>)
      tpu.yield
    }) : () -> ()
    %mul3A_90 = arith.constant 640 : i32
    %mul3A_91 = arith.muli %arg1, %mul3A_90 : i32
    %add3A_92 = arith.constant 384 : i32
    %add3A_93 = arith.addi %mul3A_91, %add3A_92 : i32
    "tpu.region"() ({
      %run_scoped3A = tpu.sem_alloc : memref<!tpu.dma_semaphore, #tpu.memory_space<semaphore_mem>>
      %dma_start3A_106 = arith.constant 0 : i32
      %dma_start3A_107 = tpu.memref_slice %arg8[%add3A_93, %dma_start3A_106] : memref<10240x128xf32, #tpu.memory_space<vmem_shared>> -> memref<128x128xf32, #tpu.memory_space<vmem_shared>>
      %dma_start3A_108 = arith.constant 0 : i32
      %dma_start3A_109 = tpu.memref_slice %arg8[%add3A_93, %dma_start3A_108] : memref<10240x128xf32, #tpu.memory_space<vmem_shared>> -> memref<128x128xf32, #tpu.memory_space<vmem_shared>>
      tpu.enqueue_dma source(%dma_start3A_109 : memref<128x128xf32, #tpu.memory_space<vmem_shared>>) target(%arg7 : memref<128x128xf32, #tpu.memory_space<vmem>>) target_semaphore(%run_scoped3A : memref<!tpu.dma_semaphore, #tpu.memory_space<semaphore_mem>>)
      %dma_wait3A_110 = arith.constant 0 : i32
      %dma_wait3A_111 = tpu.memref_slice %arg8[%add3A_93, %dma_wait3A_110] : memref<10240x128xf32, #tpu.memory_space<vmem_shared>> -> memref<128x128xf32, #tpu.memory_space<vmem_shared>>
      %dma_wait3A_112 = arith.constant 0 : i32
      %dma_wait3A_113 = tpu.memref_slice %arg8[%add3A_93, %dma_wait3A_112] : memref<10240x128xf32, #tpu.memory_space<vmem_shared>> -> memref<128x128xf32, #tpu.memory_space<vmem_shared>>
      tpu.wait_dma2 semaphore(%run_scoped3A : memref<!tpu.dma_semaphore, #tpu.memory_space<semaphore_mem>>) src(%dma_wait3A_113 : memref<128x128xf32, #tpu.memory_space<vmem_shared>>) dst(%arg7 : memref<128x128xf32, #tpu.memory_space<vmem>>)
      tpu.yield
    }) : () -> ()
    %mul3A_94 = arith.constant 640 : i32
    %mul3A_95 = arith.muli %arg1, %mul3A_94 : i32
    %add3A_96 = arith.constant 384 : i32
    %add3A_97 = arith.addi %mul3A_95, %add3A_96 : i32
    "tpu.region"() ({
      %run_scoped3A = tpu.sem_alloc : memref<!tpu.dma_semaphore, #tpu.memory_space<semaphore_mem>>
      %dma_start3A_106 = arith.constant 0 : i32
      %dma_start3A_107 = tpu.memref_slice %arg3[%arg0, %add3A_97, %dma_start3A_106] : memref<2x10240x128xf32, #tpu.memory_space<hbm>> -> memref<1x128x128xf32, #tpu.memory_space<hbm>>
      %dma_start3A_108 = tpu.memref_squeeze %dma_start3A_107 : memref<1x128x128xf32, #tpu.memory_space<hbm>> -> memref<128x128xf32, #tpu.memory_space<hbm>>
      %dma_start3A_109 = arith.constant 0 : i32
      %dma_start3A_110 = tpu.memref_slice %arg3[%arg0, %add3A_97, %dma_start3A_109] : memref<2x10240x128xf32, #tpu.memory_space<hbm>> -> memref<1x128x128xf32, #tpu.memory_space<hbm>>
      %dma_start3A_111 = tpu.memref_squeeze %dma_start3A_110 : memref<1x128x128xf32, #tpu.memory_space<hbm>> -> memref<128x128xf32, #tpu.memory_space<hbm>>
      tpu.enqueue_dma source(%arg7 : memref<128x128xf32, #tpu.memory_space<vmem>>) target(%dma_start3A_111 : memref<128x128xf32, #tpu.memory_space<hbm>>) target_semaphore(%run_scoped3A : memref<!tpu.dma_semaphore, #tpu.memory_space<semaphore_mem>>)
      %dma_wait3A_112 = arith.constant 0 : i32
      %dma_wait3A_113 = tpu.memref_slice %arg3[%arg0, %add3A_97, %dma_wait3A_112] : memref<2x10240x128xf32, #tpu.memory_space<hbm>> -> memref<1x128x128xf32, #tpu.memory_space<hbm>>
      %dma_wait3A_114 = tpu.memref_squeeze %dma_wait3A_113 : memref<1x128x128xf32, #tpu.memory_space<hbm>> -> memref<128x128xf32, #tpu.memory_space<hbm>>
      %dma_wait3A_115 = arith.constant 0 : i32
      %dma_wait3A_116 = tpu.memref_slice %arg3[%arg0, %add3A_97, %dma_wait3A_115] : memref<2x10240x128xf32, #tpu.memory_space<hbm>> -> memref<1x128x128xf32, #tpu.memory_space<hbm>>
      %dma_wait3A_117 = tpu.memref_squeeze %dma_wait3A_116 : memref<1x128x128xf32, #tpu.memory_space<hbm>> -> memref<128x128xf32, #tpu.memory_space<hbm>>
      tpu.wait_dma2 semaphore(%run_scoped3A : memref<!tpu.dma_semaphore, #tpu.memory_space<semaphore_mem>>) src(%arg7 : memref<128x128xf32, #tpu.memory_space<vmem>>) dst(%dma_wait3A_117 : memref<128x128xf32, #tpu.memory_space<hbm>>)
      tpu.yield
    }) : () -> ()
    %mul3A_98 = arith.constant 640 : i32
    %mul3A_99 = arith.muli %arg1, %mul3A_98 : i32
    %add3A_100 = arith.constant 512 : i32
    %add3A_101 = arith.addi %mul3A_99, %add3A_100 : i32
    "tpu.region"() ({
      %run_scoped3A = tpu.sem_alloc : memref<!tpu.dma_semaphore, #tpu.memory_space<semaphore_mem>>
      %dma_start3A_106 = arith.constant 0 : i32
      %dma_start3A_107 = tpu.memref_slice %arg8[%add3A_101, %dma_start3A_106] : memref<10240x128xf32, #tpu.memory_space<vmem_shared>> -> memref<128x128xf32, #tpu.memory_space<vmem_shared>>
      %dma_start3A_108 = arith.constant 0 : i32
      %dma_start3A_109 = tpu.memref_slice %arg8[%add3A_101, %dma_start3A_108] : memref<10240x128xf32, #tpu.memory_space<vmem_shared>> -> memref<128x128xf32, #tpu.memory_space<vmem_shared>>
      tpu.enqueue_dma source(%dma_start3A_109 : memref<128x128xf32, #tpu.memory_space<vmem_shared>>) target(%arg7 : memref<128x128xf32, #tpu.memory_space<vmem>>) target_semaphore(%run_scoped3A : memref<!tpu.dma_semaphore, #tpu.memory_space<semaphore_mem>>)
      %dma_wait3A_110 = arith.constant 0 : i32
      %dma_wait3A_111 = tpu.memref_slice %arg8[%add3A_101, %dma_wait3A_110] : memref<10240x128xf32, #tpu.memory_space<vmem_shared>> -> memref<128x128xf32, #tpu.memory_space<vmem_shared>>
      %dma_wait3A_112 = arith.constant 0 : i32
      %dma_wait3A_113 = tpu.memref_slice %arg8[%add3A_101, %dma_wait3A_112] : memref<10240x128xf32, #tpu.memory_space<vmem_shared>> -> memref<128x128xf32, #tpu.memory_space<vmem_shared>>
      tpu.wait_dma2 semaphore(%run_scoped3A : memref<!tpu.dma_semaphore, #tpu.memory_space<semaphore_mem>>) src(%dma_wait3A_113 : memref<128x128xf32, #tpu.memory_space<vmem_shared>>) dst(%arg7 : memref<128x128xf32, #tpu.memory_space<vmem>>)
      tpu.yield
    }) : () -> ()
    %mul3A_102 = arith.constant 640 : i32
    %mul3A_103 = arith.muli %arg1, %mul3A_102 : i32
    %add3A_104 = arith.constant 512 : i32
    %add3A_105 = arith.addi %mul3A_103, %add3A_104 : i32
    "tpu.region"() ({
      %run_scoped3A = tpu.sem_alloc : memref<!tpu.dma_semaphore, #tpu.memory_space<semaphore_mem>>
      %dma_start3A_106 = arith.constant 0 : i32
      %dma_start3A_107 = tpu.memref_slice %arg3[%arg0, %add3A_105, %dma_start3A_106] : memref<2x10240x128xf32, #tpu.memory_space<hbm>> -> memref<1x128x128xf32, #tpu.memory_space<hbm>>
      %dma_start3A_108 = tpu.memref_squeeze %dma_start3A_107 : memref<1x128x128xf32, #tpu.memory_space<hbm>> -> memref<128x128xf32, #tpu.memory_space<hbm>>
      %dma_start3A_109 = arith.constant 0 : i32
      %dma_start3A_110 = tpu.memref_slice %arg3[%arg0, %add3A_105, %dma_start3A_109] : memref<2x10240x128xf32, #tpu.memory_space<hbm>> -> memref<1x128x128xf32, #tpu.memory_space<hbm>>
      %dma_start3A_111 = tpu.memref_squeeze %dma_start3A_110 : memref<1x128x128xf32, #tpu.memory_space<hbm>> -> memref<128x128xf32, #tpu.memory_space<hbm>>
      tpu.enqueue_dma source(%arg7 : memref<128x128xf32, #tpu.memory_space<vmem>>) target(%dma_start3A_111 : memref<128x128xf32, #tpu.memory_space<hbm>>) target_semaphore(%run_scoped3A : memref<!tpu.dma_semaphore, #tpu.memory_space<semaphore_mem>>)
      %dma_wait3A_112 = arith.constant 0 : i32
      %dma_wait3A_113 = tpu.memref_slice %arg3[%arg0, %add3A_105, %dma_wait3A_112] : memref<2x10240x128xf32, #tpu.memory_space<hbm>> -> memref<1x128x128xf32, #tpu.memory_space<hbm>>
      %dma_wait3A_114 = tpu.memref_squeeze %dma_wait3A_113 : memref<1x128x128xf32, #tpu.memory_space<hbm>> -> memref<128x128xf32, #tpu.memory_space<hbm>>
      %dma_wait3A_115 = arith.constant 0 : i32
      %dma_wait3A_116 = tpu.memref_slice %arg3[%arg0, %add3A_105, %dma_wait3A_115] : memref<2x10240x128xf32, #tpu.memory_space<hbm>> -> memref<1x128x128xf32, #tpu.memory_space<hbm>>
      %dma_wait3A_117 = tpu.memref_squeeze %dma_wait3A_116 : memref<1x128x128xf32, #tpu.memory_space<hbm>> -> memref<128x128xf32, #tpu.memory_space<hbm>>
      tpu.wait_dma2 semaphore(%run_scoped3A : memref<!tpu.dma_semaphore, #tpu.memory_space<semaphore_mem>>) src(%arg7 : memref<128x128xf32, #tpu.memory_space<vmem>>) dst(%dma_wait3A_117 : memref<128x128xf32, #tpu.memory_space<hbm>>)
      tpu.yield
    }) : () -> ()
    return
  }
}

module attributes {stable_mosaic.version = 14 : i64} {
  func.func @_scale_body(%arg0: i32, %arg1: memref<2x256x128xf32, #tpu.memory_space<vmem>>, %arg2: memref<256x256xf32, #tpu.memory_space<vmem>>, %arg3: memref<2x256x128xf32, #tpu.memory_space<vmem>>, %arg4: memref<256x1xf32, #tpu.memory_space<vmem>>) attributes {dimension_semantics = [#tpu.dimension_semantics<arbitrary>], iteration_bounds = array<i64: 40>, scalar_prefetch = 0 : i64, scratch_operands = 0 : i64, tpu.core_type = #tpu.core_type<tc>, window_params = [{transform_indices = @transform_0, window_bounds = array<i64: 2, 256, 128>}, {transform_indices = @transform_1, window_bounds = array<i64: 256, 256>}, {transform_indices = @transform_2, window_bounds = array<i64: 2, 256, 128>}, {transform_indices = @transform_3, window_bounds = array<i64: 256, 1>}]} {
    %get3A = arith.constant 0 : index
    %get3A_0 = arith.constant 0 : index
    %get3A_1 = arith.constant 0 : index
    %get3A_2 = vector.load %arg1[%get3A, %get3A_0, %get3A_1] : memref<2x256x128xf32, #tpu.memory_space<vmem>>, vector<1x256x1xf32>
    %get3A_3 = vector.shape_cast %get3A_2 : vector<1x256x1xf32> to vector<256x1xf32>
    %get3A_4 = arith.constant 1 : index
    %get3A_5 = arith.constant 0 : index
    %get3A_6 = arith.constant 0 : index
    %get3A_7 = vector.load %arg1[%get3A_4, %get3A_5, %get3A_6] : memref<2x256x128xf32, #tpu.memory_space<vmem>>, vector<1x256x1xf32>
    %get3A_8 = vector.shape_cast %get3A_7 : vector<1x256x1xf32> to vector<256x1xf32>
    %add3A = arith.addf %get3A_3, %get3A_8 : vector<256x1xf32>
    %gt3A = arith.constant 0.000000e+00 : f32
    %gt3A_9 = vector.broadcast %gt3A : f32 to vector<256x1xf32>
    %gt3A_10 = arith.cmpf ogt, %add3A, %gt3A_9 : vector<256x1xf32>
    %rsqrt3A = math.rsqrt %add3A : vector<256x1xf32>
    %jit3A = arith.constant 0.000000e+00 : f32
    %broadcast_in_dim3A = vector.broadcast %jit3A : f32 to vector<256x1xf32>
    %select_n3A = arith.select %gt3A_10, %rsqrt3A, %broadcast_in_dim3A : vector<256x1xi1>, vector<256x1xf32>
    %get3A_11 = arith.constant 0 : index
    %get3A_12 = arith.constant 0 : index
    %get3A_13 = vector.load %arg2[%get3A_11, %get3A_12] : memref<256x256xf32, #tpu.memory_space<vmem>>, vector<256x256xf32>
    %mul3A = vector.broadcast %select_n3A : vector<256x1xf32> to vector<256x256xf32>
    %mul3A_14 = arith.mulf %get3A_13, %mul3A : vector<256x256xf32>
    %slice3A = vector.extract_strided_slice %mul3A_14 {offsets = [0, 0], sizes = [256, 128], strides = [1, 1]} : vector<256x256xf32> to vector<256x128xf32>
    %swap3A = arith.constant 0 : index
    %swap3A_15 = arith.constant 0 : index
    %swap3A_16 = arith.constant 0 : index
    %swap3A_17 = vector.load %arg3[%swap3A, %swap3A_15, %swap3A_16] : memref<2x256x128xf32, #tpu.memory_space<vmem>>, vector<1x256x128xf32>
    %swap3A_18 = vector.shape_cast %swap3A_17 : vector<1x256x128xf32> to vector<256x128xf32>
    %swap3A_19 = vector.shape_cast %slice3A : vector<256x128xf32> to vector<1x256x128xf32>
    tpu.vector_store %arg3[%swap3A, %swap3A_15, %swap3A_16], %swap3A_19 {strides = array<i32>} : memref<2x256x128xf32, #tpu.memory_space<vmem>>, vector<1x256x128xf32>,
    %slice3A_20 = vector.extract_strided_slice %mul3A_14 {offsets = [0, 128], sizes = [256, 128], strides = [1, 1]} : vector<256x256xf32> to vector<256x128xf32>
    %swap3A_21 = arith.constant 1 : index
    %swap3A_22 = arith.constant 0 : index
    %swap3A_23 = arith.constant 0 : index
    %swap3A_24 = vector.load %arg3[%swap3A_21, %swap3A_22, %swap3A_23] : memref<2x256x128xf32, #tpu.memory_space<vmem>>, vector<1x256x128xf32>
    %swap3A_25 = vector.shape_cast %swap3A_24 : vector<1x256x128xf32> to vector<256x128xf32>
    %swap3A_26 = vector.shape_cast %slice3A_20 : vector<256x128xf32> to vector<1x256x128xf32>
    tpu.vector_store %arg3[%swap3A_21, %swap3A_22, %swap3A_23], %swap3A_26 {strides = array<i32>} : memref<2x256x128xf32, #tpu.memory_space<vmem>>, vector<1x256x128xf32>,
    %swap3A_27 = arith.constant 0 : index
    %swap3A_28 = arith.constant 0 : index
    %swap3A_29 = vector.load %arg4[%swap3A_27, %swap3A_28] : memref<256x1xf32, #tpu.memory_space<vmem>>, vector<256x1xf32>
    tpu.vector_store %arg4[%swap3A_27, %swap3A_28], %select_n3A {strides = array<i32>} : memref<256x1xf32, #tpu.memory_space<vmem>>, vector<256x1xf32>,
    return
  }
  func.func @transform_0(%arg0: i32) -> (i32, i32, i32) {
    %c0_i32 = arith.constant 0 : i32
    %c0_i32_0 = arith.constant 0 : i32
    %c0_i32_1 = arith.constant 0 : i32
    return %c0_i32, %arg0, %c0_i32_0 : i32, i32, i32
  }
  func.func @transform_1(%arg0: i32) -> (i32, i32) {
    %c0_i32 = arith.constant 0 : i32
    %c0_i32_0 = arith.constant 0 : i32
    return %arg0, %c0_i32 : i32, i32
  }
  func.func @transform_2(%arg0: i32) -> (i32, i32, i32) {
    %c0_i32 = arith.constant 0 : i32
    %c0_i32_0 = arith.constant 0 : i32
    %c0_i32_1 = arith.constant 0 : i32
    return %c0_i32, %arg0, %c0_i32_0 : i32, i32, i32
  }
  func.func @transform_3(%arg0: i32) -> (i32, i32) {
    %c0_i32 = arith.constant 0 : i32
    %c0_i32_0 = arith.constant 0 : i32
    return %arg0, %c0_i32 : i32, i32
  }
}

module attributes {stable_mosaic.version = 14 : i64} {
  func.func @_ffn_body(%arg0: i32, %arg1: memref<1x256x128xf32, #tpu.memory_space<vmem>>, %arg2: memref<1x256x128xf32, #tpu.memory_space<vmem>>, %arg3: memref<256x1xf32, #tpu.memory_space<vmem>>, %arg4: memref<256x256xf32, #tpu.memory_space<vmem>>, %arg5: memref<1x256xf32, #tpu.memory_space<vmem>>, %arg6: memref<256x256xf32, #tpu.memory_space<vmem>>, %arg7: memref<1x256xf32, #tpu.memory_space<vmem>>, %arg8: memref<256x256xf32, #tpu.memory_space<vmem>>) attributes {dimension_semantics = [#tpu.dimension_semantics<arbitrary>], iteration_bounds = array<i64: 40>, scalar_prefetch = 0 : i64, scratch_operands = 0 : i64, tpu.core_type = #tpu.core_type<tc>, window_params = [{transform_indices = @transform_0, window_bounds = array<i64: 1, 256, 128>}, {transform_indices = @transform_1, window_bounds = array<i64: 1, 256, 128>}, {transform_indices = @transform_2, window_bounds = array<i64: 256, 1>}, {pipeline_mode = #tpu.pipeline_mode<synchronous>, transform_indices = @transform_3, window_bounds = array<i64: 256, 256>}, {pipeline_mode = #tpu.pipeline_mode<synchronous>, transform_indices = @transform_4, window_bounds = array<i64: 1, 256>}, {pipeline_mode = #tpu.pipeline_mode<synchronous>, transform_indices = @transform_5, window_bounds = array<i64: 256, 256>}, {pipeline_mode = #tpu.pipeline_mode<synchronous>, transform_indices = @transform_6, window_bounds = array<i64: 1, 256>}, {transform_indices = @transform_7, window_bounds = array<i64: 256, 256>}]} {
    %get3A = arith.constant 0 : index
    %get3A_0 = arith.constant 0 : index
    %get3A_1 = arith.constant 0 : index
    %get3A_2 = vector.load %arg1[%get3A, %get3A_0, %get3A_1] : memref<1x256x128xf32, #tpu.memory_space<vmem>>, vector<1x256x128xf32>
    %get3A_3 = vector.shape_cast %get3A_2 : vector<1x256x128xf32> to vector<256x128xf32>
    %get3A_4 = arith.constant 0 : index
    %get3A_5 = arith.constant 0 : index
    %get3A_6 = arith.constant 0 : index
    %get3A_7 = vector.load %arg2[%get3A_4, %get3A_5, %get3A_6] : memref<1x256x128xf32, #tpu.memory_space<vmem>>, vector<1x256x128xf32>
    %get3A_8 = vector.shape_cast %get3A_7 : vector<1x256x128xf32> to vector<256x128xf32>
    %concatenate3A = tpu.concatenate %get3A_3, %get3A_8 in 1 : vector<256x128xf32>, vector<256x128xf32> -> vector<256x256xf32>
    %get3A_9 = arith.constant 0 : index
    %get3A_10 = arith.constant 0 : index
    %get3A_11 = vector.load %arg3[%get3A_9, %get3A_10] : memref<256x1xf32, #tpu.memory_space<vmem>>, vector<256x1xf32>
    %mul3A = vector.broadcast %get3A_11 : vector<256x1xf32> to vector<256x256xf32>
    %mul3A_12 = arith.mulf %concatenate3A, %mul3A : vector<256x256xf32>
    %get3A_13 = arith.constant 0 : index
    %get3A_14 = arith.constant 0 : index
    %get3A_15 = vector.load %arg4[%get3A_13, %get3A_14] : memref<256x256xf32, #tpu.memory_space<vmem>>, vector<256x256xf32>
    %dot_general3A = arith.constant dense<0.000000e+00> : vector<256x256xf32>
    %dot_general3A_16 = tpu.matmul %mul3A_12, %get3A_15, %dot_general3A {dimension_numbers = #tpu.dot_dimension_numbers<[1], [0], [0], [1], [0, 0, 1, 1], [], []>, transpose_lhs_hint = false} : vector<256x256xf32>, vector<256x256xf32>, vector<256x256xf32> -> vector<256x256xf32>
    %get3A_17 = arith.constant 0 : index
    %get3A_18 = arith.constant 0 : index
    %get3A_19 = vector.load %arg5[%get3A_17, %get3A_18] : memref<1x256xf32, #tpu.memory_space<vmem>>, vector<1x256xf32>
    %add3A = vector.broadcast %get3A_19 : vector<1x256xf32> to vector<256x256xf32>
    %add3A_20 = arith.addf %dot_general3A_16, %add3A : vector<256x256xf32>
    %mul3A_21 = arith.constant 5.000000e-01 : f32
    %mul3A_22 = vector.broadcast %mul3A_21 : f32 to vector<256x256xf32>
    %mul3A_23 = arith.mulf %mul3A_22, %add3A_20 : vector<256x256xf32>
    %mul3A_24 = arith.constant 0.707106769 : f32
    %mul3A_25 = vector.broadcast %mul3A_24 : f32 to vector<256x256xf32>
    %mul3A_26 = arith.mulf %add3A_20, %mul3A_25 : vector<256x256xf32>
    %erf3A = math.erf %mul3A_26 : vector<256x256xf32>
    %add3A_27 = arith.constant 1.000000e+00 : f32
    %add3A_28 = vector.broadcast %add3A_27 : f32 to vector<256x256xf32>
    %add3A_29 = arith.addf %add3A_28, %erf3A : vector<256x256xf32>
    %mul3A_30 = arith.mulf %mul3A_23, %add3A_29 : vector<256x256xf32>
    %get3A_31 = arith.constant 0 : index
    %get3A_32 = arith.constant 0 : index
    %get3A_33 = vector.load %arg6[%get3A_31, %get3A_32] : memref<256x256xf32, #tpu.memory_space<vmem>>, vector<256x256xf32>
    %dot_general3A_34 = arith.constant dense<0.000000e+00> : vector<256x256xf32>
    %dot_general3A_35 = tpu.matmul %mul3A_30, %get3A_33, %dot_general3A_34 {dimension_numbers = #tpu.dot_dimension_numbers<[1], [0], [0], [1], [0, 0, 1, 1], [], []>, transpose_lhs_hint = false} : vector<256x256xf32>, vector<256x256xf32>, vector<256x256xf32> -> vector<256x256xf32>
    %get3A_36 = arith.constant 0 : index
    %get3A_37 = arith.constant 0 : index
    %get3A_38 = vector.load %arg7[%get3A_36, %get3A_37] : memref<1x256xf32, #tpu.memory_space<vmem>>, vector<1x256xf32>
    %add3A_39 = vector.broadcast %get3A_38 : vector<1x256xf32> to vector<256x256xf32>
    %add3A_40 = arith.addf %dot_general3A_35, %add3A_39 : vector<256x256xf32>
    %swap3A = arith.constant 0 : index
    %swap3A_41 = arith.constant 0 : index
    %swap3A_42 = vector.load %arg8[%swap3A, %swap3A_41] : memref<256x256xf32, #tpu.memory_space<vmem>>, vector<256x256xf32>
    tpu.vector_store %arg8[%swap3A, %swap3A_41], %add3A_40 {strides = array<i32>} : memref<256x256xf32, #tpu.memory_space<vmem>>, vector<256x256xf32>,
    return
  }
  func.func @transform_0(%arg0: i32) -> (i32, i32, i32) {
    %c0_i32 = arith.constant 0 : i32
    %c0_i32_0 = arith.constant 0 : i32
    %c0_i32_1 = arith.constant 0 : i32
    return %c0_i32, %arg0, %c0_i32_0 : i32, i32, i32
  }
  func.func @transform_1(%arg0: i32) -> (i32, i32, i32) {
    %c1_i32 = arith.constant 1 : i32
    %c0_i32 = arith.constant 0 : i32
    %c0_i32_0 = arith.constant 0 : i32
    return %c1_i32, %arg0, %c0_i32 : i32, i32, i32
  }
  func.func @transform_2(%arg0: i32) -> (i32, i32) {
    %c0_i32 = arith.constant 0 : i32
    %c0_i32_0 = arith.constant 0 : i32
    return %arg0, %c0_i32 : i32, i32
  }
  func.func @transform_3(%arg0: i32) -> (i32, i32) {
    %c0_i32 = arith.constant 0 : i32
    %c0_i32_0 = arith.constant 0 : i32
    %c0_i32_1 = arith.constant 0 : i32
    return %c0_i32, %c0_i32_0 : i32, i32
  }
  func.func @transform_4(%arg0: i32) -> (i32, i32) {
    %c0_i32 = arith.constant 0 : i32
    %c0_i32_0 = arith.constant 0 : i32
    %c0_i32_1 = arith.constant 0 : i32
    return %c0_i32, %c0_i32_0 : i32, i32
  }
  func.func @transform_5(%arg0: i32) -> (i32, i32) {
    %c0_i32 = arith.constant 0 : i32
    %c0_i32_0 = arith.constant 0 : i32
    %c0_i32_1 = arith.constant 0 : i32
    return %c0_i32, %c0_i32_0 : i32, i32
  }
  func.func @transform_6(%arg0: i32) -> (i32, i32) {
    %c0_i32 = arith.constant 0 : i32
    %c0_i32_0 = arith.constant 0 : i32
    %c0_i32_1 = arith.constant 0 : i32
    return %c0_i32, %c0_i32_0 : i32, i32
  }
  func.func @transform_7(%arg0: i32) -> (i32, i32) {
    %c0_i32 = arith.constant 0 : i32
    %c0_i32_0 = arith.constant 0 : i32
    return %arg0, %c0_i32 : i32, i32
  }
}

</mosaic_0001>

<sc_bundles>
// kernel: kernel.6.cloned.1.call-start
scs
__scs_entry_jumppad:
0x0: {  	(pc) =	sbr.rel $0x88, $3  }
0x1: {  	(tag) =	ssettag $0x0;
	lr =	simm.s32 $0x1  }
0x2: {  	[smem:$0x3F9B] =	sst lr;
	_ =	strace $0xD0000000  }
0x3: {  	_ = 	snop  }
0x4: {  	_ = 	snop  }
0x5: {  	_ = 	snop  }
0x6: {  	_ = 	snop  }
0x7: {  	_ = 	snop  }
__scs_overlays_trampoline_lowered:
0x8: {  	[smem:$0x3FAA] =	sst s0  }
0x9: {  	[smem:$0x3FAB] =	sst s1  }
0xa: {  	[smem:$0x3FAC] =	sst s2  }
0xb: {  	[smem:$0x3FAD] =	sst s3  }
0xc: {  	[smem:$0x3FAE] =	sst s4  }
0xd: {  	[smem:$0x3FAF] =	sst s5  }
0xe: {  	[smem:$0x3FB0] =	sst s6  }
0xf: {  	[smem:$0x3FB1] =	sst s7  }
0x10: {  	[smem:$0x3FB2] =	sst s8  }
0x11: {  	[smem:$0x3FB3] =	sst s9;
	s0 =	simm.s32 @!p0 $0x0  }
0x12: {  	s1 =	sld [smem:$0x3F99];
	s0 =	simm.s32 @p0 $0x1  }
0x13: {  	[smem:$0x3FB4] =	sst s0;
	s0 =	simm.s32 @!p1 $0x0  }
0x14: {  	s2 =	sld [smem:$0x3F98];
	s0 =	simm.s32 @p1 $0x1  }
0x15: {  	[smem:$0x3FB5] =	sst s0;
	s0 =	simm.s32 @!p2 $0x0  }
0x16: {  	s3 =	sld [smem:$0x3FDB];
	s0 =	simm.s32 @p2 $0x1  }
0x17: {  	s4 =	simm.s32 $0x1BF5;
	[smem:$0x3FB7] =	sst s0  }
0x18: {  	s0 =	sld [smem:$0x3F9A];
	_ =	swait.ge [sflag:s4], $0x0  }
0x19: {  	s7 =	sld [smem:$0x3F9B]  }
0x1a: {  	s8 =	sadd.s32 $0xFFFFE003, lr  }
0x1b: {  	s9 =	sadd.s32 $0xFFFFFEF7, lr;
	s5 =	simm.s32 $0xFFFFFFFF;
	p2 =	slt.u32 s8, $0xFFFFF086  }
0x1c: {  	p1 =	slt.u32 s9, $0xF7A;
	s5 =	simm.s32 @!p2 $0x0  }
0x1d: {  	s5 =	simm.s32 @p1 $0x1;
	p0 =	seq.s32 s7, s2  }
0x1e: {  	s7 =	smul.u32 @!p0 $0xF7A, s2;
	p2 =	seq.s32 @!p0 s5, $0x0  }
0x1f: {  	s9 =	smul.u32 $0xF7A, s1;
	s8 =	simm.s32 @!p0 $0x1BF5;
	p2 =	por !p2, p0  }
0x20: {  	[sflag:s8] =	ssyncset.s32 @!p0 $0xFFFFF086;
	s6 =	sadd.s32 @!p0 s3, s7;
	s7 =	simm.s32 @!p0 $0x108  }
0x21: {  	s3 =	sadd.s32 s3, s9;
	s6 =	sadd.s32 @!p0 $0x88, s6;
	s7 =	simm.s32 @p2 $0x1082  }
0x22: {  	[simem:s7], [sflag:s8] =	dma.local @!p0 [hbm:s6], $0xF7A  }
0x23: {  	s9 =	sor.u32 $0xD0000000, s2;
	s6 =	simm.s32 $0x108;
	_ =	swait.ge @!p0 [sflag:s8], $0x0  }
0x24: {  	s3 =	sadd.s32 $0x88, s3;
	s6 =	simm.s32 @!p1 $0x1082;
	[sflag:s4] =	ssyncset.s32 $0xFFFFF086  }
0x25: {  	[simem:s6], [sflag:s4] =	dma.local [hbm:s3], $0xF7A  }
0x26: {  	[smem:$0x3F9B] =	sst s1;
	(tag) =	ssettag s2;
	_ =	strace s9  }
0x27: {  	s1 =	sld [smem:$0x3FAB]  }
0x28: {  	s2 =	sld [smem:$0x3FAC]  }
0x29: {  	s4 =	sld [smem:$0x3FAE]  }
0x2a: {  	p0 =	seq.s32 s5, $0x0;
	s5 =	sld [smem:$0x3FAF]  }
0x2b: {  	s6 =	sld [smem:$0x3FB0]  }
0x2c: {  	s7 =	sld [smem:$0x3FB1]  }
0x2d: {  	s3 =	simm.s32 $0x108;
	s8 =	sld [smem:$0x3FB2]  }
0x2e: {  	s3 =	simm.s32 @!p0 $0x1082;
	s9 =	sld [smem:$0x3FB3]  }
0x2f: {  	lr =	sadd.s32 s0, s3;
	s0 =	sld [smem:$0x3FAA]  }
0x30: {  	s3 =	sld [smem:$0x3FAD]  }
0x31: {  	[smem:$0x3FB6] =	sst s10  }
0x32: {  	s10 =	sld [smem:$0x3FB4];
	_ =	sdelay $0x3  }
0x33: {  	p0 =	seq.s32 s10, $0x1;
	s10 =	sld [smem:$0x3FB6];
	_ =	sdelay $0x3  }
0x34: {  	[smem:$0x3FB6] =	sst s10  }
0x35: {  	s10 =	sld [smem:$0x3FB5];
	_ =	sdelay $0x3  }
0x36: {  	p1 =	seq.s32 s10, $0x1;
	s10 =	sld [smem:$0x3FB6];
	_ =	sdelay $0x3  }
0x37: {  	[smem:$0x3FB6] =	sst s10  }
0x38: {  	s10 =	sld [smem:$0x3FB7]  }
0x39: {  	_ = 	snop;
	(pc) =	sbr.ind lr, $3  }
0x3a: {  	_ = 	snop  }
0x3b: {  	_ = 	snop  }
0x3c: {  	p2 =	seq.s32 s10, $0x1;
	s10 =	sld [smem:$0x3FB6]  }
0x3d: {  	_ =	shalt  }
0x3e: {  	_ =	shalt  }
0x3f: {  	_ =	shalt  }
0x40: {  	_ =	shalt  }
0x41: {  	_ =	shalt  }
0x42: {  	_ =	shalt  }
0x43: {  	_ =	shalt  }
0x44: {  	_ =	shalt  }
0x45: {  	_ =	shalt  }
0x46: {  	_ =	shalt  }
0x47: {  	_ =	shalt  }
0x48: {  	_ =	shalt  }
0x49: {  	_ =	shalt  }
0x4a: {  	_ =	shalt  }
0x4b: {  	_ =	shalt  }
0x4c: {  	_ =	shalt  }
0x4d: {  	_ =	shalt  }
0x4e: {  	_ =	shalt  }
0x4f: {  	_ =	shalt  }
0x50: {  	_ =	shalt  }
0x51: {  	_ =	shalt  }
0x52: {  	_ =	shalt  }
0x53: {  	_ =	shalt  }
0x54: {  	_ =	shalt  }
0x55: {  	_ =	shalt  }
0x56: {  	_ =	shalt  }
0x57: {  	_ =	shalt  }
0x58: {  	_ =	shalt  }
0x59: {  	_ =	shalt  }
0x5a: {  	_ =	shalt  }
0x5b: {  	_ =	shalt  }
0x5c: {  	_ =	shalt  }
0x5d: {  	_ =	shalt  }
0x5e: {  	_ =	shalt  }
0x5f: {  	_ =	shalt  }
0x60: {  	_ =	shalt  }
0x61: {  	_ =	shalt  }
0x62: {  	_ =	shalt  }
0x63: {  	_ =	shalt  }
0x64: {  	_ =	shalt  }
0x65: {  	_ =	shalt  }
0x66: {  	_ =	shalt  }
0x67: {  	_ =	shalt  }
0x68: {  	_ =	shalt  }
0x69: {  	_ =	shalt  }
0x6a: {  	_ =	shalt  }
0x6b: {  	_ =	shalt  }
0x6c: {  	_ =	shalt  }
0x6d: {  	_ =	shalt  }
0x6e: {  	_ =	shalt  }
0x6f: {  	_ =	shalt  }
0x70: {  	_ =	shalt  }
0x71: {  	_ =	shalt  }
0x72: {  	_ =	shalt  }
0x73: {  	_ =	shalt  }
0x74: {  	_ =	shalt  }
0x75: {  	_ =	shalt  }
0x76: {  	_ =	shalt  }
0x77: {  	_ =	shalt  }
0x78: {  	_ =	shalt  }
0x79: {  	_ =	shalt  }
0x7a: {  	_ =	shalt  }
0x7b: {  	_ =	shalt  }
0x7c: {  	_ =	shalt  }
0x7d: {  	_ =	shalt  }
0x7e: {  	_ =	shalt  }
0x7f: {  	_ =	shalt  }
0x80: {  	_ =	shalt  }
0x81: {  	_ =	shalt  }
0x82: {  	_ =	shalt  }
0x83: {  	_ =	shalt  }
0x84: {  	_ =	shalt  }
0x85: {  	_ =	shalt  }
0x86: {  	_ =	shalt  }
0x87: {  	_ =	shalt  }
.Lfunc_end0:
.L_simem_size_0:
called_computation_lowered:
.L_overlay_start_0:
0x88: {  	s2 =	sld [smem:$0x3FD9]  }
0x89: {  	s3 =	sld [smem:$0x3FFE];
	_ =	sdelay $0x1  }
0x8a: {  	s1 =	srdreg.scid  }
0x8b: {  	s0 =	sand.u32 $0x1, s1  }
0x8c: {  	s17 =	sshll.u32 s0, $0xA;
	s2 =	sadd.s32 s3, s2  }
0x8d: {  	s2 =	sadd.s32 s2, s17  }
0x8e: {  	[smem:$0x3FC2] =	sst s2  }
0x8f: {  	_ = 	snop  }
0x90: {  	s2 =	sld [smem:$0x3FD0];
	(tm) =	ssettm $0x1  }
0x91: {  	s18 =	sld [smem:$0x3FFB];
	_ =	sdelay $0x3  }
0x92: {  	_ =	strace s18  }
0x93: {  	s3 =	sld [smem:$0x3FFC];
	_ =	sdelay $0x3  }
0x94: {  	_ =	strace s3  }
0x95: {  	s3 =	sld [smem:$0x3FFD];
	_ =	sdelay $0x3  }
0x96: {  	_ =	strace s3  }
0x97: {  	_ =	strace $0x8FFFFFFF  }
0x98: {  	s19 =	sld [smem:$0x3FDB];
	_ =	sdelay $0x1  }
0x99: {  	s4 =	simm.s32 $_scs_section_size  }
0x9a: {  	s5 =	simm.s32 $_size__tile_overlayer_lowered;
	s6 =	simm.s32 $_tile_overlayer_lowered  }
0x9b: {  	s22 =	simm.s32 $0x1BFF;
	s21 =	sshll.u32 s6, $0x1;
	s3 =	sadd.s32 s4, s19  }
0x9c: {  	s7 =	simm.s32 $0x0;
	s20 =	sshll.u32 s5, $0x1;
	s5 =	sadd.s32 s21, s3  }
0x9d: {  	[timem:s7], [sflag:s22] =	dma.local [hbm:s5], s20  }
0x9e: {  	_ =	swait.ge [sflag:s22], s20  }
0x9f: {  	s4 =	ssub.s32 $0x0, s20;
	[sflag:s22] =	ssyncset.done $0x0  }
0xa0: {  	[sflag:s22] =	ssyncadd.s32 s4;
	_ =	sdelay $0x1  }
0xa1: {  	s23 =	simm.s32 $0x1B8B  }
0xa2: {  	_ =	swait.ge [sflag:s23], $0x1  }
0xa3: {  	[sflag:s23] =	ssyncset.done $0x0  }
0xa4: {  	s25 =	simm.s32 $0x1B8E;
	s24 =	sld [smem:$0x3FFE];
	[sflag:s23] =	ssyncadd.s32 $0xFFFFFFFF  }
0xa5: {  	s26 =	simm.s32 $execute0_lowered;
	[smem:$0x3FD2] =	sst s25  }
0xa6: {  	s5 =	sshll.u32 s26, $0x1;
	_ =	strace $0x80000046;
	[dreg:$0x1] =	wrdreg $0xFFFFFFFF  }
0xa7: {  	s28 =	simm.s32 $_size_execute0_lowered;
	s3 =	sadd.s32 s3, s5;
	[dreg:$0x0] =	wrdreg $0x0  }
0xa8: {  	s5 =	sshll.u32 s28, $0x1;
	[dreg:$0x2] =	wrdreg s3  }
0xa9: {  	[dreg:$0x3] =	wrdreg s5  }
0xaa: {  	[dreg:$0x4] =	wrdreg $0xC0  }
0xab: {  	_ =	task [dreg:s7], $0x5FFFF  }
0xac: {  	[dreg:$0x1] =	wrdreg $0xFFFFFFFF  }
0xad: {  	[dreg:$0x0] =	wrdreg $0x60  }
0xae: {  	[dreg:$0x2] =	wrdreg s2  }
0xaf: {  	[dreg:$0x3] =	wrdreg s24  }
0xb0: {  	[dreg:$0x4] =	wrdreg $0x81000  }
0xb1: {  	[dreg:$0x5] =	wrdreg $0x9  }
0xb2: {  	_ =	task.clear_ibuf [dreg:s7], $0x6FFFF;
	_ =	strace $0x90000046  }
0xb3: {  	s29 =	simm.s32 $0x9;
	_ =	strace $0x80000048  }
0xb4: {  	_ =	swait.ge [sflag:s29], $0x1  }
0xb5: {  	[sflag:s29] =	ssyncadd.s32 $0xFFFFFFFF  }
0xb6: {  	_ =	strace $0x90000048  }
0xb7: {  	_ =	sfence  }
0xb8: {  	s30 =	sld [smem:$0x0];
	_ =	sdelay $0x2  }
0xb9: {  	s31 =	sshll.u32 s1, $0xD;
	s1 =	sshrl.u32 s1, $0x2  }
0xba: {  	s3 =	sand.u32 $0x4000, s31;
	s1 =	sadd.s32 s1, s30  }
0xbb: {  	s0 =	sor.u32 s3, s0;
	s1 =	sshll.u32 s1, $0x11  }
0xbc: {  	s0 =	sor.u32 s1, s0  }
0xbd: {  	s0 =	sadd.s32 $0x8F2B, s0  }
0xbe: {  	[sflag:s0] =	ssyncadd.remote.s32 $0x1  }
0xbf: {  	_ =	sfence.sel $0xFFFF  }
0xc0: {  	[dreg:$0x0] =	wrdreg $0xFFFFFFFF;
	(pc) =	sbr.abs _section_cstart, $3  }
0xc1: {  	[dreg:$0x1] =	wrdreg $0xFFFFFFFF  }
0xc2: {  	_ =	task.clear_ibuf [dreg:s7], $0x2FFFF;
	_ =	strace $0x9FFFFFFF  }
0xc3: {  	(tm) =	ssettm $0x7FFFFFFF  }
tec
execute0_lowered:
.L_overlay_start_1:
0x0: {  	(tag) =	ssettag $0x1  }
0x1: {  	s17 =	rddreg [dreg:$0x0]  }
0x2: {  	s4 =	rddreg [dreg:$0x1]  }
0x3: {  	s2 =	rddreg [dreg:$0x2]  }
0x4: {  	s0 =	rddreg [dreg:$0x3]  }
0x5: {  	s3 =	simm.s32 $0x0;
	s5 =	srdreg.scid;
	s1 =	stileid.u32  }
0x6: {  	s22 =	simm.s32 $0x100;
	s23 =	simm.s32 $0x2;
	s24 =	simm.s32 $0x3  }
0x7: {  	s25 =	simm.s32 $0x0;
	[smem:$0x7FF] =	sst s3;
	s28 =	smul.u32 $0x50000, s1  }
0x8: {  	s8 =	sand.u32 $0x1, s5;
	s9 =	smul.u32 $0x14000, s1;
	s15 =	sadd.s32 $0xE00, s4  }
0x9: {  	s21 =	sshll.u32 s1, $0x4;
	_ =	strace $0x80000047;
	s6 =	ssub.s32 $0x2, s8  }
0xa: {  	s18 =	smul.u32 $0x140000, s8;
	s20 =	sshll.u32 s8, $0x8;
	s29 =	sshrl.u32 s6, $0x1  }
0xb: {  	s5 =	sshrl.u32 s28, $0x2;
	s10 =	sadd.s32 $0x4000, s9;
	s13 =	sadd.s32 $0x8000, s9  }
0xc: {  	s14 =	sadd.s32 $0xC000, s9;
	s19 =	sadd.s32 $0x10000, s9;
	s11 =	sor.u32 s21, s20  }
0xd: {  	s16 =	ssub.s32 s6, s29;
	s4 =	sadd.s32 s5, s2;
	s5 =	sadd.s32 s10, s2  }
0xe: {  	s6 =	sadd.s32 s13, s2;
	s7 =	sadd.s32 s14, s2;
	s8 =	sadd.s32 s19, s2  }
0xf: {  	s12 =	sadd.s32 s9, s18;
	s9 =	sadd.s32 s17, s11;
	s31 =	sadd.s32 s18, s10  }
0x10: {  	s13 =	sadd.s32 s18, s13;
	s14 =	sadd.s32 s18, s14;
	s18 =	sadd.s32 s18, s19  }
0x11: {  	s17 =	sadd.s32 s20, s17;
	s19 =	simm.s32 $0x4;
	s20 =	simm.s32 $0x1  }
0x12: {  	s30 =	sshrl.u32 s12, $0x3;
	s10 =	sadd.s32 $0x4E00, s9;
	s12 =	sshrl.u32 s31, $0x3  }
0x13: {  	s13 =	sshrl.u32 s13, $0x3;
	s14 =	sshrl.u32 s14, $0x3;
	s18 =	sshrl.u32 s18, $0x3  }
0x14: {  	s16 =	smax.u32 s16, $0x1;
	s17 =	sadd.s32 s21, s17;
	s21 =	simm.s32 $0x80  }
0x15: {  	s11 =	sadd.s32 s15, s30;
	s12 =	sadd.s32 s15, s12;
	s13 =	sadd.s32 s15, s13  }
0x16: {  	v0 =	vimm.f32 $1.000000000e+00;
	v1 =	vimm.f32 $0.0e+00;
	s14 =	sadd.s32 s15, s14;
	s15 =	sadd.s32 s15, s18;
	s18 =	simm.s32 $0x4100  }
.LBB2_1:
0x17: {  	s26 =	simm.s32 $0x0;
	s28 =	simm.s32 $0x0  }
.LBB2_2:
0x18: {  	p0 =	sne.s32 s28, $0xFFC0  }
.Ltmp0:
0x19: {  	_ = 	snop;
	(pc) =	sbr.rel @p0 .LBB2_2-.Ltmp0, $4  }
0x1a: {  	s29 =	sand.u32 $0xFE00, s28  }
0x1b: {  	s30 =	sand.u32 $0x70, s26;
	s29 =	sshrl.u32 s29, $0x2  }
0x1c: {  	s29 =	sor.u32 s30, s29  }
0x1d: {  	s26 =	sadd.s32 $0x10, s26;
	s28 =	sadd.s32 $0x40, s28;
	[tilespmem:s29+$0x100] =	vst v0  }
0x1e: {  	s26 =	simm.s32 $0x0  }
0x1f: {  	s28 =	sand.u32 $0xFE00, s26  }
0x20: {  	s29 =	sand.u32 $0x70, s26;
	s30 =	sshrl.u32 s28, $0x2  }
0x21: {  	s28 =	simm.s32 $0x40;
	s29 =	sor.u32 s29, s30  }
.LBB2_4:
0x22: {  	p0 =	sne.s32 s28, $0xFFC0  }
0x23: {  	[tilespmem:s29+$0x4100] =	vst v1;
	s26 =	sadd.s32 $0x10, s26;
	s29 =	smov.u32 s28;
	s28 =	sadd.s32 $0x40, s28  }
.Ltmp1:
0x24: {  	(pc) =	sbr.rel @p0 .LBB2_4-.Ltmp1, $4  }
0x25: {  	_ = 	snop  }
0x26: {  	s29 =	sand.u32 $0xFE00, s29  }
0x27: {  	s30 =	sand.u32 $0x70, s26;
	s29 =	sshrl.u32 s29, $0x2  }
0x28: {  	s29 =	sor.u32 s30, s29  }
0x29: {  	[tilespmem:s29+$0x4100] =	vst v1  }
0x2a: {  	[spmem:s4] =	stream.linear.scatter [tilespmem:s18], [sflag:$0x4], $0x4000, $0x38;
	[tilespmem:$0x1C100] =	vst v63  }
0x2b: {  	_ =	swait.ge [sflag:s19], $0x4000  }
0x2c: {  	[sflag:s19] =	ssyncset.done $0x0  }
0x2d: {  	[sflag:s19] =	ssyncadd.s32 $0xFFFFC000  }
0x2e: {  	[spmem:s5] =	stream.linear.scatter [tilespmem:s18], [sflag:$0x4], $0x4000, $0x38;
	[tilespmem:$0x1C100] =	vst v63  }
0x2f: {  	_ =	swait.ge [sflag:s19], $0x4000  }
0x30: {  	[sflag:s19] =	ssyncset.done $0x0  }
0x31: {  	[sflag:s19] =	ssyncadd.s32 $0xFFFFC000  }
0x32: {  	[spmem:s6] =	stream.linear.scatter [tilespmem:s18], [sflag:$0x4], $0x4000, $0x38;
	[tilespmem:$0x1C100] =	vst v63  }
0x33: {  	_ =	swait.ge [sflag:s19], $0x4000  }
0x34: {  	[sflag:s19] =	ssyncset.done $0x0  }
0x35: {  	[sflag:s19] =	ssyncadd.s32 $0xFFFFC000  }
0x36: {  	[spmem:s7] =	stream.linear.scatter [tilespmem:s18], [sflag:$0x4], $0x4000, $0x38;
	[tilespmem:$0x1C100] =	vst v63  }
0x37: {  	_ =	swait.ge [sflag:s19], $0x4000  }
0x38: {  	[sflag:s19] =	ssyncset.done $0x0  }
0x39: {  	[sflag:s19] =	ssyncadd.s32 $0xFFFFC000  }
0x3a: {  	[spmem:s8] =	stream.linear.scatter [tilespmem:s18], [sflag:$0x4], $0x4000, $0x38;
	[tilespmem:$0x1C100] =	vst v63  }
0x3b: {  	_ =	swait.ge [sflag:s19], $0x4000  }
0x3c: {  	[sflag:s19] =	ssyncset.done $0x0  }
0x3d: {  	[sflag:s19] =	ssyncadd.s32 $0xFFFFC000  }
0x3e: {  	[bflag:$0x0] =	sbarrier.arrive $0xFFFF  }
0x3f: {  	[tilespmem:s3], [sflag:$0x1] =	stream.linear.gather [hbm4b:s9+s3], $0x80, $0x38;
	[tilespmem:$0x1C100] =	vst v63  }
0x40: {  	_ =	swait.ge [sflag:s20], $0x80  }
0x41: {  	[sflag:s20] =	ssyncset.done $0x0  }
0x42: {  	s26 =	sadd.s32 $0xFFFFB400, s17;
	[sflag:s20] =	ssyncadd.s32 $0xFFFFFF80  }
0x43: {  	[spmem:s2] =	stream.indirect.scatter.add.f32 [tilespmem:s22], [sflag:$0x2], $0x80, s3, s21, $0xb8;
	[tilespmem:$0x1C100] =	vst v63  }
0x44: {  	s28 =	sadd.s32 $0x4E00, s26  }
0x45: {  	[tilespmem:s21], [sflag:$0x1] =	stream.linear.gather [hbm4b:s28+s3], $0x80, $0x38;
	[tilespmem:$0x1C100] =	vst v63  }
0x46: {  	_ =	swait.ge [sflag:s20], $0x80  }
0x47: {  	[sflag:s20] =	ssyncset.done $0x0  }
0x48: {  	[sflag:s20] =	ssyncadd.s32 $0xFFFFFF80  }
0x49: {  	[spmem:s2] =	stream.indirect.scatter.add.f32 [tilespmem:s22], [sflag:$0x3], $0x80, s21, s21, $0xb8;
	[tilespmem:$0x1C100] =	vst v63  }
0x4a: {  	_ =	swait.ge [sflag:s23], $0x4000  }
0x4b: {  	[sflag:s23] =	ssyncset.done $0x0  }
0x4c: {  	s26 =	sadd.s32 $0x5000, s26;
	[sflag:s23] =	ssyncadd.s32 $0xFFFFC000  }
0x4d: {  	[tilespmem:s3], [sflag:$0x1] =	stream.linear.gather [hbm4b:s26+s3], $0x80, $0x38;
	[tilespmem:$0x1C100] =	vst v63  }
0x4e: {  	_ =	swait.ge [sflag:s20], $0x80  }
0x4f: {  	[sflag:s20] =	ssyncset.done $0x0  }
0x50: {  	[sflag:s20] =	ssyncadd.s32 $0xFFFFFF80  }
0x51: {  	[spmem:s2] =	stream.indirect.scatter.add.f32 [tilespmem:s22], [sflag:$0x2], $0x80, s3, s21, $0xb8;
	[tilespmem:$0x1C100] =	vst v63  }
0x52: {  	_ =	swait.ge [sflag:s24], $0x4000  }
0x53: {  	s28 =	simm.s32 $0xFFFFBC00;
	s26 =	sadd.s32 $0xFFFFB800, s17;
	[sflag:s24] =	ssyncset.done $0x0  }
.LBB2_6:
0x54: {  	s29 =	sadd.s32 $0x4E00, s26  }
0x55: {  	[sflag:s24] =	ssyncadd.s32 $0xFFFFC000;
	s30 =	smov.u32 s28;
	s31 =	sadd.s32 $0x400, s28  }
0x56: {  	[tilespmem:s21], [sflag:$0x1] =	stream.linear.gather [hbm4b:s29+s3], $0x80, $0x38;
	[tilespmem:$0x1C100] =	vst v63  }
0x57: {  	p0 =	sne.s32 s28, $0xFFFFFC00;
	_ =	swait.ge [sflag:s20], $0x80  }
0x58: {  	[sflag:s20] =	ssyncset.done $0x0  }
0x59: {  	[sflag:s20] =	ssyncadd.s32 $0xFFFFFF80  }
0x5a: {  	[spmem:s2] =	stream.indirect.scatter.add.f32 [tilespmem:s22], [sflag:$0x3], $0x80, s21, s21, $0xb8;
	[tilespmem:$0x1C100] =	vst v63  }
0x5b: {  	_ =	swait.ge [sflag:s23], $0x4000  }
0x5c: {  	[sflag:s23] =	ssyncset.done $0x0  }
0x5d: {  	s26 =	sadd.s32 $0x5000, s26;
	[sflag:s23] =	ssyncadd.s32 $0xFFFFC000  }
0x5e: {  	[tilespmem:s3], [sflag:$0x1] =	stream.linear.gather [hbm4b:s26+s3], $0x80, $0x38;
	[tilespmem:$0x1C100] =	vst v63  }
0x5f: {  	_ =	swait.ge [sflag:s20], $0x80  }
.Ltmp2:
0x60: {  	[sflag:s20] =	ssyncset.done $0x0;
	(pc) =	sbr.rel @p0 .LBB2_6-.Ltmp2, $4  }
0x61: {  	[sflag:s20] =	ssyncadd.s32 $0xFFFFFF80  }
0x62: {  	[spmem:s2] =	stream.indirect.scatter.add.f32 [tilespmem:s22], [sflag:$0x2], $0x80, s3, s21, $0xb8;
	[tilespmem:$0x1C100] =	vst v63  }
0x63: {  	_ =	swait.ge [sflag:s24], $0x4000  }
0x64: {  	s28 =	smov.u32 s31;
	s26 =	sadd.s32 s30, s17;
	[sflag:s24] =	ssyncset.done $0x0  }
0x65: {  	s28 =	sadd.s32 $0x4E00, s26;
	[sflag:s24] =	ssyncadd.s32 $0xFFFFC000  }
0x66: {  	[tilespmem:s21], [sflag:$0x1] =	stream.linear.gather [hbm4b:s28+s3], $0x80, $0x38;
	[tilespmem:$0x1C100] =	vst v63  }
0x67: {  	_ =	swait.ge [sflag:s20], $0x80  }
0x68: {  	[sflag:s20] =	ssyncset.done $0x0  }
0x69: {  	[sflag:s20] =	ssyncadd.s32 $0xFFFFFF80  }
0x6a: {  	[spmem:s2] =	stream.indirect.scatter.add.f32 [tilespmem:s22], [sflag:$0x3], $0x80, s21, s21, $0xb8;
	[tilespmem:$0x1C100] =	vst v63  }
0x6b: {  	_ =	swait.ge [sflag:s23], $0x4000  }
0x6c: {  	[sflag:s23] =	ssyncset.done $0x0  }
0x6d: {  	s31 =	sadd.s32 $0x5000, s26;
	[sflag:s23] =	ssyncadd.s32 $0xFFFFC000  }
0x6e: {  	[tilespmem:s3], [sflag:$0x1] =	stream.linear.gather [hbm4b:s31+s3], $0x80, $0x38;
	[tilespmem:$0x1C100] =	vst v63  }
0x6f: {  	_ =	swait.ge [sflag:s20], $0x80  }
0x70: {  	[sflag:s20] =	ssyncset.done $0x0  }
0x71: {  	[sflag:s20] =	ssyncadd.s32 $0xFFFFFF80  }
0x72: {  	[spmem:s2] =	stream.indirect.scatter.add.f32 [tilespmem:s22], [sflag:$0x2], $0x80, s3, s21, $0xb8;
	[tilespmem:$0x1C100] =	vst v63  }
0x73: {  	_ =	swait.ge [sflag:s24], $0x4000  }
0x74: {  	[sflag:s24] =	ssyncset.done $0x0  }
0x75: {  	[sflag:s24] =	ssyncadd.s32 $0xFFFFC000  }
0x76: {  	[tilespmem:s21], [sflag:$0x1] =	stream.linear.gather [hbm4b:s10+s3], $0x80, $0x38;
	[tilespmem:$0x1C100] =	vst v63  }
0x77: {  	_ =	swait.ge [sflag:s20], $0x80  }
0x78: {  	[sflag:s20] =	ssyncset.done $0x0  }
0x79: {  	[sflag:s20] =	ssyncadd.s32 $0xFFFFFF80  }
0x7a: {  	[spmem:s2] =	stream.indirect.scatter.add.f32 [tilespmem:s22], [sflag:$0x3], $0x80, s21, s21, $0xb8;
	[tilespmem:$0x1C100] =	vst v63  }
0x7b: {  	_ =	swait.ge [sflag:s23], $0x4000  }
0x7c: {  	[sflag:s23] =	ssyncset.done $0x0  }
0x7d: {  	[sflag:s23] =	ssyncadd.s32 $0xFFFFC000  }
0x7e: {  	_ =	swait.ge [sflag:s24], $0x4000  }
0x7f: {  	[sflag:s24] =	ssyncset.done $0x0  }
0x80: {  	[sflag:s24] =	ssyncadd.s32 $0xFFFFC000  }
0x81: {  	[bflag:$0x0] =	sbarrier.arrive $0xFFFF  }
0x82: {  	[tilespmem:s18], [sflag:$0x4] =	stream.linear.gather [spmem:s4], $0x4000, $0x38;
	[tilespmem:$0x1C100] =	vst v63  }
0x83: {  	_ =	swait.ge [sflag:s19], $0x4000  }
0x84: {  	[sflag:s19] =	ssyncset.done $0x0  }
0x85: {  	[sflag:s19] =	ssyncadd.s32 $0xFFFFC000  }
0x86: {  	[hbm4b:s11+s3] =	stream.linear.scatter [tilespmem:s18], [sflag:$0x4], $0x4000, $0x38;
	[tilespmem:$0x1C100] =	vst v63  }
0x87: {  	_ =	swait.ge [sflag:s19], $0x4000  }
0x88: {  	[sflag:s19] =	ssyncset.done $0x0  }
0x89: {  	[sflag:s19] =	ssyncadd.s32 $0xFFFFC000  }
0x8a: {  	[tilespmem:s18], [sflag:$0x4] =	stream.linear.gather [spmem:s5], $0x4000, $0x38;
	[tilespmem:$0x1C100] =	vst v63  }
0x8b: {  	_ =	swait.ge [sflag:s19], $0x4000  }
0x8c: {  	[sflag:s19] =	ssyncset.done $0x0  }
0x8d: {  	[sflag:s19] =	ssyncadd.s32 $0xFFFFC000  }
0x8e: {  	[hbm4b:s12+s3] =	stream.linear.scatter [tilespmem:s18], [sflag:$0x4], $0x4000, $0x38;
	[tilespmem:$0x1C100] =	vst v63  }
0x8f: {  	_ =	swait.ge [sflag:s19], $0x4000  }
0x90: {  	[sflag:s19] =	ssyncset.done $0x0  }
0x91: {  	[sflag:s19] =	ssyncadd.s32 $0xFFFFC000  }
0x92: {  	[tilespmem:s18], [sflag:$0x4] =	stream.linear.gather [spmem:s6], $0x4000, $0x38;
	[tilespmem:$0x1C100] =	vst v63  }
0x93: {  	_ =	swait.ge [sflag:s19], $0x4000  }
0x94: {  	[sflag:s19] =	ssyncset.done $0x0  }
0x95: {  	[sflag:s19] =	ssyncadd.s32 $0xFFFFC000  }
0x96: {  	[hbm4b:s13+s3] =	stream.linear.scatter [tilespmem:s18], [sflag:$0x4], $0x4000, $0x38;
	[tilespmem:$0x1C100] =	vst v63  }
0x97: {  	_ =	swait.ge [sflag:s19], $0x4000  }
0x98: {  	[sflag:s19] =	ssyncset.done $0x0  }
0x99: {  	[sflag:s19] =	ssyncadd.s32 $0xFFFFC000  }
0x9a: {  	[tilespmem:s18], [sflag:$0x4] =	stream.linear.gather [spmem:s7], $0x4000, $0x38;
	[tilespmem:$0x1C100] =	vst v63  }
0x9b: {  	_ =	swait.ge [sflag:s19], $0x4000  }
0x9c: {  	[sflag:s19] =	ssyncset.done $0x0  }
0x9d: {  	[sflag:s19] =	ssyncadd.s32 $0xFFFFC000  }
0x9e: {  	[hbm4b:s14+s3] =	stream.linear.scatter [tilespmem:s18], [sflag:$0x4], $0x4000, $0x38;
	[tilespmem:$0x1C100] =	vst v63  }
0x9f: {  	_ =	swait.ge [sflag:s19], $0x4000  }
0xa0: {  	[sflag:s19] =	ssyncset.done $0x0  }
0xa1: {  	[sflag:s19] =	ssyncadd.s32 $0xFFFFC000  }
0xa2: {  	[tilespmem:s18], [sflag:$0x4] =	stream.linear.gather [spmem:s8], $0x4000, $0x38;
	[tilespmem:$0x1C100] =	vst v63  }
0xa3: {  	s25 =	sadd.s32 $0x1, s25;
	_ =	swait.ge [sflag:s19], $0x4000  }
0xa4: {  	p0 =	sne.s32 s25, s16;
	[sflag:s19] =	ssyncset.done $0x0  }
.Ltmp3:
0xa5: {  	[sflag:s19] =	ssyncadd.s32 $0xFFFFC000;
	(pc) =	sbr.rel @p0 .LBB2_1-.Ltmp3, $4  }
0xa6: {  	[hbm4b:s15+s3] =	stream.linear.scatter [tilespmem:s18], [sflag:$0x4], $0x4000, $0x38;
	[tilespmem:$0x1C100] =	vst v63  }
0xa7: {  	_ =	swait.ge [sflag:s19], $0x4000  }
0xa8: {  	[sflag:s19] =	ssyncset.done $0x0  }
0xa9: {  	[sflag:s19] =	ssyncadd.s32 $0xFFFFC000  }
0xaa: {  	_ =	sfence.sel $0x180000  }
0xab: {  	[bflag:$0x0] =	sbarrier.arrive $0xFFFF  }
0xac: {  	p0 =	sne.s32 s1, $0x0;
	_ =	strace $0x90000047  }
0xad: {  	s0 =	sadd.s32 @!p0 $0x100000, s0;
	[bflag:$0x2] =	sbarrier.arrive $0xFFFF  }
0xae: {  	[sflag:s0] =	ssyncadd.tile.s32 @!p0 $0x1;
	_ =	shalt  }
.Lfunc_end2:
_tile_overlayer_lowered:
.L_overlay_start_2:
0xaf: {  	(tag) =	ssettag $0x2  }
0xb0: {  	s0 =	rddreg [dreg:$0x0];
	s2 =	stileid.u32  }
0xb1: {  	s1 =	rddreg [dreg:$0x1];
	p0 =	sne.s32 s2, $0x0  }
0xb2: {  	s3 =	rddreg [dreg:$0x2];
	[bflag:$0x3] =	sbarrier.arrive $0xFFFF;
	s2 =	simm.s32 @!p0 $0x1C04  }
0xb3: {  	[timem:s3], [sflag:s2] =	dma.local @!p0 [hbm:s0], s1  }
0xb4: {  	s0 =	simm.s32 @!p0 $0x4  }
0xb5: {  	_ =	swait.ge @!p0 [sflag:s0], s1  }
0xb6: {  	s1 =	ssub.s32 @!p0 $0x0, s1;
	[sflag:s0] =	ssyncset.done @!p0 $0x0  }
0xb7: {  	[sflag:s0] =	ssyncadd.s32 @!p0 s1  }
0xb8: {  	[bflag:$0x3] =	sbarrier.arrive $0xFFFF  }
0xb9: {  	_ =	shalt  }

// kernel: kernel.9.cloned.1.call-start
scs
__scs_entry_jumppad:
0x0: {  	(pc) =	sbr.rel $0x88, $3  }
0x1: {  	(tag) =	ssettag $0x0;
	lr =	simm.s32 $0x1  }
0x2: {  	[smem:$0x3F9B] =	sst lr;
	_ =	strace $0xD0000000  }
0x3: {  	_ = 	snop  }
0x4: {  	_ = 	snop  }
0x5: {  	_ = 	snop  }
0x6: {  	_ = 	snop  }
0x7: {  	_ = 	snop  }
__scs_overlays_trampoline_lowered:
0x8: {  	[smem:$0x3FAA] =	sst s0  }
0x9: {  	[smem:$0x3FAB] =	sst s1  }
0xa: {  	[smem:$0x3FAC] =	sst s2  }
0xb: {  	[smem:$0x3FAD] =	sst s3  }
0xc: {  	[smem:$0x3FAE] =	sst s4  }
0xd: {  	[smem:$0x3FAF] =	sst s5  }
0xe: {  	[smem:$0x3FB0] =	sst s6  }
0xf: {  	[smem:$0x3FB1] =	sst s7  }
0x10: {  	[smem:$0x3FB2] =	sst s8  }
0x11: {  	[smem:$0x3FB3] =	sst s9;
	s0 =	simm.s32 @!p0 $0x0  }
0x12: {  	s1 =	sld [smem:$0x3F99];
	s0 =	simm.s32 @p0 $0x1  }
0x13: {  	[smem:$0x3FB4] =	sst s0;
	s0 =	simm.s32 @!p1 $0x0  }
0x14: {  	s2 =	sld [smem:$0x3F98];
	s0 =	simm.s32 @p1 $0x1  }
0x15: {  	[smem:$0x3FB5] =	sst s0;
	s0 =	simm.s32 @!p2 $0x0  }
0x16: {  	s3 =	sld [smem:$0x3FDB];
	s0 =	simm.s32 @p2 $0x1  }
0x17: {  	s4 =	simm.s32 $0x1BF5;
	[smem:$0x3FB7] =	sst s0  }
0x18: {  	s0 =	sld [smem:$0x3F9A];
	_ =	swait.ge [sflag:s4], $0x0  }
0x19: {  	s7 =	sld [smem:$0x3F9B]  }
0x1a: {  	s8 =	sadd.s32 $0xFFFFE003, lr  }
0x1b: {  	s9 =	sadd.s32 $0xFFFFFEF7, lr;
	s5 =	simm.s32 $0xFFFFFFFF;
	p2 =	slt.u32 s8, $0xFFFFF086  }
0x1c: {  	p1 =	slt.u32 s9, $0xF7A;
	s5 =	simm.s32 @!p2 $0x0  }
0x1d: {  	s5 =	simm.s32 @p1 $0x1;
	p0 =	seq.s32 s7, s2  }
0x1e: {  	s7 =	smul.u32 @!p0 $0xF7A, s2;
	p2 =	seq.s32 @!p0 s5, $0x0  }
0x1f: {  	s9 =	smul.u32 $0xF7A, s1;
	s8 =	simm.s32 @!p0 $0x1BF5;
	p2 =	por !p2, p0  }
0x20: {  	[sflag:s8] =	ssyncset.s32 @!p0 $0xFFFFF086;
	s6 =	sadd.s32 @!p0 s3, s7;
	s7 =	simm.s32 @!p0 $0x108  }
0x21: {  	s3 =	sadd.s32 s3, s9;
	s6 =	sadd.s32 @!p0 $0x88, s6;
	s7 =	simm.s32 @p2 $0x1082  }
0x22: {  	[simem:s7], [sflag:s8] =	dma.local @!p0 [hbm:s6], $0xF7A  }
0x23: {  	s9 =	sor.u32 $0xD0000000, s2;
	s6 =	simm.s32 $0x108;
	_ =	swait.ge @!p0 [sflag:s8], $0x0  }
0x24: {  	s3 =	sadd.s32 $0x88, s3;
	s6 =	simm.s32 @!p1 $0x1082;
	[sflag:s4] =	ssyncset.s32 $0xFFFFF086  }
0x25: {  	[simem:s6], [sflag:s4] =	dma.local [hbm:s3], $0xF7A  }
0x26: {  	[smem:$0x3F9B] =	sst s1;
	(tag) =	ssettag s2;
	_ =	strace s9  }
0x27: {  	s1 =	sld [smem:$0x3FAB]  }
0x28: {  	s2 =	sld [smem:$0x3FAC]  }
0x29: {  	s4 =	sld [smem:$0x3FAE]  }
0x2a: {  	p0 =	seq.s32 s5, $0x0;
	s5 =	sld [smem:$0x3FAF]  }
0x2b: {  	s6 =	sld [smem:$0x3FB0]  }
0x2c: {  	s7 =	sld [smem:$0x3FB1]  }
0x2d: {  	s3 =	simm.s32 $0x108;
	s8 =	sld [smem:$0x3FB2]  }
0x2e: {  	s3 =	simm.s32 @!p0 $0x1082;
	s9 =	sld [smem:$0x3FB3]  }
0x2f: {  	lr =	sadd.s32 s0, s3;
	s0 =	sld [smem:$0x3FAA]  }
0x30: {  	s3 =	sld [smem:$0x3FAD]  }
0x31: {  	[smem:$0x3FB6] =	sst s10  }
0x32: {  	s10 =	sld [smem:$0x3FB4];
	_ =	sdelay $0x3  }
0x33: {  	p0 =	seq.s32 s10, $0x1;
	s10 =	sld [smem:$0x3FB6];
	_ =	sdelay $0x3  }
0x34: {  	[smem:$0x3FB6] =	sst s10  }
0x35: {  	s10 =	sld [smem:$0x3FB5];
	_ =	sdelay $0x3  }
0x36: {  	p1 =	seq.s32 s10, $0x1;
	s10 =	sld [smem:$0x3FB6];
	_ =	sdelay $0x3  }
0x37: {  	[smem:$0x3FB6] =	sst s10  }
0x38: {  	s10 =	sld [smem:$0x3FB7]  }
0x39: {  	_ = 	snop;
	(pc) =	sbr.ind lr, $3  }
0x3a: {  	_ = 	snop  }
0x3b: {  	_ = 	snop  }
0x3c: {  	p2 =	seq.s32 s10, $0x1;
	s10 =	sld [smem:$0x3FB6]  }
0x3d: {  	_ =	shalt  }
0x3e: {  	_ =	shalt  }
0x3f: {  	_ =	shalt  }
0x40: {  	_ =	shalt  }
0x41: {  	_ =	shalt  }
0x42: {  	_ =	shalt  }
0x43: {  	_ =	shalt  }
0x44: {  	_ =	shalt  }
0x45: {  	_ =	shalt  }
0x46: {  	_ =	shalt  }
0x47: {  	_ =	shalt  }
0x48: {  	_ =	shalt  }
0x49: {  	_ =	shalt  }
0x4a: {  	_ =	shalt  }
0x4b: {  	_ =	shalt  }
0x4c: {  	_ =	shalt  }
0x4d: {  	_ =	shalt  }
0x4e: {  	_ =	shalt  }
0x4f: {  	_ =	shalt  }
0x50: {  	_ =	shalt  }
0x51: {  	_ =	shalt  }
0x52: {  	_ =	shalt  }
0x53: {  	_ =	shalt  }
0x54: {  	_ =	shalt  }
0x55: {  	_ =	shalt  }
0x56: {  	_ =	shalt  }
0x57: {  	_ =	shalt  }
0x58: {  	_ =	shalt  }
0x59: {  	_ =	shalt  }
0x5a: {  	_ =	shalt  }
0x5b: {  	_ =	shalt  }
0x5c: {  	_ =	shalt  }
0x5d: {  	_ =	shalt  }
0x5e: {  	_ =	shalt  }
0x5f: {  	_ =	shalt  }
0x60: {  	_ =	shalt  }
0x61: {  	_ =	shalt  }
0x62: {  	_ =	shalt  }
0x63: {  	_ =	shalt  }
0x64: {  	_ =	shalt  }
0x65: {  	_ =	shalt  }
0x66: {  	_ =	shalt  }
0x67: {  	_ =	shalt  }
0x68: {  	_ =	shalt  }
0x69: {  	_ =	shalt  }
0x6a: {  	_ =	shalt  }
0x6b: {  	_ =	shalt  }
0x6c: {  	_ =	shalt  }
0x6d: {  	_ =	shalt  }
0x6e: {  	_ =	shalt  }
0x6f: {  	_ =	shalt  }
0x70: {  	_ =	shalt  }
0x71: {  	_ =	shalt  }
0x72: {  	_ =	shalt  }
0x73: {  	_ =	shalt  }
0x74: {  	_ =	shalt  }
0x75: {  	_ =	shalt  }
0x76: {  	_ =	shalt  }
0x77: {  	_ =	shalt  }
0x78: {  	_ =	shalt  }
0x79: {  	_ =	shalt  }
0x7a: {  	_ =	shalt  }
0x7b: {  	_ =	shalt  }
0x7c: {  	_ =	shalt  }
0x7d: {  	_ =	shalt  }
0x7e: {  	_ =	shalt  }
0x7f: {  	_ =	shalt  }
0x80: {  	_ =	shalt  }
0x81: {  	_ =	shalt  }
0x82: {  	_ =	shalt  }
0x83: {  	_ =	shalt  }
0x84: {  	_ =	shalt  }
0x85: {  	_ =	shalt  }
0x86: {  	_ =	shalt  }
0x87: {  	_ =	shalt  }
.Lfunc_end0:
.L_simem_size_0:
called_computation.1_lowered:
.L_overlay_start_0:
0x88: {  	s2 =	sld [smem:$0x3FD9]  }
0x89: {  	s3 =	sld [smem:$0x3FFE];
	_ =	sdelay $0x1  }
0x8a: {  	s1 =	srdreg.scid  }
0x8b: {  	s0 =	sand.u32 $0x1, s1  }
0x8c: {  	s17 =	sshll.u32 s0, $0xA;
	s2 =	sadd.s32 s3, s2  }
0x8d: {  	s2 =	sadd.s32 s2, s17  }
0x8e: {  	[smem:$0x3FC2] =	sst s2  }
0x8f: {  	_ = 	snop  }
0x90: {  	s2 =	sld [smem:$0x3FD0];
	(tm) =	ssettm $0x1  }
0x91: {  	s18 =	sld [smem:$0x3FFB];
	_ =	sdelay $0x3  }
0x92: {  	_ =	strace s18  }
0x93: {  	s3 =	sld [smem:$0x3FFC];
	_ =	sdelay $0x3  }
0x94: {  	_ =	strace s3  }
0x95: {  	s3 =	sld [smem:$0x3FFD];
	_ =	sdelay $0x3  }
0x96: {  	_ =	strace s3  }
0x97: {  	_ =	strace $0x8FFFFFFF  }
0x98: {  	s19 =	sld [smem:$0x3FDB];
	_ =	sdelay $0x1  }
0x99: {  	s4 =	simm.s32 $_scs_section_size  }
0x9a: {  	s5 =	simm.s32 $_size__tile_overlayer_lowered;
	s6 =	simm.s32 $_tile_overlayer_lowered  }
0x9b: {  	s22 =	simm.s32 $0x1BFF;
	s21 =	sshll.u32 s6, $0x1;
	s3 =	sadd.s32 s4, s19  }
0x9c: {  	s7 =	simm.s32 $0x0;
	s20 =	sshll.u32 s5, $0x1;
	s5 =	sadd.s32 s21, s3  }
0x9d: {  	[timem:s7], [sflag:s22] =	dma.local [hbm:s5], s20  }
0x9e: {  	_ =	swait.ge [sflag:s22], s20  }
0x9f: {  	s4 =	ssub.s32 $0x0, s20;
	[sflag:s22] =	ssyncset.done $0x0  }
0xa0: {  	[sflag:s22] =	ssyncadd.s32 s4;
	_ =	sdelay $0x1  }
0xa1: {  	s23 =	simm.s32 $0x1B8B  }
0xa2: {  	_ =	swait.ge [sflag:s23], $0x1  }
0xa3: {  	[sflag:s23] =	ssyncset.done $0x0  }
0xa4: {  	s25 =	simm.s32 $0x1B8E;
	s24 =	sld [smem:$0x3FFE];
	[sflag:s23] =	ssyncadd.s32 $0xFFFFFFFF  }
0xa5: {  	s26 =	simm.s32 $execute0_lowered;
	[smem:$0x3FD2] =	sst s25  }
0xa6: {  	s5 =	sshll.u32 s26, $0x1;
	_ =	strace $0x80000049;
	[dreg:$0x1] =	wrdreg $0xFFFFFFFF  }
0xa7: {  	s28 =	simm.s32 $_size_execute0_lowered;
	s3 =	sadd.s32 s3, s5;
	[dreg:$0x0] =	wrdreg $0x0  }
0xa8: {  	s5 =	sshll.u32 s28, $0x1;
	[dreg:$0x2] =	wrdreg s3  }
0xa9: {  	[dreg:$0x3] =	wrdreg s5  }
0xaa: {  	[dreg:$0x4] =	wrdreg $0xC0  }
0xab: {  	_ =	task [dreg:s7], $0x5FFFF  }
0xac: {  	[dreg:$0x1] =	wrdreg $0xFFFFFFFF  }
0xad: {  	[dreg:$0x0] =	wrdreg $0x60  }
0xae: {  	[dreg:$0x2] =	wrdreg s24  }
0xaf: {  	[dreg:$0x3] =	wrdreg s2  }
0xb0: {  	[dreg:$0x4] =	wrdreg $0x82000  }
0xb1: {  	[dreg:$0x5] =	wrdreg $0x9  }
0xb2: {  	_ =	task.clear_ibuf [dreg:s7], $0x6FFFF;
	_ =	strace $0x90000049  }
0xb3: {  	s29 =	simm.s32 $0x9;
	_ =	strace $0x8000004B  }
0xb4: {  	_ =	swait.ge [sflag:s29], $0x1  }
0xb5: {  	[sflag:s29] =	ssyncadd.s32 $0xFFFFFFFF  }
0xb6: {  	_ =	strace $0x9000004B  }
0xb7: {  	_ =	sfence  }
0xb8: {  	s30 =	sld [smem:$0x0];
	_ =	sdelay $0x2  }
0xb9: {  	s31 =	sshll.u32 s1, $0xD;
	s1 =	sshrl.u32 s1, $0x2  }
0xba: {  	s3 =	sand.u32 $0x4000, s31;
	s1 =	sadd.s32 s1, s30  }
0xbb: {  	s0 =	sor.u32 s3, s0;
	s1 =	sshll.u32 s1, $0x11  }
0xbc: {  	s0 =	sor.u32 s1, s0  }
0xbd: {  	s0 =	sadd.s32 $0x8F2B, s0  }
0xbe: {  	[sflag:s0] =	ssyncadd.remote.s32 $0x1  }
0xbf: {  	_ =	sfence.sel $0xFFFF  }
0xc0: {  	[dreg:$0x0] =	wrdreg $0xFFFFFFFF;
	(pc) =	sbr.abs _section_cstart, $3  }
0xc1: {  	[dreg:$0x1] =	wrdreg $0xFFFFFFFF  }
0xc2: {  	_ =	task.clear_ibuf [dreg:s7], $0x2FFFF;
	_ =	strace $0x9FFFFFFF  }
0xc3: {  	(tm) =	ssettm $0x7FFFFFFF  }
tec
execute0_lowered:
.L_overlay_start_1:
0x0: {  	(tag) =	ssettag $0x1  }
0x1: {  	s0 =	rddreg [dreg:$0x0]  }
0x2: {  	s2 =	rddreg [dreg:$0x1]  }
0x3: {  	s1 =	rddreg [dreg:$0x2];
	s3 =	simm.s32 $0x0  }
0x4: {  	s4 =	srdreg.scid;
	s8 =	stileid.u32;
	s28 =	simm.s32 $0x1  }
0x5: {  	s29 =	simm.s32 $0x80;
	s30 =	simm.s32 $0xC0;
	s31 =	simm.s32 $0x4  }
0x6: {  	[smem:$0x7FF] =	sst s3;
	s7 =	sand.u32 $0x1, s4;
	s6 =	smul.u32 $0x50000, s8  }
0x7: {  	s26 =	sshll.u32 s8, $0x5;
	s12 =	smul.u32 $0x14000, s8;
	_ =	strace $0x8000004A  }
0x8: {  	s5 =	ssub.s32 $0x2, s7;
	s11 =	sadd.s32 s26, s0;
	s0 =	sadd.s32 $0xE00, s0  }
0x9: {  	s18 =	smul.u32 $0x140000, s7;
	s9 =	sshrl.u32 s5, $0x1;
	s10 =	sshrl.u32 s6, $0x2  }
0xa: {  	s14 =	sadd.s32 $0x4000, s12;
	s15 =	sadd.s32 $0x8000, s12;
	s16 =	sadd.s32 $0xC000, s12  }
0xb: {  	s17 =	sadd.s32 $0x10000, s12;
	s13 =	ssub.s32 s5, s9;
	s4 =	sadd.s32 s10, s1  }
0xc: {  	s5 =	sadd.s32 s14, s1;
	s6 =	sadd.s32 s15, s1;
	s10 =	smul.u32 $0x27100, s7  }
0xd: {  	s7 =	sadd.s32 s16, s1;
	s8 =	sadd.s32 s17, s1;
	s9 =	sadd.s32 $0x50E00, s11  }
0xe: {  	s12 =	sadd.s32 s12, s18;
	s14 =	sadd.s32 s18, s14;
	s11 =	sadd.s32 $0x51000, s11  }
0xf: {  	s21 =	sadd.s32 s18, s15;
	s22 =	sadd.s32 s18, s16;
	s23 =	sadd.s32 s18, s17  }
0x10: {  	s18 =	simm.s32 $0x100;
	[dreg:$0x4] =	wrdreg s11;
	s19 =	sshrl.u32 s14, $0x3  }
0x11: {  	s24 =	sshrl.u32 s22, $0x3;
	s25 =	sshrl.u32 s23, $0x3;
	s26 =	smax.u32 s13, $0x1  }
0x12: {  	s22 =	simm.s32 $0x2100;
	s23 =	simm.s32 $0x4100;
	s11 =	simm.s32 $0x41C0  }
0x13: {  	s13 =	simm.s32 $0x0;
	s10 =	sadd.s32 s2, s10;
	s2 =	sshrl.u32 s12, $0x3  }
0x14: {  	s20 =	sadd.s32 s0, s19;
	[dreg:$0xa] =	wrdreg s26;
	s19 =	simm.s32 $0x6  }
0x15: {  	s26 =	simm.s32 $0x6200;
	s2 =	sadd.s32 s0, s2;
	[dreg:$0x6] =	wrdreg s20  }
0x16: {  	s12 =	simm.s32 $0x5;
	[dreg:$0x5] =	wrdreg s2;
	s2 =	sshrl.u32 s21, $0x3  }
0x17: {  	s20 =	simm.s32 $0x3;
	s21 =	simm.s32 $0x40;
	s2 =	sadd.s32 s0, s2  }
0x18: {  	[dreg:$0x7] =	wrdreg s2;
	s2 =	sadd.s32 s0, s24;
	s0 =	sadd.s32 s0, s25  }
0x19: {  	s24 =	simm.s32 $0x4200;
	s25 =	simm.s32 $0x4140;
	[dreg:$0x8] =	wrdreg s2  }
0x1a: {  	v0 =	vimm.f32 $0.0e+00;
	[dreg:$0x9] =	wrdreg s0;
	s0 =	simm.s32 $0x2;
	s2 =	simm.s32 $0x4180  }
.LBB2_1:
0x1b: {  	s14 =	sand.u32 $0xFE00, s3  }
0x1c: {  	s15 =	sand.u32 $0x70, s3;
	s16 =	sshrl.u32 s14, $0x2  }
0x1d: {  	s14 =	simm.s32 $0x40;
	s16 =	sor.u32 s15, s16;
	s15 =	simm.s32 $0x0  }
.LBB2_2:
0x1e: {  	p0 =	sne.s32 s14, $0xFFC0  }
0x1f: {  	[tilespmem:s16+$0x100] =	vst v0;
	s15 =	sadd.s32 $0x10, s15;
	s16 =	smov.u32 s14;
	s14 =	sadd.s32 $0x40, s14  }
.Ltmp0:
0x20: {  	(pc) =	sbr.rel @p0 .LBB2_2-.Ltmp0, $4  }
0x21: {  	_ = 	snop  }
0x22: {  	s16 =	sand.u32 $0xFE00, s16  }
0x23: {  	s17 =	sand.u32 $0x70, s15;
	s16 =	sshrl.u32 s16, $0x2  }
0x24: {  	s16 =	sor.u32 s17, s16  }
0x25: {  	[tilespmem:s16+$0x100] =	vst v0  }
0x26: {  	[spmem:s4] =	stream.linear.scatter [tilespmem:s18], [sflag:$0x6], $0x4000, $0x38;
	[tilespmem:$0x1C200] =	vst v63  }
0x27: {  	_ =	swait.ge [sflag:s19], $0x4000  }
0x28: {  	[sflag:s19] =	ssyncset.done $0x0  }
0x29: {  	[sflag:s19] =	ssyncadd.s32 $0xFFFFC000  }
0x2a: {  	[spmem:s5] =	stream.linear.scatter [tilespmem:s18], [sflag:$0x6], $0x4000, $0x38;
	[tilespmem:$0x1C200] =	vst v63  }
0x2b: {  	_ =	swait.ge [sflag:s19], $0x4000  }
0x2c: {  	[sflag:s19] =	ssyncset.done $0x0  }
0x2d: {  	[sflag:s19] =	ssyncadd.s32 $0xFFFFC000  }
0x2e: {  	[spmem:s6] =	stream.linear.scatter [tilespmem:s18], [sflag:$0x6], $0x4000, $0x38;
	[tilespmem:$0x1C200] =	vst v63  }
0x2f: {  	_ =	swait.ge [sflag:s19], $0x4000  }
0x30: {  	[sflag:s19] =	ssyncset.done $0x0  }
0x31: {  	[sflag:s19] =	ssyncadd.s32 $0xFFFFC000  }
0x32: {  	[spmem:s7] =	stream.linear.scatter [tilespmem:s18], [sflag:$0x6], $0x4000, $0x38;
	[tilespmem:$0x1C200] =	vst v63  }
0x33: {  	_ =	swait.ge [sflag:s19], $0x4000  }
0x34: {  	[sflag:s19] =	ssyncset.done $0x0  }
0x35: {  	[sflag:s19] =	ssyncadd.s32 $0xFFFFC000  }
0x36: {  	[spmem:s8] =	stream.linear.scatter [tilespmem:s18], [sflag:$0x6], $0x4000, $0x38;
	[tilespmem:$0x1C200] =	vst v63  }
0x37: {  	_ =	swait.ge [sflag:s19], $0x4000  }
0x38: {  	[sflag:s19] =	ssyncset.done $0x0  }
0x39: {  	[sflag:s19] =	ssyncadd.s32 $0xFFFFC000  }
0x3a: {  	[bflag:$0x0] =	sbarrier.arrive $0xFFFF  }
0x3b: {  	[tilespmem:s3], [sflag:$0x3] =	stream.linear.gather [hbm4b:s9+s3], $0x100, $0x38;
	[tilespmem:$0x1C200] =	vst v63  }
0x3c: {  	_ =	swait.ge [sflag:s20], $0x100  }
0x3d: {  	[sflag:s20] =	ssyncset.done $0x0  }
0x3e: {  	[sflag:s20] =	ssyncadd.s32 $0xFFFFFF00  }
0x3f: {  	[tilespmem:s18], [sflag:$0x1] =	stream.indirect.gather [hbm4b:s10+s21], $0x80, s3, s21, $0xb8;
	[tilespmem:$0x1C200] =	vst v63  }
0x40: {  	_ = 	snop  }
0x41: {  	[tilespmem:s22], [sflag:$0x1] =	stream.indirect.gather [hbm4b:s10+s21], $0x80, s21, s21, $0xb8;
	[tilespmem:$0x1C200] =	vst v63  }
0x42: {  	s14 =	rddreg [dreg:$0x4]  }
0x43: {  	[tilespmem:s23], [sflag:$0x3] =	stream.linear.gather [hbm4b:s14+s3], $0x100, $0x38;
	[tilespmem:$0x1C200] =	vst v63  }
0x44: {  	_ =	swait.ge [sflag:s20], $0x100  }
0x45: {  	[sflag:s20] =	ssyncset.done $0x0  }
0x46: {  	[sflag:s20] =	ssyncadd.s32 $0xFFFFFF00  }
0x47: {  	[tilespmem:s24], [sflag:$0x2] =	stream.indirect.gather [hbm4b:s10+s21], $0x80, s23, s21, $0xb8;
	[tilespmem:$0x1C200] =	vst v63  }
0x48: {  	_ = 	snop  }
0x49: {  	[tilespmem:s26], [sflag:$0x2] =	stream.indirect.gather [hbm4b:s10+s21], $0x80, s25, s21, $0xb8;
	[tilespmem:$0x1C200] =	vst v63  }
0x4a: {  	_ =	swait.ge [sflag:s28], $0x2000  }
0x4b: {  	[sflag:s28] =	ssyncset.done $0x0  }
0x4c: {  	[sflag:s28] =	ssyncadd.s32 $0xFFFFE000  }
0x4d: {  	_ =	swait.ge [sflag:s28], $0x2000  }
0x4e: {  	[sflag:s28] =	ssyncset.done $0x0  }
0x4f: {  	[sflag:s28] =	ssyncadd.s32 $0xFFFFE000  }
0x50: {  	[spmem:s1] =	stream.indirect.scatter.add.f32 [tilespmem:s18], [sflag:$0x4], $0x80, s29, s21, $0xb8;
	[tilespmem:$0x1C200] =	vst v63  }
0x51: {  	_ = 	snop  }
0x52: {  	[spmem:s1] =	stream.indirect.scatter.add.f32 [tilespmem:s22], [sflag:$0x4], $0x80, s30, s21, $0xb8;
	[tilespmem:$0x1C200] =	vst v63  }
0x53: {  	_ =	swait.ge [sflag:s31], $0x2000  }
0x54: {  	[sflag:s31] =	ssyncset.done $0x0  }
0x55: {  	[sflag:s31] =	ssyncadd.s32 $0xFFFFE000  }
0x56: {  	_ =	swait.ge [sflag:s31], $0x2000  }
0x57: {  	s17 =	sadd.s32 $0xFFFF6400, s9;
	[sflag:s31] =	ssyncset.done $0x0  }
0x58: {  	s15 =	sadd.s32 $0xA000, s17;
	[sflag:s31] =	ssyncadd.s32 $0xFFFFE000  }
0x59: {  	[tilespmem:s3], [sflag:$0x3] =	stream.linear.gather [hbm4b:s15+s3], $0x100, $0x38;
	[tilespmem:$0x1C200] =	vst v63  }
0x5a: {  	_ =	swait.ge [sflag:s20], $0x100  }
0x5b: {  	[sflag:s20] =	ssyncset.done $0x0  }
0x5c: {  	[sflag:s20] =	ssyncadd.s32 $0xFFFFFF00  }
0x5d: {  	[tilespmem:s18], [sflag:$0x1] =	stream.indirect.gather [hbm4b:s10+s21], $0x80, s3, s21, $0xb8;
	[tilespmem:$0x1C200] =	vst v63  }
0x5e: {  	_ = 	snop  }
0x5f: {  	[tilespmem:s22], [sflag:$0x1] =	stream.indirect.gather [hbm4b:s10+s21], $0x80, s21, s21, $0xb8;
	[tilespmem:$0x1C200] =	vst v63  }
0x60: {  	_ =	swait.ge [sflag:s0], $0x2000  }
0x61: {  	[sflag:s0] =	ssyncset.done $0x0  }
0x62: {  	[sflag:s0] =	ssyncadd.s32 $0xFFFFE000  }
0x63: {  	_ =	swait.ge [sflag:s0], $0x2000  }
0x64: {  	[sflag:s0] =	ssyncset.done $0x0  }
0x65: {  	[sflag:s0] =	ssyncadd.s32 $0xFFFFE000  }
0x66: {  	[spmem:s1] =	stream.indirect.scatter.add.f32 [tilespmem:s24], [sflag:$0x5], $0x80, s2, s21, $0xb8;
	[tilespmem:$0x1C200] =	vst v63  }
0x67: {  	_ = 	snop  }
0x68: {  	[spmem:s1] =	stream.indirect.scatter.add.f32 [tilespmem:s26], [sflag:$0x5], $0x80, s11, s21, $0xb8;
	[tilespmem:$0x1C200] =	vst v63  }
0x69: {  	_ =	swait.ge [sflag:s12], $0x2000  }
0x6a: {  	[sflag:s12] =	ssyncset.done $0x0  }
0x6b: {  	[sflag:s12] =	ssyncadd.s32 $0xFFFFE000  }
0x6c: {  	_ =	swait.ge [sflag:s12], $0x2000  }
0x6d: {  	[sflag:s12] =	ssyncset.done $0x0  }
0x6e: {  	s14 =	sadd.s32 $0xA200, s17;
	[sflag:s12] =	ssyncadd.s32 $0xFFFFE000  }
0x6f: {  	[tilespmem:s23], [sflag:$0x3] =	stream.linear.gather [hbm4b:s14+s3], $0x100, $0x38;
	[tilespmem:$0x1C200] =	vst v63  }
0x70: {  	_ =	swait.ge [sflag:s20], $0x100  }
0x71: {  	[sflag:s20] =	ssyncset.done $0x0  }
0x72: {  	[sflag:s20] =	ssyncadd.s32 $0xFFFFFF00  }
0x73: {  	[tilespmem:s24], [sflag:$0x2] =	stream.indirect.gather [hbm4b:s10+s21], $0x80, s23, s21, $0xb8;
	[tilespmem:$0x1C200] =	vst v63  }
0x74: {  	_ = 	snop  }
0x75: {  	[tilespmem:s26], [sflag:$0x2] =	stream.indirect.gather [hbm4b:s10+s21], $0x80, s25, s21, $0xb8;
	[tilespmem:$0x1C200] =	vst v63  }
0x76: {  	_ =	swait.ge [sflag:s28], $0x2000  }
0x77: {  	[sflag:s28] =	ssyncset.done $0x0  }
0x78: {  	[sflag:s28] =	ssyncadd.s32 $0xFFFFE000  }
0x79: {  	_ =	swait.ge [sflag:s28], $0x2000  }
0x7a: {  	[sflag:s28] =	ssyncset.done $0x0  }
0x7b: {  	s14 =	simm.s32 $0xFFFF6800;
	[sflag:s28] =	ssyncadd.s32 $0xFFFFE000  }
0x7c: {  	[spmem:s1] =	stream.indirect.scatter.add.f32 [tilespmem:s18], [sflag:$0x4], $0x80, s29, s21, $0xb8;
	[tilespmem:$0x1C200] =	vst v63  }
.LBB2_4:
0x7d: {  	[spmem:s1] =	stream.indirect.scatter.add.f32 [tilespmem:s22], [sflag:$0x4], $0x80, s30, s21, $0xb8;
	[tilespmem:$0x1C200] =	vst v63  }
0x7e: {  	s15 =	smov.u32 s14  }
0x7f: {  	p0 =	sne.s32 s14, $0xFFFFFC00;
	s14 =	sadd.s32 $0x400, s14;
	_ =	swait.ge [sflag:s31], $0x2000  }
0x80: {  	[sflag:s31] =	ssyncset.done $0x0  }
0x81: {  	[sflag:s31] =	ssyncadd.s32 $0xFFFFE000  }
0x82: {  	_ =	swait.ge [sflag:s31], $0x2000  }
0x83: {  	s15 =	sadd.s32 s15, s9;
	[sflag:s31] =	ssyncset.done $0x0  }
0x84: {  	s16 =	sadd.s32 $0xA000, s15;
	[sflag:s31] =	ssyncadd.s32 $0xFFFFE000  }
0x85: {  	[tilespmem:s3], [sflag:$0x3] =	stream.linear.gather [hbm4b:s16+s3], $0x100, $0x38;
	[tilespmem:$0x1C200] =	vst v63  }
0x86: {  	_ =	swait.ge [sflag:s20], $0x100  }
0x87: {  	[sflag:s20] =	ssyncset.done $0x0  }
0x88: {  	[sflag:s20] =	ssyncadd.s32 $0xFFFFFF00  }
0x89: {  	[tilespmem:s18], [sflag:$0x1] =	stream.indirect.gather [hbm4b:s10+s21], $0x80, s3, s21, $0xb8;
	[tilespmem:$0x1C200] =	vst v63  }
0x8a: {  	_ = 	snop  }
0x8b: {  	[tilespmem:s22], [sflag:$0x1] =	stream.indirect.gather [hbm4b:s10+s21], $0x80, s21, s21, $0xb8;
	[tilespmem:$0x1C200] =	vst v63  }
0x8c: {  	_ =	swait.ge [sflag:s0], $0x2000  }
0x8d: {  	[sflag:s0] =	ssyncset.done $0x0  }
0x8e: {  	[sflag:s0] =	ssyncadd.s32 $0xFFFFE000  }
0x8f: {  	_ =	swait.ge [sflag:s0], $0x2000  }
0x90: {  	[sflag:s0] =	ssyncset.done $0x0  }
0x91: {  	[sflag:s0] =	ssyncadd.s32 $0xFFFFE000  }
0x92: {  	[spmem:s1] =	stream.indirect.scatter.add.f32 [tilespmem:s24], [sflag:$0x5], $0x80, s2, s21, $0xb8;
	[tilespmem:$0x1C200] =	vst v63  }
0x93: {  	_ = 	snop  }
0x94: {  	[spmem:s1] =	stream.indirect.scatter.add.f32 [tilespmem:s26], [sflag:$0x5], $0x80, s11, s21, $0xb8;
	[tilespmem:$0x1C200] =	vst v63  }
0x95: {  	_ =	swait.ge [sflag:s12], $0x2000  }
0x96: {  	[sflag:s12] =	ssyncset.done $0x0  }
0x97: {  	[sflag:s12] =	ssyncadd.s32 $0xFFFFE000  }
0x98: {  	_ =	swait.ge [sflag:s12], $0x2000  }
0x99: {  	[sflag:s12] =	ssyncset.done $0x0  }
0x9a: {  	s15 =	sadd.s32 $0xA200, s15;
	[sflag:s12] =	ssyncadd.s32 $0xFFFFE000  }
0x9b: {  	[tilespmem:s23], [sflag:$0x3] =	stream.linear.gather [hbm4b:s15+s3], $0x100, $0x38;
	[tilespmem:$0x1C200] =	vst v63  }
0x9c: {  	_ =	swait.ge [sflag:s20], $0x100  }
0x9d: {  	[sflag:s20] =	ssyncset.done $0x0  }
0x9e: {  	[sflag:s20] =	ssyncadd.s32 $0xFFFFFF00  }
0x9f: {  	[tilespmem:s24], [sflag:$0x2] =	stream.indirect.gather [hbm4b:s10+s21], $0x80, s23, s21, $0xb8;
	[tilespmem:$0x1C200] =	vst v63  }
0xa0: {  	_ = 	snop  }
0xa1: {  	[tilespmem:s26], [sflag:$0x2] =	stream.indirect.gather [hbm4b:s10+s21], $0x80, s25, s21, $0xb8;
	[tilespmem:$0x1C200] =	vst v63  }
0xa2: {  	_ =	swait.ge [sflag:s28], $0x2000  }
0xa3: {  	[sflag:s28] =	ssyncset.done $0x0  }
.Ltmp1:
0xa4: {  	[sflag:s28] =	ssyncadd.s32 $0xFFFFE000;
	(pc) =	sbr.rel @p0 .LBB2_4-.Ltmp1, $4  }
0xa5: {  	_ =	swait.ge [sflag:s28], $0x2000  }
0xa6: {  	[sflag:s28] =	ssyncset.done $0x0  }
0xa7: {  	[sflag:s28] =	ssyncadd.s32 $0xFFFFE000  }
0xa8: {  	[spmem:s1] =	stream.indirect.scatter.add.f32 [tilespmem:s18], [sflag:$0x4], $0x80, s29, s21, $0xb8;
	[tilespmem:$0x1C200] =	vst v63  }
0xa9: {  	[spmem:s1] =	stream.indirect.scatter.add.f32 [tilespmem:s22], [sflag:$0x4], $0x80, s30, s21, $0xb8;
	[tilespmem:$0x1C200] =	vst v63  }
0xaa: {  	_ =	swait.ge [sflag:s31], $0x2000  }
0xab: {  	[sflag:s31] =	ssyncset.done $0x0  }
0xac: {  	[sflag:s31] =	ssyncadd.s32 $0xFFFFE000  }
0xad: {  	_ =	swait.ge [sflag:s31], $0x2000  }
0xae: {  	[sflag:s31] =	ssyncset.done $0x0  }
0xaf: {  	[sflag:s31] =	ssyncadd.s32 $0xFFFFE000  }
0xb0: {  	_ =	swait.ge [sflag:s0], $0x2000  }
0xb1: {  	[sflag:s0] =	ssyncset.done $0x0  }
0xb2: {  	[sflag:s0] =	ssyncadd.s32 $0xFFFFE000  }
0xb3: {  	_ =	swait.ge [sflag:s0], $0x2000  }
0xb4: {  	[sflag:s0] =	ssyncset.done $0x0  }
0xb5: {  	[sflag:s0] =	ssyncadd.s32 $0xFFFFE000  }
0xb6: {  	[spmem:s1] =	stream.indirect.scatter.add.f32 [tilespmem:s24], [sflag:$0x5], $0x80, s2, s21, $0xb8;
	[tilespmem:$0x1C200] =	vst v63  }
0xb7: {  	_ = 	snop  }
0xb8: {  	[spmem:s1] =	stream.indirect.scatter.add.f32 [tilespmem:s26], [sflag:$0x5], $0x80, s11, s21, $0xb8;
	[tilespmem:$0x1C200] =	vst v63  }
0xb9: {  	_ =	swait.ge [sflag:s12], $0x2000  }
0xba: {  	[sflag:s12] =	ssyncset.done $0x0  }
0xbb: {  	[sflag:s12] =	ssyncadd.s32 $0xFFFFE000  }
0xbc: {  	_ =	swait.ge [sflag:s12], $0x2000  }
0xbd: {  	[sflag:s12] =	ssyncset.done $0x0  }
0xbe: {  	[sflag:s12] =	ssyncadd.s32 $0xFFFFE000  }
0xbf: {  	[bflag:$0x0] =	sbarrier.arrive $0xFFFF  }
0xc0: {  	[tilespmem:s18], [sflag:$0x6] =	stream.linear.gather [spmem:s4], $0x4000, $0x38;
	[tilespmem:$0x1C200] =	vst v63  }
0xc1: {  	_ =	swait.ge [sflag:s19], $0x4000  }
0xc2: {  	[sflag:s19] =	ssyncset.done $0x0  }
0xc3: {  	s14 =	rddreg [dreg:$0x5];
	[sflag:s19] =	ssyncadd.s32 $0xFFFFC000  }
0xc4: {  	[hbm4b:s14+s3] =	stream.linear.scatter [tilespmem:s18], [sflag:$0x6], $0x4000, $0x38;
	[tilespmem:$0x1C200] =	vst v63  }
0xc5: {  	_ =	swait.ge [sflag:s19], $0x4000  }
0xc6: {  	[sflag:s19] =	ssyncset.done $0x0  }
0xc7: {  	[sflag:s19] =	ssyncadd.s32 $0xFFFFC000  }
0xc8: {  	[tilespmem:s18], [sflag:$0x6] =	stream.linear.gather [spmem:s5], $0x4000, $0x38;
	[tilespmem:$0x1C200] =	vst v63  }
0xc9: {  	_ =	swait.ge [sflag:s19], $0x4000  }
0xca: {  	[sflag:s19] =	ssyncset.done $0x0  }
0xcb: {  	s16 =	rddreg [dreg:$0x6];
	[sflag:s19] =	ssyncadd.s32 $0xFFFFC000  }
0xcc: {  	[hbm4b:s16+s3] =	stream.linear.scatter [tilespmem:s18], [sflag:$0x6], $0x4000, $0x38;
	[tilespmem:$0x1C200] =	vst v63  }
0xcd: {  	_ =	swait.ge [sflag:s19], $0x4000  }
0xce: {  	[sflag:s19] =	ssyncset.done $0x0  }
0xcf: {  	[sflag:s19] =	ssyncadd.s32 $0xFFFFC000  }
0xd0: {  	[tilespmem:s18], [sflag:$0x6] =	stream.linear.gather [spmem:s6], $0x4000, $0x38;
	[tilespmem:$0x1C200] =	vst v63  }
0xd1: {  	_ =	swait.ge [sflag:s19], $0x4000  }
0xd2: {  	[sflag:s19] =	ssyncset.done $0x0  }
0xd3: {  	s17 =	rddreg [dreg:$0x7];
	[sflag:s19] =	ssyncadd.s32 $0xFFFFC000  }
0xd4: {  	[hbm4b:s17+s3] =	stream.linear.scatter [tilespmem:s18], [sflag:$0x6], $0x4000, $0x38;
	[tilespmem:$0x1C200] =	vst v63  }
0xd5: {  	_ =	swait.ge [sflag:s19], $0x4000  }
0xd6: {  	[sflag:s19] =	ssyncset.done $0x0  }
0xd7: {  	[sflag:s19] =	ssyncadd.s32 $0xFFFFC000  }
0xd8: {  	[tilespmem:s18], [sflag:$0x6] =	stream.linear.gather [spmem:s7], $0x4000, $0x38;
	[tilespmem:$0x1C200] =	vst v63  }
0xd9: {  	_ =	swait.ge [sflag:s19], $0x4000  }
0xda: {  	[sflag:s19] =	ssyncset.done $0x0  }
0xdb: {  	s15 =	rddreg [dreg:$0x8];
	[sflag:s19] =	ssyncadd.s32 $0xFFFFC000  }
0xdc: {  	[hbm4b:s15+s3] =	stream.linear.scatter [tilespmem:s18], [sflag:$0x6], $0x4000, $0x38;
	[tilespmem:$0x1C200] =	vst v63  }
0xdd: {  	_ =	swait.ge [sflag:s19], $0x4000  }
0xde: {  	[sflag:s19] =	ssyncset.done $0x0  }
0xdf: {  	[sflag:s19] =	ssyncadd.s32 $0xFFFFC000  }
0xe0: {  	[tilespmem:s18], [sflag:$0x6] =	stream.linear.gather [spmem:s8], $0x4000, $0x38;
	[tilespmem:$0x1C200] =	vst v63  }
0xe1: {  	_ =	swait.ge [sflag:s19], $0x4000  }
0xe2: {  	[sflag:s19] =	ssyncset.done $0x0  }
0xe3: {  	s16 =	rddreg [dreg:$0x9];
	[sflag:s19] =	ssyncadd.s32 $0xFFFFC000  }
0xe4: {  	[hbm4b:s16+s3] =	stream.linear.scatter [tilespmem:s18], [sflag:$0x6], $0x4000, $0x38;
	[tilespmem:$0x1C200] =	vst v63  }
0xe5: {  	_ =	swait.ge [sflag:s19], $0x4000  }
0xe6: {  	s13 =	sadd.s32 $0x1, s13;
	s17 =	rddreg [dreg:$0xa]  }
0xe7: {  	p0 =	sne.s32 s13, s17  }
.Ltmp2:
0xe8: {  	_ = 	snop;
	(pc) =	sbr.rel @p0 .LBB2_1-.Ltmp2, $3  }
0xe9: {  	_ =	sdelay $0x1  }
0xea: {  	[sflag:s19] =	ssyncset.done $0x0  }
0xeb: {  	[sflag:s19] =	ssyncadd.s32 $0xFFFFC000  }
0xec: {  	_ =	sfence.sel $0x180000  }
0xed: {  	[bflag:$0x0] =	sbarrier.arrive $0xFFFF  }
0xee: {  	_ =	strace $0x9000004A  }
0xef: {  	s0 =	stileid.u32;
	[bflag:$0x2] =	sbarrier.arrive $0xFFFF  }
0xf0: {  	p0 =	sne.s32 s0, $0x0;
	s0 =	rddreg [dreg:$0x3]  }
0xf1: {  	s0 =	sadd.s32 @!p0 $0x100000, s0  }
0xf2: {  	[sflag:s0] =	ssyncadd.tile.s32 @!p0 $0x1;
	_ =	shalt  }
.Lfunc_end2:
_tile_overlayer_lowered:
.L_overlay_start_2:
0xf3: {  	(tag) =	ssettag $0x2  }
0xf4: {  	s0 =	rddreg [dreg:$0x0];
	s2 =	stileid.u32  }
0xf5: {  	s1 =	rddreg [dreg:$0x1];
	p0 =	sne.s32 s2, $0x0  }
0xf6: {  	s3 =	rddreg [dreg:$0x2];
	[bflag:$0x3] =	sbarrier.arrive $0xFFFF;
	s2 =	simm.s32 @!p0 $0x1C06  }
0xf7: {  	[timem:s3], [sflag:s2] =	dma.local @!p0 [hbm:s0], s1  }
0xf8: {  	s0 =	simm.s32 @!p0 $0x6  }
0xf9: {  	_ =	swait.ge @!p0 [sflag:s0], s1  }
0xfa: {  	s1 =	ssub.s32 @!p0 $0x0, s1;
	[sflag:s0] =	ssyncset.done @!p0 $0x0  }
0xfb: {  	[sflag:s0] =	ssyncadd.s32 @!p0 s1  }
0xfc: {  	[bflag:$0x3] =	sbarrier.arrive $0xFFFF  }
0xfd: {  	_ =	shalt  }

</sc_bundles>
